<compile_context>
chip_gen: v7x
topology: tpu7x:2x2x1
jax: 0.10.2.dev20260603
libtpu: 0.0.44.dev20260713+nightly
codegen_flags: <defaults>
</compile_context>

<pallas_src>
import functools

import jax
import jax.numpy as jnp
from jax import lax
from jax.experimental import pallas as pl
from jax.experimental.pallas import tpu as pltpu
from jax.experimental.pallas import tpu_sc as plsc

_N = 10000
_D = 128
_NC = 2
_NS = 16
_CHUNK = 128
_NPAD = 10240
_ROWS = _NPAD // _NS


def _sc_mesh():
    return plsc.VectorSubcoreMesh(core_axis_name="c", subcore_axis_name="s")


def _make_hist(C):
    @functools.partial(
        pl.kernel,
        out_type=jax.ShapeDtypeStruct((_NC, _NPAD, _D), jnp.float32),
        mesh=_sc_mesh(),
        scratch_types=[
            pltpu.VMEM((16, _CHUNK), jnp.int32),
            pltpu.VMEM((_CHUNK, _D), jnp.float32),
            pltpu.VMEM_SHARED((_NPAD, _D), jnp.float32),
        ],
    )
    def hist(dst_hbm, ones_hbm, zeros_hbm, out_hbm, dstv, onesv, acc):
        HC = 16
        c = lax.axis_index("c")
        s = lax.axis_index("s")
        pltpu.sync_copy(ones_hbm, onesv)
        pltpu.sync_copy(zeros_hbm.at[pl.ds(s * _ROWS, _ROWS)],
                        acc.at[pl.ds(s * _ROWS, _ROWS)])
        plsc.subcore_barrier()

        def hist_pipelined(hsem):
            @pl.loop(0, C // HC)
            def _(h):
                pltpu.sync_copy(dst_hbm.at[c, s, pl.ds(h * HC, HC)], dstv)

                @pl.loop(0, HC, step=4)
                def _(j):
                    descs = [
                        pltpu.async_copy(onesv, acc.at[dstv.at[j + k]], hsem,
                                         add=True)
                        for k in range(4)
                    ]
                    for d in descs:
                        d.wait()

        pl.run_scoped(hist_pipelined, pltpu.SemaphoreType.DMA)

        plsc.subcore_barrier()
        pltpu.sync_copy(acc.at[pl.ds(s * _ROWS, _ROWS)],
                        out_hbm.at[c, pl.ds(s * _ROWS, _ROWS)])

    return hist


_IB = 8


def _make_agg(C):
    assert C % _IB == 0

    @functools.partial(
        pl.kernel,
        out_type=jax.ShapeDtypeStruct((_NC, _NPAD, _D), jnp.float32),
        mesh=_sc_mesh(),
        scratch_types=[
            pltpu.VMEM((16, _CHUNK), jnp.int32),
            pltpu.VMEM((16, _CHUNK), jnp.int32),
            pltpu.VMEM_SHARED((_NPAD, _D), jnp.float32),
        ],
    )
    def agg(z_hbm, src_hbm, dst_hbm, zeros_hbm, out_hbm, srcv, dstv, acc):
        HC = 16
        assert C % HC == 0
        c = lax.axis_index("c")
        s = lax.axis_index("s")
        pltpu.sync_copy(zeros_hbm.at[pl.ds(s * _ROWS, _ROWS)],
                        acc.at[pl.ds(s * _ROWS, _ROWS)])
        plsc.subcore_barrier()

        def pipelined(buf0, buf1, sem0):
            @pl.loop(0, C // HC)
            def _(h):
                pltpu.sync_copy(src_hbm.at[c, s, pl.ds(h * HC, HC)], srcv)
                pltpu.sync_copy(dst_hbm.at[c, s, pl.ds(h * HC, HC)], dstv)

                @pl.loop(0, HC, step=2)
                def _(j):
                    g0 = pltpu.async_copy(z_hbm.at[srcv.at[j]], buf0, sem0)
                    g1 = pltpu.async_copy(z_hbm.at[srcv.at[j + 1]], buf1,
                                          sem0)
                    g0.wait()
                    pltpu.sync_copy(buf0, acc.at[dstv.at[j]], add=True)
                    g1.wait()
                    pltpu.sync_copy(buf1, acc.at[dstv.at[j + 1]], add=True)

        pl.run_scoped(pipelined,
                      pltpu.VMEM((_CHUNK, _D), jnp.float32),
                      pltpu.VMEM((_CHUNK, _D), jnp.float32),
                      pltpu.SemaphoreType.DMA)

        plsc.subcore_barrier()
        pltpu.sync_copy(acc.at[pl.ds(s * _ROWS, _ROWS)],
                        out_hbm.at[c, pl.ds(s * _ROWS, _ROWS)])

    return agg


def _tc_first(x, W1, cntp):
    def body(x_ref, w_ref, cnt_ref, out_ref):
        cnt = cnt_ref[0] + cnt_ref[1]
        dinv = lax.rsqrt(cnt + 1.0)[:_N, 0:1]
        h = jnp.dot(x_ref[...], w_ref[...], preferred_element_type=jnp.float32)
        out_ref[...] = h * dinv

    return pl.pallas_call(
        body, out_shape=jax.ShapeDtypeStruct((_N, _D), jnp.float32)
    )(x, W1, cntp)


def _tc_mid(Sp, zt, cntp, b, W2):
    def body(sp_ref, zt_ref, cnt_ref, b_ref, w_ref, out_ref):
        cnt = cnt_ref[0] + cnt_ref[1]
        dinv = lax.rsqrt(cnt + 1.0)[:_N, 0:1]
        S = sp_ref[0, :_N, :] + sp_ref[1, :_N, :] + zt_ref[...]
        h = jnp.maximum(S * dinv + b_ref[...], 0.0)
        out_ref[...] = jnp.dot(
            h, w_ref[...], preferred_element_type=jnp.float32) * dinv

    return pl.pallas_call(
        body, out_shape=jax.ShapeDtypeStruct((_N, _D), jnp.float32)
    )(Sp, zt, cntp, b, W2)


def _tc_last(Sp, zt, cntp, b, Wl, bl):
    def body(sp_ref, zt_ref, cnt_ref, b_ref, wl_ref, bl_ref, out_ref):
        cnt = cnt_ref[0] + cnt_ref[1]
        dinv = lax.rsqrt(cnt + 1.0)[:_N, 0:1]
        S = sp_ref[0, :_N, :] + sp_ref[1, :_N, :] + zt_ref[...]
        h = jnp.maximum(S * dinv + b_ref[...], 0.0)
        out_ref[...] = jnp.dot(
            h, wl_ref[...], preferred_element_type=jnp.float32) + bl_ref[...]

    return pl.pallas_call(
        body, out_shape=jax.ShapeDtypeStruct((_N, Wl.shape[1]), jnp.float32)
    )(Sp, zt, cntp, b, Wl, bl)


def kernel(x, adjacency, W1, b1, W2, b2, Wl, bl):
    E = adjacency.shape[1]
    per = _NC * _NS * _CHUNK
    C = -(-E // per)
    C = -(-C // 16) * 16
    pad = C * per - E

    src = adjacency[0].astype(jnp.int32)
    dst = adjacency[1].astype(jnp.int32)
    fill = jnp.arange(pad, dtype=jnp.int32)
    src = jnp.concatenate([src, (fill * 37) % _N])
    dst = jnp.concatenate([dst, _N + (fill % (_NPAD - _N))])
    src4 = src.reshape(_NC, _NS, C, _CHUNK)
    dst4 = dst.reshape(_NC, _NS, C, _CHUNK)

    zerosD = jnp.zeros((_NPAD, _D), jnp.float32)
    onesD = jnp.ones((_CHUNK, _D), jnp.float32)

    hist = _make_hist(C)
    agg = _make_agg(C)

    cntp = hist(dst4, onesD, zerosD)[:, :, 0:8]
    z1t = _tc_first(x, W1, cntp)
    S1p = agg(z1t, src4, dst4, zerosD)
    z2t = _tc_mid(S1p, z1t, cntp, b1.reshape(1, _D), W2)
    S2p = agg(z2t, src4, dst4, zerosD)
    out = _tc_last(S2p, z2t, cntp, b2.reshape(1, _D), Wl, bl.reshape(1, 2))
    return out

# --- scband reference (transcript-rebuilt; emitter-appended) ---
"""Pipeline reference for scband-gcn-35888746725725 (READ-ONLY COPY).

The authoritative reference and input builder live on the scoring server;
editing this copy changes nothing except your own understanding.
"""

import jax, jax.numpy as jnp
import numpy as np

N_NODES = 10000


def gcn_conv(x, edge_index, W, b, n_nodes):
    # GCNConv: x' = D^{-1/2} (A + I) D^{-1/2} X W + b
    src = edge_index[0]
    dst = edge_index[1]
    loop = jnp.arange(n_nodes, dtype=edge_index.dtype)
    src = jnp.concatenate([src, loop])
    dst = jnp.concatenate([dst, loop])
    deg = jnp.zeros((n_nodes,), dtype=x.dtype).at[dst].add(1.0)
    dinv = jnp.where(deg > 0, 1.0 / jnp.sqrt(deg), 0.0)
    norm = dinv[src] * dinv[dst]
    h = x @ W
    msg = h[src] * norm[:, None]
    out = jax.ops.segment_sum(msg, dst, num_segments=n_nodes)
    return out + b


def setup_inputs(seed: int = 0) -> dict:
    key = jax.random.key(seed)
    ks = jax.random.split(key, 8)
    dim_nodes = 128
    hidden = 128
    n_edges = 320000
    x = jax.random.normal(ks[0], (N_NODES, dim_nodes), dtype=jnp.float32)
    adjacency = jax.random.randint(ks[1], (2, n_edges), 0, N_NODES, dtype=jnp.int64)
    s1 = 1.0 / np.sqrt(dim_nodes)
    s2 = 1.0 / np.sqrt(hidden)
    W1 = jax.random.uniform(ks[2], (dim_nodes, hidden), jnp.float32, -s1, s1)
    b1 = jnp.zeros((hidden,), dtype=jnp.float32)
    W2 = jax.random.uniform(ks[3], (hidden, hidden), jnp.float32, -s2, s2)
    b2 = jnp.zeros((hidden,), dtype=jnp.float32)
    Wl = jax.random.uniform(ks[4], (hidden, 2), jnp.float32, -s2, s2)
    bl = jax.random.uniform(ks[5], (2,), jnp.float32, -s2, s2)
    return {"x": x, "adjacency": adjacency, "W1": W1, "b1": b1, "W2": W2, "b2": b2, "Wl": Wl, "bl": bl}


def reference(x, adjacency, W1, b1, W2, b2, Wl, bl):
    n = x.shape[0]
    h = gcn_conv(x, adjacency, W1, b1, n)
    h = jax.nn.relu(h)
    h = gcn_conv(h, adjacency, W2, b2, n)
    h = jax.nn.relu(h)
    # dropout(p=0.5) is identity in eval mode
    out = h @ Wl + bl
    return out

if __name__ == "__main__":
    import jax
    _d = setup_inputs()
    print(jax.jit(kernel)(*tuple(_d.values())))

</pallas_src>

<mosaic_0001>
#map = affine_map<(d0, d1) -> (0, 0)>
#map1 = affine_map<(d0, d1) -> (0, 0, 0, 0)>
#map2 = affine_map<(d0, d1) -> (0, 0, 0)>
module attributes {stable_mosaic.version = 14 : i64} {
  func.func @agg(%arg0: i32, %arg1: i32, %arg2: memref<10000x128xf32, #tpu.memory_space<hbm>>, %arg3: memref<2x16x80x128xi32, #tpu.memory_space<hbm>>, %arg4: memref<2x16x80x128xi32, #tpu.memory_space<hbm>>, %arg5: memref<10240x128xf32, #tpu.memory_space<hbm>>, %arg6: memref<2x10240x128xf32, #tpu.memory_space<hbm>>, %arg7: memref<16x128xi32, #tpu.memory_space<vmem>>, %arg8: memref<16x128xi32, #tpu.memory_space<vmem>>, %arg9: memref<10240x128xf32, #tpu.memory_space<vmem_shared>>) attributes {dimension_semantics = [#tpu.dimension_semantics<core_parallel>, #tpu.dimension_semantics<subcore_parallel>], iteration_bounds = array<i64: 2, 16>, scalar_prefetch = 0 : i64, scratch_operands = 3 : i64, tpu.core_type = #tpu.core_type<sc_vector_subcore>, window_params = [{transform_indices = #map}, {transform_indices = #map1}, {transform_indices = #map1}, {transform_indices = #map}, {transform_indices = #map2}]} {
    %mul3A = arith.constant 640 : i32
    %mul3A_0 = arith.muli %arg1, %mul3A : i32
    %mul3A_1 = arith.constant 640 : i32
    %mul3A_2 = arith.muli %arg1, %mul3A_1 : i32
    "tpu.region"() ({
      %run_scoped3A = tpu.sem_alloc : memref<!tpu.dma_semaphore, #tpu.memory_space<semaphore_mem>>
      %dma_start3A = arith.constant 0 : i32
      %dma_start3A_8 = tpu.memref_slice %arg9[%mul3A_2, %dma_start3A] : memref<10240x128xf32, #tpu.memory_space<vmem_shared>> -> memref<640x128xf32, #tpu.memory_space<vmem_shared>>
      %dma_start3A_9 = arith.constant 0 : i32
      %dma_start3A_10 = tpu.memref_slice %arg5[%mul3A_0, %dma_start3A_9] : memref<10240x128xf32, #tpu.memory_space<hbm>> -> memref<640x128xf32, #tpu.memory_space<hbm>>
      tpu.enqueue_dma source(%dma_start3A_10 : memref<640x128xf32, #tpu.memory_space<hbm>>) target(%dma_start3A_8 : memref<640x128xf32, #tpu.memory_space<vmem_shared>>) target_semaphore(%run_scoped3A : memref<!tpu.dma_semaphore, #tpu.memory_space<semaphore_mem>>)
      %dma_wait3A = arith.constant 0 : i32
      %dma_wait3A_11 = tpu.memref_slice %arg9[%mul3A_2, %dma_wait3A] : memref<10240x128xf32, #tpu.memory_space<vmem_shared>> -> memref<640x128xf32, #tpu.memory_space<vmem_shared>>
      %dma_wait3A_12 = arith.constant 0 : i32
      %dma_wait3A_13 = tpu.memref_slice %arg5[%mul3A_0, %dma_wait3A_12] : memref<10240x128xf32, #tpu.memory_space<hbm>> -> memref<640x128xf32, #tpu.memory_space<hbm>>
      tpu.wait_dma2 semaphore(%run_scoped3A : memref<!tpu.dma_semaphore, #tpu.memory_space<semaphore_mem>>) src(%dma_wait3A_13 : memref<640x128xf32, #tpu.memory_space<hbm>>) dst(%dma_wait3A_11 : memref<640x128xf32, #tpu.memory_space<vmem_shared>>)
      tpu.yield
    }) : () -> ()
    %barrier3A = arith.constant 0 : index
    tpu.barrier barrier_id(%barrier3A)
    "tpu.region"() ({
      %run_scoped3A = memref.alloca() : memref<128x128xf32, #tpu.memory_space<vmem>>
      %run_scoped3A_8 = memref.alloca() : memref<128x128xf32, #tpu.memory_space<vmem>>
      %run_scoped3A_9 = tpu.sem_alloc : memref<!tpu.dma_semaphore, #tpu.memory_space<semaphore_mem>>
      %scan3A = arith.constant 0 : i32
      %scan3A_10 = arith.constant 5 : i32
      %scan3A_11 = arith.addi %scan3A, %scan3A_10 : i32
      %scan3A_12 = arith.constant 1 : i32
      scf.for %scan3A_14 = %scan3A to %scan3A_11 step %scan3A_12  : i32 {
        %mul3A_15 = arith.constant 1 : i32
        %mul3A_16 = arith.muli %scan3A_14, %mul3A_15 : i32
        %add3A = arith.constant 0 : i32
        %add3A_17 = arith.addi %add3A, %mul3A_16 : i32
        %mul3A_18 = arith.constant 16 : i32
        %mul3A_19 = arith.muli %add3A_17, %mul3A_18 : i32
        "tpu.region"() ({
          %run_scoped3A_27 = tpu.sem_alloc : memref<!tpu.dma_semaphore, #tpu.memory_space<semaphore_mem>>
          %dma_start3A = arith.constant 0 : i32
          %dma_start3A_28 = tpu.memref_slice %arg3[%arg0, %arg1, %mul3A_19, %dma_start3A] : memref<2x16x80x128xi32, #tpu.memory_space<hbm>> -> memref<1x1x16x128xi32, #tpu.memory_space<hbm>>
          %dma_start3A_29 = tpu.memref_squeeze %dma_start3A_28 : memref<1x1x16x128xi32, #tpu.memory_space<hbm>> -> memref<16x128xi32, #tpu.memory_space<hbm>>
          %dma_start3A_30 = arith.constant 0 : i32
          %dma_start3A_31 = tpu.memref_slice %arg3[%arg0, %arg1, %mul3A_19, %dma_start3A_30] : memref<2x16x80x128xi32, #tpu.memory_space<hbm>> -> memref<1x1x16x128xi32, #tpu.memory_space<hbm>>
          %dma_start3A_32 = tpu.memref_squeeze %dma_start3A_31 : memref<1x1x16x128xi32, #tpu.memory_space<hbm>> -> memref<16x128xi32, #tpu.memory_space<hbm>>
          tpu.enqueue_dma source(%dma_start3A_32 : memref<16x128xi32, #tpu.memory_space<hbm>>) target(%arg7 : memref<16x128xi32, #tpu.memory_space<vmem>>) target_semaphore(%run_scoped3A_27 : memref<!tpu.dma_semaphore, #tpu.memory_space<semaphore_mem>>)
          %dma_wait3A = arith.constant 0 : i32
          %dma_wait3A_33 = tpu.memref_slice %arg3[%arg0, %arg1, %mul3A_19, %dma_wait3A] : memref<2x16x80x128xi32, #tpu.memory_space<hbm>> -> memref<1x1x16x128xi32, #tpu.memory_space<hbm>>
          %dma_wait3A_34 = tpu.memref_squeeze %dma_wait3A_33 : memref<1x1x16x128xi32, #tpu.memory_space<hbm>> -> memref<16x128xi32, #tpu.memory_space<hbm>>
          %dma_wait3A_35 = arith.constant 0 : i32
          %dma_wait3A_36 = tpu.memref_slice %arg3[%arg0, %arg1, %mul3A_19, %dma_wait3A_35] : memref<2x16x80x128xi32, #tpu.memory_space<hbm>> -> memref<1x1x16x128xi32, #tpu.memory_space<hbm>>
          %dma_wait3A_37 = tpu.memref_squeeze %dma_wait3A_36 : memref<1x1x16x128xi32, #tpu.memory_space<hbm>> -> memref<16x128xi32, #tpu.memory_space<hbm>>
          tpu.wait_dma2 semaphore(%run_scoped3A_27 : memref<!tpu.dma_semaphore, #tpu.memory_space<semaphore_mem>>) src(%dma_wait3A_37 : memref<16x128xi32, #tpu.memory_space<hbm>>) dst(%arg7 : memref<16x128xi32, #tpu.memory_space<vmem>>)
          tpu.yield
        }) : () -> ()
        %mul3A_20 = arith.constant 16 : i32
        %mul3A_21 = arith.muli %add3A_17, %mul3A_20 : i32
        "tpu.region"() ({
          %run_scoped3A_27 = tpu.sem_alloc : memref<!tpu.dma_semaphore, #tpu.memory_space<semaphore_mem>>
          %dma_start3A = arith.constant 0 : i32
          %dma_start3A_28 = tpu.memref_slice %arg4[%arg0, %arg1, %mul3A_21, %dma_start3A] : memref<2x16x80x128xi32, #tpu.memory_space<hbm>> -> memref<1x1x16x128xi32, #tpu.memory_space<hbm>>
          %dma_start3A_29 = tpu.memref_squeeze %dma_start3A_28 : memref<1x1x16x128xi32, #tpu.memory_space<hbm>> -> memref<16x128xi32, #tpu.memory_space<hbm>>
          %dma_start3A_30 = arith.constant 0 : i32
          %dma_start3A_31 = tpu.memref_slice %arg4[%arg0, %arg1, %mul3A_21, %dma_start3A_30] : memref<2x16x80x128xi32, #tpu.memory_space<hbm>> -> memref<1x1x16x128xi32, #tpu.memory_space<hbm>>
          %dma_start3A_32 = tpu.memref_squeeze %dma_start3A_31 : memref<1x1x16x128xi32, #tpu.memory_space<hbm>> -> memref<16x128xi32, #tpu.memory_space<hbm>>
          tpu.enqueue_dma source(%dma_start3A_32 : memref<16x128xi32, #tpu.memory_space<hbm>>) target(%arg8 : memref<16x128xi32, #tpu.memory_space<vmem>>) target_semaphore(%run_scoped3A_27 : memref<!tpu.dma_semaphore, #tpu.memory_space<semaphore_mem>>)
          %dma_wait3A = arith.constant 0 : i32
          %dma_wait3A_33 = tpu.memref_slice %arg4[%arg0, %arg1, %mul3A_21, %dma_wait3A] : memref<2x16x80x128xi32, #tpu.memory_space<hbm>> -> memref<1x1x16x128xi32, #tpu.memory_space<hbm>>
          %dma_wait3A_34 = tpu.memref_squeeze %dma_wait3A_33 : memref<1x1x16x128xi32, #tpu.memory_space<hbm>> -> memref<16x128xi32, #tpu.memory_space<hbm>>
          %dma_wait3A_35 = arith.constant 0 : i32
          %dma_wait3A_36 = tpu.memref_slice %arg4[%arg0, %arg1, %mul3A_21, %dma_wait3A_35] : memref<2x16x80x128xi32, #tpu.memory_space<hbm>> -> memref<1x1x16x128xi32, #tpu.memory_space<hbm>>
          %dma_wait3A_37 = tpu.memref_squeeze %dma_wait3A_36 : memref<1x1x16x128xi32, #tpu.memory_space<hbm>> -> memref<16x128xi32, #tpu.memory_space<hbm>>
          tpu.wait_dma2 semaphore(%run_scoped3A_27 : memref<!tpu.dma_semaphore, #tpu.memory_space<semaphore_mem>>) src(%dma_wait3A_37 : memref<16x128xi32, #tpu.memory_space<hbm>>) dst(%arg8 : memref<16x128xi32, #tpu.memory_space<vmem>>)
          tpu.yield
        }) : () -> ()
        %scan3A_22 = arith.constant 0 : i32
        %scan3A_23 = arith.constant 8 : i32
        %scan3A_24 = arith.addi %scan3A_22, %scan3A_23 : i32
        %scan3A_25 = arith.constant 1 : i32
        scf.for %scan3A_27 = %scan3A_22 to %scan3A_24 step %scan3A_25  : i32 {
          %mul3A_28 = arith.constant 2 : i32
          %mul3A_29 = arith.muli %scan3A_27, %mul3A_28 : i32
          %add3A_30 = arith.constant 0 : i32
          %add3A_31 = arith.addi %add3A_30, %mul3A_29 : i32
          %dma_start3A = arith.constant 0 : i32
          %dma_start3A_32 = tpu.memref_slice %arg7[%add3A_31, %dma_start3A] : memref<16x128xi32, #tpu.memory_space<vmem>> -> memref<1x128xi32, #tpu.memory_space<vmem>>
          %dma_start3A_33 = tpu.memref_squeeze %dma_start3A_32 : memref<1x128xi32, #tpu.memory_space<vmem>> -> memref<128xi32, #tpu.memory_space<vmem>>
          %dma_start3A_34 = arith.constant 0 : i32
          %dma_start3A_35 = arith.constant 0 : i32
          %dma_start3A_36 = tpu.memref_slice %arg2[%dma_start3A_34, %dma_start3A_35] : memref<10000x128xf32, #tpu.memory_space<hbm>> -> memref<10000x128xf32, #tpu.memory_space<hbm>>
          tpu.enqueue_indirect_dma source(%dma_start3A_36 : memref<10000x128xf32, #tpu.memory_space<hbm>>) target(%run_scoped3A : memref<128x128xf32, #tpu.memory_space<vmem>>) offsets(%dma_start3A_33 : memref<128xi32, #tpu.memory_space<vmem>>) semaphore(%run_scoped3A_9 : memref<!tpu.dma_semaphore, #tpu.memory_space<semaphore_mem>>)
          %add3A_37 = arith.constant 1 : i32
          %add3A_38 = arith.addi %add3A_31, %add3A_37 : i32
          %dma_start3A_39 = arith.constant 0 : i32
          %dma_start3A_40 = tpu.memref_slice %arg7[%add3A_38, %dma_start3A_39] : memref<16x128xi32, #tpu.memory_space<vmem>> -> memref<1x128xi32, #tpu.memory_space<vmem>>
          %dma_start3A_41 = tpu.memref_squeeze %dma_start3A_40 : memref<1x128xi32, #tpu.memory_space<vmem>> -> memref<128xi32, #tpu.memory_space<vmem>>
          %dma_start3A_42 = arith.constant 0 : i32
          %dma_start3A_43 = arith.constant 0 : i32
          %dma_start3A_44 = tpu.memref_slice %arg2[%dma_start3A_42, %dma_start3A_43] : memref<10000x128xf32, #tpu.memory_space<hbm>> -> memref<10000x128xf32, #tpu.memory_space<hbm>>
          tpu.enqueue_indirect_dma source(%dma_start3A_44 : memref<10000x128xf32, #tpu.memory_space<hbm>>) target(%run_scoped3A_8 : memref<128x128xf32, #tpu.memory_space<vmem>>) offsets(%dma_start3A_41 : memref<128xi32, #tpu.memory_space<vmem>>) semaphore(%run_scoped3A_9 : memref<!tpu.dma_semaphore, #tpu.memory_space<semaphore_mem>>)
          %dma_wait3A = arith.constant 0 : i32
          %dma_wait3A_45 = tpu.memref_slice %arg7[%add3A_31, %dma_wait3A] : memref<16x128xi32, #tpu.memory_space<vmem>> -> memref<1x128xi32, #tpu.memory_space<vmem>>
          %dma_wait3A_46 = tpu.memref_squeeze %dma_wait3A_45 : memref<1x128xi32, #tpu.memory_space<vmem>> -> memref<128xi32, #tpu.memory_space<vmem>>
          %dma_wait3A_47 = arith.constant 0 : i32
          %dma_wait3A_48 = arith.constant 0 : i32
          %dma_wait3A_49 = tpu.memref_slice %arg2[%dma_wait3A_47, %dma_wait3A_48] : memref<10000x128xf32, #tpu.memory_space<hbm>> -> memref<10000x128xf32, #tpu.memory_space<hbm>>
          tpu.wait_indirect_dma semaphore(%run_scoped3A_9 : memref<!tpu.dma_semaphore, #tpu.memory_space<semaphore_mem>>) src(%dma_wait3A_49 : memref<10000x128xf32, #tpu.memory_space<hbm>>) dst(%run_scoped3A : memref<128x128xf32, #tpu.memory_space<vmem>>)
          "tpu.region"() ({
            %run_scoped3A_58 = tpu.sem_alloc : memref<!tpu.dma_semaphore, #tpu.memory_space<semaphore_mem>>
            %dma_start3A_59 = arith.constant 0 : i32
            %dma_start3A_60 = tpu.memref_slice %arg8[%add3A_31, %dma_start3A_59] : memref<16x128xi32, #tpu.memory_space<vmem>> -> memref<1x128xi32, #tpu.memory_space<vmem>>
            %dma_start3A_61 = tpu.memref_squeeze %dma_start3A_60 : memref<1x128xi32, #tpu.memory_space<vmem>> -> memref<128xi32, #tpu.memory_space<vmem>>
            %dma_start3A_62 = arith.constant 0 : i32
            %dma_start3A_63 = arith.constant 0 : i32
            %dma_start3A_64 = tpu.memref_slice %arg9[%dma_start3A_62, %dma_start3A_63] : memref<10240x128xf32, #tpu.memory_space<vmem_shared>> -> memref<10240x128xf32, #tpu.memory_space<vmem_shared>>
            tpu.enqueue_indirect_dma source(%run_scoped3A : memref<128x128xf32, #tpu.memory_space<vmem>>) target(%dma_start3A_64 : memref<10240x128xf32, #tpu.memory_space<vmem_shared>>) offsets(%dma_start3A_61 : memref<128xi32, #tpu.memory_space<vmem>>) semaphore(%run_scoped3A_58 : memref<!tpu.dma_semaphore, #tpu.memory_space<semaphore_mem>>) {add = true}
            %dma_wait3A_65 = arith.constant 0 : i32
            %dma_wait3A_66 = tpu.memref_slice %arg8[%add3A_31, %dma_wait3A_65] : memref<16x128xi32, #tpu.memory_space<vmem>> -> memref<1x128xi32, #tpu.memory_space<vmem>>
            %dma_wait3A_67 = tpu.memref_squeeze %dma_wait3A_66 : memref<1x128xi32, #tpu.memory_space<vmem>> -> memref<128xi32, #tpu.memory_space<vmem>>
            %dma_wait3A_68 = arith.constant 0 : i32
            %dma_wait3A_69 = arith.constant 0 : i32
            %dma_wait3A_70 = tpu.memref_slice %arg9[%dma_wait3A_68, %dma_wait3A_69] : memref<10240x128xf32, #tpu.memory_space<vmem_shared>> -> memref<10240x128xf32, #tpu.memory_space<vmem_shared>>
            tpu.wait_indirect_dma semaphore(%run_scoped3A_58 : memref<!tpu.dma_semaphore, #tpu.memory_space<semaphore_mem>>) src(%run_scoped3A : memref<128x128xf32, #tpu.memory_space<vmem>>) dst(%dma_wait3A_70 : memref<10240x128xf32, #tpu.memory_space<vmem_shared>>)
            tpu.yield
          }) : () -> ()
          %dma_wait3A_50 = arith.constant 0 : i32
          %dma_wait3A_51 = tpu.memref_slice %arg7[%add3A_38, %dma_wait3A_50] : memref<16x128xi32, #tpu.memory_space<vmem>> -> memref<1x128xi32, #tpu.memory_space<vmem>>
          %dma_wait3A_52 = tpu.memref_squeeze %dma_wait3A_51 : memref<1x128xi32, #tpu.memory_space<vmem>> -> memref<128xi32, #tpu.memory_space<vmem>>
          %dma_wait3A_53 = arith.constant 0 : i32
          %dma_wait3A_54 = arith.constant 0 : i32
          %dma_wait3A_55 = tpu.memref_slice %arg2[%dma_wait3A_53, %dma_wait3A_54] : memref<10000x128xf32, #tpu.memory_space<hbm>> -> memref<10000x128xf32, #tpu.memory_space<hbm>>
          tpu.wait_indirect_dma semaphore(%run_scoped3A_9 : memref<!tpu.dma_semaphore, #tpu.memory_space<semaphore_mem>>) src(%dma_wait3A_55 : memref<10000x128xf32, #tpu.memory_space<hbm>>) dst(%run_scoped3A_8 : memref<128x128xf32, #tpu.memory_space<vmem>>)
          %add3A_56 = arith.constant 1 : i32
          %add3A_57 = arith.addi %add3A_31, %add3A_56 : i32
          "tpu.region"() ({
            %run_scoped3A_58 = tpu.sem_alloc : memref<!tpu.dma_semaphore, #tpu.memory_space<semaphore_mem>>
            %dma_start3A_59 = arith.constant 0 : i32
            %dma_start3A_60 = tpu.memref_slice %arg8[%add3A_57, %dma_start3A_59] : memref<16x128xi32, #tpu.memory_space<vmem>> -> memref<1x128xi32, #tpu.memory_space<vmem>>
            %dma_start3A_61 = tpu.memref_squeeze %dma_start3A_60 : memref<1x128xi32, #tpu.memory_space<vmem>> -> memref<128xi32, #tpu.memory_space<vmem>>
            %dma_start3A_62 = arith.constant 0 : i32
            %dma_start3A_63 = arith.constant 0 : i32
            %dma_start3A_64 = tpu.memref_slice %arg9[%dma_start3A_62, %dma_start3A_63] : memref<10240x128xf32, #tpu.memory_space<vmem_shared>> -> memref<10240x128xf32, #tpu.memory_space<vmem_shared>>
            tpu.enqueue_indirect_dma source(%run_scoped3A_8 : memref<128x128xf32, #tpu.memory_space<vmem>>) target(%dma_start3A_64 : memref<10240x128xf32, #tpu.memory_space<vmem_shared>>) offsets(%dma_start3A_61 : memref<128xi32, #tpu.memory_space<vmem>>) semaphore(%run_scoped3A_58 : memref<!tpu.dma_semaphore, #tpu.memory_space<semaphore_mem>>) {add = true}
            %dma_wait3A_65 = arith.constant 0 : i32
            %dma_wait3A_66 = tpu.memref_slice %arg8[%add3A_57, %dma_wait3A_65] : memref<16x128xi32, #tpu.memory_space<vmem>> -> memref<1x128xi32, #tpu.memory_space<vmem>>
            %dma_wait3A_67 = tpu.memref_squeeze %dma_wait3A_66 : memref<1x128xi32, #tpu.memory_space<vmem>> -> memref<128xi32, #tpu.memory_space<vmem>>
            %dma_wait3A_68 = arith.constant 0 : i32
            %dma_wait3A_69 = arith.constant 0 : i32
            %dma_wait3A_70 = tpu.memref_slice %arg9[%dma_wait3A_68, %dma_wait3A_69] : memref<10240x128xf32, #tpu.memory_space<vmem_shared>> -> memref<10240x128xf32, #tpu.memory_space<vmem_shared>>
            tpu.wait_indirect_dma semaphore(%run_scoped3A_58 : memref<!tpu.dma_semaphore, #tpu.memory_space<semaphore_mem>>) src(%run_scoped3A_8 : memref<128x128xf32, #tpu.memory_space<vmem>>) dst(%dma_wait3A_70 : memref<10240x128xf32, #tpu.memory_space<vmem_shared>>)
            tpu.yield
          }) : () -> ()
        }
        %scan3A_26 = arith.constant 8 : i32
      }
      %scan3A_13 = arith.constant 5 : i32
      tpu.yield
    }) : () -> ()
    %barrier3A_3 = arith.constant 0 : index
    tpu.barrier barrier_id(%barrier3A_3)
    %mul3A_4 = arith.constant 640 : i32
    %mul3A_5 = arith.muli %arg1, %mul3A_4 : i32
    %mul3A_6 = arith.constant 640 : i32
    %mul3A_7 = arith.muli %arg1, %mul3A_6 : i32
    "tpu.region"() ({
      %run_scoped3A = tpu.sem_alloc : memref<!tpu.dma_semaphore, #tpu.memory_space<semaphore_mem>>
      %dma_start3A = arith.constant 0 : i32
      %dma_start3A_8 = tpu.memref_slice %arg6[%arg0, %mul3A_7, %dma_start3A] : memref<2x10240x128xf32, #tpu.memory_space<hbm>> -> memref<1x640x128xf32, #tpu.memory_space<hbm>>
      %dma_start3A_9 = tpu.memref_squeeze %dma_start3A_8 : memref<1x640x128xf32, #tpu.memory_space<hbm>> -> memref<640x128xf32, #tpu.memory_space<hbm>>
      %dma_start3A_10 = arith.constant 0 : i32
      %dma_start3A_11 = tpu.memref_slice %arg9[%mul3A_5, %dma_start3A_10] : memref<10240x128xf32, #tpu.memory_space<vmem_shared>> -> memref<640x128xf32, #tpu.memory_space<vmem_shared>>
      tpu.enqueue_dma source(%dma_start3A_11 : memref<640x128xf32, #tpu.memory_space<vmem_shared>>) target(%dma_start3A_9 : memref<640x128xf32, #tpu.memory_space<hbm>>) target_semaphore(%run_scoped3A : memref<!tpu.dma_semaphore, #tpu.memory_space<semaphore_mem>>)
      %dma_wait3A = arith.constant 0 : i32
      %dma_wait3A_12 = tpu.memref_slice %arg6[%arg0, %mul3A_7, %dma_wait3A] : memref<2x10240x128xf32, #tpu.memory_space<hbm>> -> memref<1x640x128xf32, #tpu.memory_space<hbm>>
      %dma_wait3A_13 = tpu.memref_squeeze %dma_wait3A_12 : memref<1x640x128xf32, #tpu.memory_space<hbm>> -> memref<640x128xf32, #tpu.memory_space<hbm>>
      %dma_wait3A_14 = arith.constant 0 : i32
      %dma_wait3A_15 = tpu.memref_slice %arg9[%mul3A_5, %dma_wait3A_14] : memref<10240x128xf32, #tpu.memory_space<vmem_shared>> -> memref<640x128xf32, #tpu.memory_space<vmem_shared>>
      tpu.wait_dma2 semaphore(%run_scoped3A : memref<!tpu.dma_semaphore, #tpu.memory_space<semaphore_mem>>) src(%dma_wait3A_15 : memref<640x128xf32, #tpu.memory_space<vmem_shared>>) dst(%dma_wait3A_13 : memref<640x128xf32, #tpu.memory_space<hbm>>)
      tpu.yield
    }) : () -> ()
    return
  }
}

#map = affine_map<(d0, d1) -> (0, 0, 0, 0)>
#map1 = affine_map<(d0, d1) -> (0, 0)>
#map2 = affine_map<(d0, d1) -> (0, 0, 0)>
module attributes {stable_mosaic.version = 14 : i64} {
  func.func @hist(%arg0: i32, %arg1: i32, %arg2: memref<2x16x80x128xi32, #tpu.memory_space<hbm>>, %arg3: memref<128x128xf32, #tpu.memory_space<hbm>>, %arg4: memref<10240x128xf32, #tpu.memory_space<hbm>>, %arg5: memref<2x10240x128xf32, #tpu.memory_space<hbm>>, %arg6: memref<16x128xi32, #tpu.memory_space<vmem>>, %arg7: memref<128x128xf32, #tpu.memory_space<vmem>>, %arg8: memref<10240x128xf32, #tpu.memory_space<vmem_shared>>) attributes {dimension_semantics = [#tpu.dimension_semantics<core_parallel>, #tpu.dimension_semantics<subcore_parallel>], iteration_bounds = array<i64: 2, 16>, scalar_prefetch = 0 : i64, scratch_operands = 3 : i64, tpu.core_type = #tpu.core_type<sc_vector_subcore>, window_params = [{transform_indices = #map}, {transform_indices = #map1}, {transform_indices = #map1}, {transform_indices = #map2}]} {
    "tpu.region"() ({
      %run_scoped3A = tpu.sem_alloc : memref<!tpu.dma_semaphore, #tpu.memory_space<semaphore_mem>>
      tpu.enqueue_dma source(%arg3 : memref<128x128xf32, #tpu.memory_space<hbm>>) target(%arg7 : memref<128x128xf32, #tpu.memory_space<vmem>>) target_semaphore(%run_scoped3A : memref<!tpu.dma_semaphore, #tpu.memory_space<semaphore_mem>>)
      tpu.wait_dma2 semaphore(%run_scoped3A : memref<!tpu.dma_semaphore, #tpu.memory_space<semaphore_mem>>) src(%arg3 : memref<128x128xf32, #tpu.memory_space<hbm>>) dst(%arg7 : memref<128x128xf32, #tpu.memory_space<vmem>>)
      tpu.yield
    }) : () -> ()
    %mul3A = arith.constant 640 : i32
    %mul3A_0 = arith.muli %arg1, %mul3A : i32
    %mul3A_1 = arith.constant 640 : i32
    %mul3A_2 = arith.muli %arg1, %mul3A_1 : i32
    "tpu.region"() ({
      %run_scoped3A = tpu.sem_alloc : memref<!tpu.dma_semaphore, #tpu.memory_space<semaphore_mem>>
      %dma_start3A = arith.constant 0 : i32
      %dma_start3A_8 = tpu.memref_slice %arg8[%mul3A_2, %dma_start3A] : memref<10240x128xf32, #tpu.memory_space<vmem_shared>> -> memref<640x128xf32, #tpu.memory_space<vmem_shared>>
      %dma_start3A_9 = arith.constant 0 : i32
      %dma_start3A_10 = tpu.memref_slice %arg4[%mul3A_0, %dma_start3A_9] : memref<10240x128xf32, #tpu.memory_space<hbm>> -> memref<640x128xf32, #tpu.memory_space<hbm>>
      tpu.enqueue_dma source(%dma_start3A_10 : memref<640x128xf32, #tpu.memory_space<hbm>>) target(%dma_start3A_8 : memref<640x128xf32, #tpu.memory_space<vmem_shared>>) target_semaphore(%run_scoped3A : memref<!tpu.dma_semaphore, #tpu.memory_space<semaphore_mem>>)
      %dma_wait3A = arith.constant 0 : i32
      %dma_wait3A_11 = tpu.memref_slice %arg8[%mul3A_2, %dma_wait3A] : memref<10240x128xf32, #tpu.memory_space<vmem_shared>> -> memref<640x128xf32, #tpu.memory_space<vmem_shared>>
      %dma_wait3A_12 = arith.constant 0 : i32
      %dma_wait3A_13 = tpu.memref_slice %arg4[%mul3A_0, %dma_wait3A_12] : memref<10240x128xf32, #tpu.memory_space<hbm>> -> memref<640x128xf32, #tpu.memory_space<hbm>>
      tpu.wait_dma2 semaphore(%run_scoped3A : memref<!tpu.dma_semaphore, #tpu.memory_space<semaphore_mem>>) src(%dma_wait3A_13 : memref<640x128xf32, #tpu.memory_space<hbm>>) dst(%dma_wait3A_11 : memref<640x128xf32, #tpu.memory_space<vmem_shared>>)
      tpu.yield
    }) : () -> ()
    %barrier3A = arith.constant 0 : index
    tpu.barrier barrier_id(%barrier3A)
    "tpu.region"() ({
      %run_scoped3A = tpu.sem_alloc : memref<!tpu.dma_semaphore, #tpu.memory_space<semaphore_mem>>
      %scan3A = arith.constant 0 : i32
      %scan3A_8 = arith.constant 5 : i32
      %scan3A_9 = arith.addi %scan3A, %scan3A_8 : i32
      %scan3A_10 = arith.constant 1 : i32
      scf.for %scan3A_12 = %scan3A to %scan3A_9 step %scan3A_10  : i32 {
        %mul3A_13 = arith.constant 1 : i32
        %mul3A_14 = arith.muli %scan3A_12, %mul3A_13 : i32
        %add3A = arith.constant 0 : i32
        %add3A_15 = arith.addi %add3A, %mul3A_14 : i32
        %mul3A_16 = arith.constant 16 : i32
        %mul3A_17 = arith.muli %add3A_15, %mul3A_16 : i32
        "tpu.region"() ({
          %run_scoped3A_23 = tpu.sem_alloc : memref<!tpu.dma_semaphore, #tpu.memory_space<semaphore_mem>>
          %dma_start3A = arith.constant 0 : i32
          %dma_start3A_24 = tpu.memref_slice %arg2[%arg0, %arg1, %mul3A_17, %dma_start3A] : memref<2x16x80x128xi32, #tpu.memory_space<hbm>> -> memref<1x1x16x128xi32, #tpu.memory_space<hbm>>
          %dma_start3A_25 = tpu.memref_squeeze %dma_start3A_24 : memref<1x1x16x128xi32, #tpu.memory_space<hbm>> -> memref<16x128xi32, #tpu.memory_space<hbm>>
          %dma_start3A_26 = arith.constant 0 : i32
          %dma_start3A_27 = tpu.memref_slice %arg2[%arg0, %arg1, %mul3A_17, %dma_start3A_26] : memref<2x16x80x128xi32, #tpu.memory_space<hbm>> -> memref<1x1x16x128xi32, #tpu.memory_space<hbm>>
          %dma_start3A_28 = tpu.memref_squeeze %dma_start3A_27 : memref<1x1x16x128xi32, #tpu.memory_space<hbm>> -> memref<16x128xi32, #tpu.memory_space<hbm>>
          tpu.enqueue_dma source(%dma_start3A_28 : memref<16x128xi32, #tpu.memory_space<hbm>>) target(%arg6 : memref<16x128xi32, #tpu.memory_space<vmem>>) target_semaphore(%run_scoped3A_23 : memref<!tpu.dma_semaphore, #tpu.memory_space<semaphore_mem>>)
          %dma_wait3A = arith.constant 0 : i32
          %dma_wait3A_29 = tpu.memref_slice %arg2[%arg0, %arg1, %mul3A_17, %dma_wait3A] : memref<2x16x80x128xi32, #tpu.memory_space<hbm>> -> memref<1x1x16x128xi32, #tpu.memory_space<hbm>>
          %dma_wait3A_30 = tpu.memref_squeeze %dma_wait3A_29 : memref<1x1x16x128xi32, #tpu.memory_space<hbm>> -> memref<16x128xi32, #tpu.memory_space<hbm>>
          %dma_wait3A_31 = arith.constant 0 : i32
          %dma_wait3A_32 = tpu.memref_slice %arg2[%arg0, %arg1, %mul3A_17, %dma_wait3A_31] : memref<2x16x80x128xi32, #tpu.memory_space<hbm>> -> memref<1x1x16x128xi32, #tpu.memory_space<hbm>>
          %dma_wait3A_33 = tpu.memref_squeeze %dma_wait3A_32 : memref<1x1x16x128xi32, #tpu.memory_space<hbm>> -> memref<16x128xi32, #tpu.memory_space<hbm>>
          tpu.wait_dma2 semaphore(%run_scoped3A_23 : memref<!tpu.dma_semaphore, #tpu.memory_space<semaphore_mem>>) src(%dma_wait3A_33 : memref<16x128xi32, #tpu.memory_space<hbm>>) dst(%arg6 : memref<16x128xi32, #tpu.memory_space<vmem>>)
          tpu.yield
        }) : () -> ()
        %scan3A_18 = arith.constant 0 : i32
        %scan3A_19 = arith.constant 4 : i32
        %scan3A_20 = arith.addi %scan3A_18, %scan3A_19 : i32
        %scan3A_21 = arith.constant 1 : i32
        scf.for %scan3A_23 = %scan3A_18 to %scan3A_20 step %scan3A_21  : i32 {
          %mul3A_24 = arith.constant 4 : i32
          %mul3A_25 = arith.muli %scan3A_23, %mul3A_24 : i32
          %add3A_26 = arith.constant 0 : i32
          %add3A_27 = arith.addi %add3A_26, %mul3A_25 : i32
          %add3A_28 = arith.constant 0 : i32
          %add3A_29 = arith.addi %add3A_27, %add3A_28 : i32
          %dma_start3A = arith.constant 0 : i32
          %dma_start3A_30 = tpu.memref_slice %arg6[%add3A_29, %dma_start3A] : memref<16x128xi32, #tpu.memory_space<vmem>> -> memref<1x128xi32, #tpu.memory_space<vmem>>
          %dma_start3A_31 = tpu.memref_squeeze %dma_start3A_30 : memref<1x128xi32, #tpu.memory_space<vmem>> -> memref<128xi32, #tpu.memory_space<vmem>>
          %dma_start3A_32 = arith.constant 0 : i32
          %dma_start3A_33 = arith.constant 0 : i32
          %dma_start3A_34 = tpu.memref_slice %arg8[%dma_start3A_32, %dma_start3A_33] : memref<10240x128xf32, #tpu.memory_space<vmem_shared>> -> memref<10240x128xf32, #tpu.memory_space<vmem_shared>>
          tpu.enqueue_indirect_dma source(%arg7 : memref<128x128xf32, #tpu.memory_space<vmem>>) target(%dma_start3A_34 : memref<10240x128xf32, #tpu.memory_space<vmem_shared>>) offsets(%dma_start3A_31 : memref<128xi32, #tpu.memory_space<vmem>>) semaphore(%run_scoped3A : memref<!tpu.dma_semaphore, #tpu.memory_space<semaphore_mem>>) {add = true}
          %add3A_35 = arith.constant 1 : i32
          %add3A_36 = arith.addi %add3A_27, %add3A_35 : i32
          %dma_start3A_37 = arith.constant 0 : i32
          %dma_start3A_38 = tpu.memref_slice %arg6[%add3A_36, %dma_start3A_37] : memref<16x128xi32, #tpu.memory_space<vmem>> -> memref<1x128xi32, #tpu.memory_space<vmem>>
          %dma_start3A_39 = tpu.memref_squeeze %dma_start3A_38 : memref<1x128xi32, #tpu.memory_space<vmem>> -> memref<128xi32, #tpu.memory_space<vmem>>
          %dma_start3A_40 = arith.constant 0 : i32
          %dma_start3A_41 = arith.constant 0 : i32
          %dma_start3A_42 = tpu.memref_slice %arg8[%dma_start3A_40, %dma_start3A_41] : memref<10240x128xf32, #tpu.memory_space<vmem_shared>> -> memref<10240x128xf32, #tpu.memory_space<vmem_shared>>
          tpu.enqueue_indirect_dma source(%arg7 : memref<128x128xf32, #tpu.memory_space<vmem>>) target(%dma_start3A_42 : memref<10240x128xf32, #tpu.memory_space<vmem_shared>>) offsets(%dma_start3A_39 : memref<128xi32, #tpu.memory_space<vmem>>) semaphore(%run_scoped3A : memref<!tpu.dma_semaphore, #tpu.memory_space<semaphore_mem>>) {add = true}
          %add3A_43 = arith.constant 2 : i32
          %add3A_44 = arith.addi %add3A_27, %add3A_43 : i32
          %dma_start3A_45 = arith.constant 0 : i32
          %dma_start3A_46 = tpu.memref_slice %arg6[%add3A_44, %dma_start3A_45] : memref<16x128xi32, #tpu.memory_space<vmem>> -> memref<1x128xi32, #tpu.memory_space<vmem>>
          %dma_start3A_47 = tpu.memref_squeeze %dma_start3A_46 : memref<1x128xi32, #tpu.memory_space<vmem>> -> memref<128xi32, #tpu.memory_space<vmem>>
          %dma_start3A_48 = arith.constant 0 : i32
          %dma_start3A_49 = arith.constant 0 : i32
          %dma_start3A_50 = tpu.memref_slice %arg8[%dma_start3A_48, %dma_start3A_49] : memref<10240x128xf32, #tpu.memory_space<vmem_shared>> -> memref<10240x128xf32, #tpu.memory_space<vmem_shared>>
          tpu.enqueue_indirect_dma source(%arg7 : memref<128x128xf32, #tpu.memory_space<vmem>>) target(%dma_start3A_50 : memref<10240x128xf32, #tpu.memory_space<vmem_shared>>) offsets(%dma_start3A_47 : memref<128xi32, #tpu.memory_space<vmem>>) semaphore(%run_scoped3A : memref<!tpu.dma_semaphore, #tpu.memory_space<semaphore_mem>>) {add = true}
          %add3A_51 = arith.constant 3 : i32
          %add3A_52 = arith.addi %add3A_27, %add3A_51 : i32
          %dma_start3A_53 = arith.constant 0 : i32
          %dma_start3A_54 = tpu.memref_slice %arg6[%add3A_52, %dma_start3A_53] : memref<16x128xi32, #tpu.memory_space<vmem>> -> memref<1x128xi32, #tpu.memory_space<vmem>>
          %dma_start3A_55 = tpu.memref_squeeze %dma_start3A_54 : memref<1x128xi32, #tpu.memory_space<vmem>> -> memref<128xi32, #tpu.memory_space<vmem>>
          %dma_start3A_56 = arith.constant 0 : i32
          %dma_start3A_57 = arith.constant 0 : i32
          %dma_start3A_58 = tpu.memref_slice %arg8[%dma_start3A_56, %dma_start3A_57] : memref<10240x128xf32, #tpu.memory_space<vmem_shared>> -> memref<10240x128xf32, #tpu.memory_space<vmem_shared>>
          tpu.enqueue_indirect_dma source(%arg7 : memref<128x128xf32, #tpu.memory_space<vmem>>) target(%dma_start3A_58 : memref<10240x128xf32, #tpu.memory_space<vmem_shared>>) offsets(%dma_start3A_55 : memref<128xi32, #tpu.memory_space<vmem>>) semaphore(%run_scoped3A : memref<!tpu.dma_semaphore, #tpu.memory_space<semaphore_mem>>) {add = true}
          %dma_wait3A = arith.constant 0 : i32
          %dma_wait3A_59 = tpu.memref_slice %arg6[%add3A_29, %dma_wait3A] : memref<16x128xi32, #tpu.memory_space<vmem>> -> memref<1x128xi32, #tpu.memory_space<vmem>>
          %dma_wait3A_60 = tpu.memref_squeeze %dma_wait3A_59 : memref<1x128xi32, #tpu.memory_space<vmem>> -> memref<128xi32, #tpu.memory_space<vmem>>
          %dma_wait3A_61 = arith.constant 0 : i32
          %dma_wait3A_62 = arith.constant 0 : i32
          %dma_wait3A_63 = tpu.memref_slice %arg8[%dma_wait3A_61, %dma_wait3A_62] : memref<10240x128xf32, #tpu.memory_space<vmem_shared>> -> memref<10240x128xf32, #tpu.memory_space<vmem_shared>>
          tpu.wait_indirect_dma semaphore(%run_scoped3A : memref<!tpu.dma_semaphore, #tpu.memory_space<semaphore_mem>>) src(%arg7 : memref<128x128xf32, #tpu.memory_space<vmem>>) dst(%dma_wait3A_63 : memref<10240x128xf32, #tpu.memory_space<vmem_shared>>)
          %dma_wait3A_64 = arith.constant 0 : i32
          %dma_wait3A_65 = tpu.memref_slice %arg6[%add3A_36, %dma_wait3A_64] : memref<16x128xi32, #tpu.memory_space<vmem>> -> memref<1x128xi32, #tpu.memory_space<vmem>>
          %dma_wait3A_66 = tpu.memref_squeeze %dma_wait3A_65 : memref<1x128xi32, #tpu.memory_space<vmem>> -> memref<128xi32, #tpu.memory_space<vmem>>
          %dma_wait3A_67 = arith.constant 0 : i32
          %dma_wait3A_68 = arith.constant 0 : i32
          %dma_wait3A_69 = tpu.memref_slice %arg8[%dma_wait3A_67, %dma_wait3A_68] : memref<10240x128xf32, #tpu.memory_space<vmem_shared>> -> memref<10240x128xf32, #tpu.memory_space<vmem_shared>>
          tpu.wait_indirect_dma semaphore(%run_scoped3A : memref<!tpu.dma_semaphore, #tpu.memory_space<semaphore_mem>>) src(%arg7 : memref<128x128xf32, #tpu.memory_space<vmem>>) dst(%dma_wait3A_69 : memref<10240x128xf32, #tpu.memory_space<vmem_shared>>)
          %dma_wait3A_70 = arith.constant 0 : i32
          %dma_wait3A_71 = tpu.memref_slice %arg6[%add3A_44, %dma_wait3A_70] : memref<16x128xi32, #tpu.memory_space<vmem>> -> memref<1x128xi32, #tpu.memory_space<vmem>>
          %dma_wait3A_72 = tpu.memref_squeeze %dma_wait3A_71 : memref<1x128xi32, #tpu.memory_space<vmem>> -> memref<128xi32, #tpu.memory_space<vmem>>
          %dma_wait3A_73 = arith.constant 0 : i32
          %dma_wait3A_74 = arith.constant 0 : i32
          %dma_wait3A_75 = tpu.memref_slice %arg8[%dma_wait3A_73, %dma_wait3A_74] : memref<10240x128xf32, #tpu.memory_space<vmem_shared>> -> memref<10240x128xf32, #tpu.memory_space<vmem_shared>>
          tpu.wait_indirect_dma semaphore(%run_scoped3A : memref<!tpu.dma_semaphore, #tpu.memory_space<semaphore_mem>>) src(%arg7 : memref<128x128xf32, #tpu.memory_space<vmem>>) dst(%dma_wait3A_75 : memref<10240x128xf32, #tpu.memory_space<vmem_shared>>)
          %dma_wait3A_76 = arith.constant 0 : i32
          %dma_wait3A_77 = tpu.memref_slice %arg6[%add3A_52, %dma_wait3A_76] : memref<16x128xi32, #tpu.memory_space<vmem>> -> memref<1x128xi32, #tpu.memory_space<vmem>>
          %dma_wait3A_78 = tpu.memref_squeeze %dma_wait3A_77 : memref<1x128xi32, #tpu.memory_space<vmem>> -> memref<128xi32, #tpu.memory_space<vmem>>
          %dma_wait3A_79 = arith.constant 0 : i32
          %dma_wait3A_80 = arith.constant 0 : i32
          %dma_wait3A_81 = tpu.memref_slice %arg8[%dma_wait3A_79, %dma_wait3A_80] : memref<10240x128xf32, #tpu.memory_space<vmem_shared>> -> memref<10240x128xf32, #tpu.memory_space<vmem_shared>>
          tpu.wait_indirect_dma semaphore(%run_scoped3A : memref<!tpu.dma_semaphore, #tpu.memory_space<semaphore_mem>>) src(%arg7 : memref<128x128xf32, #tpu.memory_space<vmem>>) dst(%dma_wait3A_81 : memref<10240x128xf32, #tpu.memory_space<vmem_shared>>)
        }
        %scan3A_22 = arith.constant 4 : i32
      }
      %scan3A_11 = arith.constant 5 : i32
      tpu.yield
    }) : () -> ()
    %barrier3A_3 = arith.constant 0 : index
    tpu.barrier barrier_id(%barrier3A_3)
    %mul3A_4 = arith.constant 640 : i32
    %mul3A_5 = arith.muli %arg1, %mul3A_4 : i32
    %mul3A_6 = arith.constant 640 : i32
    %mul3A_7 = arith.muli %arg1, %mul3A_6 : i32
    "tpu.region"() ({
      %run_scoped3A = tpu.sem_alloc : memref<!tpu.dma_semaphore, #tpu.memory_space<semaphore_mem>>
      %dma_start3A = arith.constant 0 : i32
      %dma_start3A_8 = tpu.memref_slice %arg5[%arg0, %mul3A_7, %dma_start3A] : memref<2x10240x128xf32, #tpu.memory_space<hbm>> -> memref<1x640x128xf32, #tpu.memory_space<hbm>>
      %dma_start3A_9 = tpu.memref_squeeze %dma_start3A_8 : memref<1x640x128xf32, #tpu.memory_space<hbm>> -> memref<640x128xf32, #tpu.memory_space<hbm>>
      %dma_start3A_10 = arith.constant 0 : i32
      %dma_start3A_11 = tpu.memref_slice %arg8[%mul3A_5, %dma_start3A_10] : memref<10240x128xf32, #tpu.memory_space<vmem_shared>> -> memref<640x128xf32, #tpu.memory_space<vmem_shared>>
      tpu.enqueue_dma source(%dma_start3A_11 : memref<640x128xf32, #tpu.memory_space<vmem_shared>>) target(%dma_start3A_9 : memref<640x128xf32, #tpu.memory_space<hbm>>) target_semaphore(%run_scoped3A : memref<!tpu.dma_semaphore, #tpu.memory_space<semaphore_mem>>)
      %dma_wait3A = arith.constant 0 : i32
      %dma_wait3A_12 = tpu.memref_slice %arg5[%arg0, %mul3A_7, %dma_wait3A] : memref<2x10240x128xf32, #tpu.memory_space<hbm>> -> memref<1x640x128xf32, #tpu.memory_space<hbm>>
      %dma_wait3A_13 = tpu.memref_squeeze %dma_wait3A_12 : memref<1x640x128xf32, #tpu.memory_space<hbm>> -> memref<640x128xf32, #tpu.memory_space<hbm>>
      %dma_wait3A_14 = arith.constant 0 : i32
      %dma_wait3A_15 = tpu.memref_slice %arg8[%mul3A_5, %dma_wait3A_14] : memref<10240x128xf32, #tpu.memory_space<vmem_shared>> -> memref<640x128xf32, #tpu.memory_space<vmem_shared>>
      tpu.wait_dma2 semaphore(%run_scoped3A : memref<!tpu.dma_semaphore, #tpu.memory_space<semaphore_mem>>) src(%dma_wait3A_15 : memref<640x128xf32, #tpu.memory_space<vmem_shared>>) dst(%dma_wait3A_13 : memref<640x128xf32, #tpu.memory_space<hbm>>)
      tpu.yield
    }) : () -> ()
    return
  }
}

#map = affine_map<(d0, d1) -> (0, 0)>
#map1 = affine_map<(d0, d1) -> (0, 0, 0, 0)>
#map2 = affine_map<(d0, d1) -> (0, 0, 0)>
module attributes {stable_mosaic.version = 14 : i64} {
  func.func @agg(%arg0: i32, %arg1: i32, %arg2: memref<10000x128xf32, #tpu.memory_space<hbm>>, %arg3: memref<2x16x80x128xi32, #tpu.memory_space<hbm>>, %arg4: memref<2x16x80x128xi32, #tpu.memory_space<hbm>>, %arg5: memref<10240x128xf32, #tpu.memory_space<hbm>>, %arg6: memref<2x10240x128xf32, #tpu.memory_space<hbm>>, %arg7: memref<16x128xi32, #tpu.memory_space<vmem>>, %arg8: memref<16x128xi32, #tpu.memory_space<vmem>>, %arg9: memref<10240x128xf32, #tpu.memory_space<vmem_shared>>) attributes {dimension_semantics = [#tpu.dimension_semantics<core_parallel>, #tpu.dimension_semantics<subcore_parallel>], iteration_bounds = array<i64: 2, 16>, scalar_prefetch = 0 : i64, scratch_operands = 3 : i64, tpu.core_type = #tpu.core_type<sc_vector_subcore>, window_params = [{transform_indices = #map}, {transform_indices = #map1}, {transform_indices = #map1}, {transform_indices = #map}, {transform_indices = #map2}]} {
    %mul3A = arith.constant 640 : i32
    %mul3A_0 = arith.muli %arg1, %mul3A : i32
    %mul3A_1 = arith.constant 640 : i32
    %mul3A_2 = arith.muli %arg1, %mul3A_1 : i32
    "tpu.region"() ({
      %run_scoped3A = tpu.sem_alloc : memref<!tpu.dma_semaphore, #tpu.memory_space<semaphore_mem>>
      %dma_start3A = arith.constant 0 : i32
      %dma_start3A_8 = tpu.memref_slice %arg9[%mul3A_2, %dma_start3A] : memref<10240x128xf32, #tpu.memory_space<vmem_shared>> -> memref<640x128xf32, #tpu.memory_space<vmem_shared>>
      %dma_start3A_9 = arith.constant 0 : i32
      %dma_start3A_10 = tpu.memref_slice %arg5[%mul3A_0, %dma_start3A_9] : memref<10240x128xf32, #tpu.memory_space<hbm>> -> memref<640x128xf32, #tpu.memory_space<hbm>>
      tpu.enqueue_dma source(%dma_start3A_10 : memref<640x128xf32, #tpu.memory_space<hbm>>) target(%dma_start3A_8 : memref<640x128xf32, #tpu.memory_space<vmem_shared>>) target_semaphore(%run_scoped3A : memref<!tpu.dma_semaphore, #tpu.memory_space<semaphore_mem>>)
      %dma_wait3A = arith.constant 0 : i32
      %dma_wait3A_11 = tpu.memref_slice %arg9[%mul3A_2, %dma_wait3A] : memref<10240x128xf32, #tpu.memory_space<vmem_shared>> -> memref<640x128xf32, #tpu.memory_space<vmem_shared>>
      %dma_wait3A_12 = arith.constant 0 : i32
      %dma_wait3A_13 = tpu.memref_slice %arg5[%mul3A_0, %dma_wait3A_12] : memref<10240x128xf32, #tpu.memory_space<hbm>> -> memref<640x128xf32, #tpu.memory_space<hbm>>
      tpu.wait_dma2 semaphore(%run_scoped3A : memref<!tpu.dma_semaphore, #tpu.memory_space<semaphore_mem>>) src(%dma_wait3A_13 : memref<640x128xf32, #tpu.memory_space<hbm>>) dst(%dma_wait3A_11 : memref<640x128xf32, #tpu.memory_space<vmem_shared>>)
      tpu.yield
    }) : () -> ()
    %barrier3A = arith.constant 0 : index
    tpu.barrier barrier_id(%barrier3A)
    "tpu.region"() ({
      %run_scoped3A = memref.alloca() : memref<128x128xf32, #tpu.memory_space<vmem>>
      %run_scoped3A_8 = memref.alloca() : memref<128x128xf32, #tpu.memory_space<vmem>>
      %run_scoped3A_9 = tpu.sem_alloc : memref<!tpu.dma_semaphore, #tpu.memory_space<semaphore_mem>>
      %scan3A = arith.constant 0 : i32
      %scan3A_10 = arith.constant 5 : i32
      %scan3A_11 = arith.addi %scan3A, %scan3A_10 : i32
      %scan3A_12 = arith.constant 1 : i32
      scf.for %scan3A_14 = %scan3A to %scan3A_11 step %scan3A_12  : i32 {
        %mul3A_15 = arith.constant 1 : i32
        %mul3A_16 = arith.muli %scan3A_14, %mul3A_15 : i32
        %add3A = arith.constant 0 : i32
        %add3A_17 = arith.addi %add3A, %mul3A_16 : i32
        %mul3A_18 = arith.constant 16 : i32
        %mul3A_19 = arith.muli %add3A_17, %mul3A_18 : i32
        "tpu.region"() ({
          %run_scoped3A_27 = tpu.sem_alloc : memref<!tpu.dma_semaphore, #tpu.memory_space<semaphore_mem>>
          %dma_start3A = arith.constant 0 : i32
          %dma_start3A_28 = tpu.memref_slice %arg3[%arg0, %arg1, %mul3A_19, %dma_start3A] : memref<2x16x80x128xi32, #tpu.memory_space<hbm>> -> memref<1x1x16x128xi32, #tpu.memory_space<hbm>>
          %dma_start3A_29 = tpu.memref_squeeze %dma_start3A_28 : memref<1x1x16x128xi32, #tpu.memory_space<hbm>> -> memref<16x128xi32, #tpu.memory_space<hbm>>
          %dma_start3A_30 = arith.constant 0 : i32
          %dma_start3A_31 = tpu.memref_slice %arg3[%arg0, %arg1, %mul3A_19, %dma_start3A_30] : memref<2x16x80x128xi32, #tpu.memory_space<hbm>> -> memref<1x1x16x128xi32, #tpu.memory_space<hbm>>
          %dma_start3A_32 = tpu.memref_squeeze %dma_start3A_31 : memref<1x1x16x128xi32, #tpu.memory_space<hbm>> -> memref<16x128xi32, #tpu.memory_space<hbm>>
          tpu.enqueue_dma source(%dma_start3A_32 : memref<16x128xi32, #tpu.memory_space<hbm>>) target(%arg7 : memref<16x128xi32, #tpu.memory_space<vmem>>) target_semaphore(%run_scoped3A_27 : memref<!tpu.dma_semaphore, #tpu.memory_space<semaphore_mem>>)
          %dma_wait3A = arith.constant 0 : i32
          %dma_wait3A_33 = tpu.memref_slice %arg3[%arg0, %arg1, %mul3A_19, %dma_wait3A] : memref<2x16x80x128xi32, #tpu.memory_space<hbm>> -> memref<1x1x16x128xi32, #tpu.memory_space<hbm>>
          %dma_wait3A_34 = tpu.memref_squeeze %dma_wait3A_33 : memref<1x1x16x128xi32, #tpu.memory_space<hbm>> -> memref<16x128xi32, #tpu.memory_space<hbm>>
          %dma_wait3A_35 = arith.constant 0 : i32
          %dma_wait3A_36 = tpu.memref_slice %arg3[%arg0, %arg1, %mul3A_19, %dma_wait3A_35] : memref<2x16x80x128xi32, #tpu.memory_space<hbm>> -> memref<1x1x16x128xi32, #tpu.memory_space<hbm>>
          %dma_wait3A_37 = tpu.memref_squeeze %dma_wait3A_36 : memref<1x1x16x128xi32, #tpu.memory_space<hbm>> -> memref<16x128xi32, #tpu.memory_space<hbm>>
          tpu.wait_dma2 semaphore(%run_scoped3A_27 : memref<!tpu.dma_semaphore, #tpu.memory_space<semaphore_mem>>) src(%dma_wait3A_37 : memref<16x128xi32, #tpu.memory_space<hbm>>) dst(%arg7 : memref<16x128xi32, #tpu.memory_space<vmem>>)
          tpu.yield
        }) : () -> ()
        %mul3A_20 = arith.constant 16 : i32
        %mul3A_21 = arith.muli %add3A_17, %mul3A_20 : i32
        "tpu.region"() ({
          %run_scoped3A_27 = tpu.sem_alloc : memref<!tpu.dma_semaphore, #tpu.memory_space<semaphore_mem>>
          %dma_start3A = arith.constant 0 : i32
          %dma_start3A_28 = tpu.memref_slice %arg4[%arg0, %arg1, %mul3A_21, %dma_start3A] : memref<2x16x80x128xi32, #tpu.memory_space<hbm>> -> memref<1x1x16x128xi32, #tpu.memory_space<hbm>>
          %dma_start3A_29 = tpu.memref_squeeze %dma_start3A_28 : memref<1x1x16x128xi32, #tpu.memory_space<hbm>> -> memref<16x128xi32, #tpu.memory_space<hbm>>
          %dma_start3A_30 = arith.constant 0 : i32
          %dma_start3A_31 = tpu.memref_slice %arg4[%arg0, %arg1, %mul3A_21, %dma_start3A_30] : memref<2x16x80x128xi32, #tpu.memory_space<hbm>> -> memref<1x1x16x128xi32, #tpu.memory_space<hbm>>
          %dma_start3A_32 = tpu.memref_squeeze %dma_start3A_31 : memref<1x1x16x128xi32, #tpu.memory_space<hbm>> -> memref<16x128xi32, #tpu.memory_space<hbm>>
          tpu.enqueue_dma source(%dma_start3A_32 : memref<16x128xi32, #tpu.memory_space<hbm>>) target(%arg8 : memref<16x128xi32, #tpu.memory_space<vmem>>) target_semaphore(%run_scoped3A_27 : memref<!tpu.dma_semaphore, #tpu.memory_space<semaphore_mem>>)
          %dma_wait3A = arith.constant 0 : i32
          %dma_wait3A_33 = tpu.memref_slice %arg4[%arg0, %arg1, %mul3A_21, %dma_wait3A] : memref<2x16x80x128xi32, #tpu.memory_space<hbm>> -> memref<1x1x16x128xi32, #tpu.memory_space<hbm>>
          %dma_wait3A_34 = tpu.memref_squeeze %dma_wait3A_33 : memref<1x1x16x128xi32, #tpu.memory_space<hbm>> -> memref<16x128xi32, #tpu.memory_space<hbm>>
          %dma_wait3A_35 = arith.constant 0 : i32
          %dma_wait3A_36 = tpu.memref_slice %arg4[%arg0, %arg1, %mul3A_21, %dma_wait3A_35] : memref<2x16x80x128xi32, #tpu.memory_space<hbm>> -> memref<1x1x16x128xi32, #tpu.memory_space<hbm>>
          %dma_wait3A_37 = tpu.memref_squeeze %dma_wait3A_36 : memref<1x1x16x128xi32, #tpu.memory_space<hbm>> -> memref<16x128xi32, #tpu.memory_space<hbm>>
          tpu.wait_dma2 semaphore(%run_scoped3A_27 : memref<!tpu.dma_semaphore, #tpu.memory_space<semaphore_mem>>) src(%dma_wait3A_37 : memref<16x128xi32, #tpu.memory_space<hbm>>) dst(%arg8 : memref<16x128xi32, #tpu.memory_space<vmem>>)
          tpu.yield
        }) : () -> ()
        %scan3A_22 = arith.constant 0 : i32
        %scan3A_23 = arith.constant 8 : i32
        %scan3A_24 = arith.addi %scan3A_22, %scan3A_23 : i32
        %scan3A_25 = arith.constant 1 : i32
        scf.for %scan3A_27 = %scan3A_22 to %scan3A_24 step %scan3A_25  : i32 {
          %mul3A_28 = arith.constant 2 : i32
          %mul3A_29 = arith.muli %scan3A_27, %mul3A_28 : i32
          %add3A_30 = arith.constant 0 : i32
          %add3A_31 = arith.addi %add3A_30, %mul3A_29 : i32
          %dma_start3A = arith.constant 0 : i32
          %dma_start3A_32 = tpu.memref_slice %arg7[%add3A_31, %dma_start3A] : memref<16x128xi32, #tpu.memory_space<vmem>> -> memref<1x128xi32, #tpu.memory_space<vmem>>
          %dma_start3A_33 = tpu.memref_squeeze %dma_start3A_32 : memref<1x128xi32, #tpu.memory_space<vmem>> -> memref<128xi32, #tpu.memory_space<vmem>>
          %dma_start3A_34 = arith.constant 0 : i32
          %dma_start3A_35 = arith.constant 0 : i32
          %dma_start3A_36 = tpu.memref_slice %arg2[%dma_start3A_34, %dma_start3A_35] : memref<10000x128xf32, #tpu.memory_space<hbm>> -> memref<10000x128xf32, #tpu.memory_space<hbm>>
          tpu.enqueue_indirect_dma source(%dma_start3A_36 : memref<10000x128xf32, #tpu.memory_space<hbm>>) target(%run_scoped3A : memref<128x128xf32, #tpu.memory_space<vmem>>) offsets(%dma_start3A_33 : memref<128xi32, #tpu.memory_space<vmem>>) semaphore(%run_scoped3A_9 : memref<!tpu.dma_semaphore, #tpu.memory_space<semaphore_mem>>)
          %add3A_37 = arith.constant 1 : i32
          %add3A_38 = arith.addi %add3A_31, %add3A_37 : i32
          %dma_start3A_39 = arith.constant 0 : i32
          %dma_start3A_40 = tpu.memref_slice %arg7[%add3A_38, %dma_start3A_39] : memref<16x128xi32, #tpu.memory_space<vmem>> -> memref<1x128xi32, #tpu.memory_space<vmem>>
          %dma_start3A_41 = tpu.memref_squeeze %dma_start3A_40 : memref<1x128xi32, #tpu.memory_space<vmem>> -> memref<128xi32, #tpu.memory_space<vmem>>
          %dma_start3A_42 = arith.constant 0 : i32
          %dma_start3A_43 = arith.constant 0 : i32
          %dma_start3A_44 = tpu.memref_slice %arg2[%dma_start3A_42, %dma_start3A_43] : memref<10000x128xf32, #tpu.memory_space<hbm>> -> memref<10000x128xf32, #tpu.memory_space<hbm>>
          tpu.enqueue_indirect_dma source(%dma_start3A_44 : memref<10000x128xf32, #tpu.memory_space<hbm>>) target(%run_scoped3A_8 : memref<128x128xf32, #tpu.memory_space<vmem>>) offsets(%dma_start3A_41 : memref<128xi32, #tpu.memory_space<vmem>>) semaphore(%run_scoped3A_9 : memref<!tpu.dma_semaphore, #tpu.memory_space<semaphore_mem>>)
          %dma_wait3A = arith.constant 0 : i32
          %dma_wait3A_45 = tpu.memref_slice %arg7[%add3A_31, %dma_wait3A] : memref<16x128xi32, #tpu.memory_space<vmem>> -> memref<1x128xi32, #tpu.memory_space<vmem>>
          %dma_wait3A_46 = tpu.memref_squeeze %dma_wait3A_45 : memref<1x128xi32, #tpu.memory_space<vmem>> -> memref<128xi32, #tpu.memory_space<vmem>>
          %dma_wait3A_47 = arith.constant 0 : i32
          %dma_wait3A_48 = arith.constant 0 : i32
          %dma_wait3A_49 = tpu.memref_slice %arg2[%dma_wait3A_47, %dma_wait3A_48] : memref<10000x128xf32, #tpu.memory_space<hbm>> -> memref<10000x128xf32, #tpu.memory_space<hbm>>
          tpu.wait_indirect_dma semaphore(%run_scoped3A_9 : memref<!tpu.dma_semaphore, #tpu.memory_space<semaphore_mem>>) src(%dma_wait3A_49 : memref<10000x128xf32, #tpu.memory_space<hbm>>) dst(%run_scoped3A : memref<128x128xf32, #tpu.memory_space<vmem>>)
          "tpu.region"() ({
            %run_scoped3A_58 = tpu.sem_alloc : memref<!tpu.dma_semaphore, #tpu.memory_space<semaphore_mem>>
            %dma_start3A_59 = arith.constant 0 : i32
            %dma_start3A_60 = tpu.memref_slice %arg8[%add3A_31, %dma_start3A_59] : memref<16x128xi32, #tpu.memory_space<vmem>> -> memref<1x128xi32, #tpu.memory_space<vmem>>
            %dma_start3A_61 = tpu.memref_squeeze %dma_start3A_60 : memref<1x128xi32, #tpu.memory_space<vmem>> -> memref<128xi32, #tpu.memory_space<vmem>>
            %dma_start3A_62 = arith.constant 0 : i32
            %dma_start3A_63 = arith.constant 0 : i32
            %dma_start3A_64 = tpu.memref_slice %arg9[%dma_start3A_62, %dma_start3A_63] : memref<10240x128xf32, #tpu.memory_space<vmem_shared>> -> memref<10240x128xf32, #tpu.memory_space<vmem_shared>>
            tpu.enqueue_indirect_dma source(%run_scoped3A : memref<128x128xf32, #tpu.memory_space<vmem>>) target(%dma_start3A_64 : memref<10240x128xf32, #tpu.memory_space<vmem_shared>>) offsets(%dma_start3A_61 : memref<128xi32, #tpu.memory_space<vmem>>) semaphore(%run_scoped3A_58 : memref<!tpu.dma_semaphore, #tpu.memory_space<semaphore_mem>>) {add = true}
            %dma_wait3A_65 = arith.constant 0 : i32
            %dma_wait3A_66 = tpu.memref_slice %arg8[%add3A_31, %dma_wait3A_65] : memref<16x128xi32, #tpu.memory_space<vmem>> -> memref<1x128xi32, #tpu.memory_space<vmem>>
            %dma_wait3A_67 = tpu.memref_squeeze %dma_wait3A_66 : memref<1x128xi32, #tpu.memory_space<vmem>> -> memref<128xi32, #tpu.memory_space<vmem>>
            %dma_wait3A_68 = arith.constant 0 : i32
            %dma_wait3A_69 = arith.constant 0 : i32
            %dma_wait3A_70 = tpu.memref_slice %arg9[%dma_wait3A_68, %dma_wait3A_69] : memref<10240x128xf32, #tpu.memory_space<vmem_shared>> -> memref<10240x128xf32, #tpu.memory_space<vmem_shared>>
            tpu.wait_indirect_dma semaphore(%run_scoped3A_58 : memref<!tpu.dma_semaphore, #tpu.memory_space<semaphore_mem>>) src(%run_scoped3A : memref<128x128xf32, #tpu.memory_space<vmem>>) dst(%dma_wait3A_70 : memref<10240x128xf32, #tpu.memory_space<vmem_shared>>)
            tpu.yield
          }) : () -> ()
          %dma_wait3A_50 = arith.constant 0 : i32
          %dma_wait3A_51 = tpu.memref_slice %arg7[%add3A_38, %dma_wait3A_50] : memref<16x128xi32, #tpu.memory_space<vmem>> -> memref<1x128xi32, #tpu.memory_space<vmem>>
          %dma_wait3A_52 = tpu.memref_squeeze %dma_wait3A_51 : memref<1x128xi32, #tpu.memory_space<vmem>> -> memref<128xi32, #tpu.memory_space<vmem>>
          %dma_wait3A_53 = arith.constant 0 : i32
          %dma_wait3A_54 = arith.constant 0 : i32
          %dma_wait3A_55 = tpu.memref_slice %arg2[%dma_wait3A_53, %dma_wait3A_54] : memref<10000x128xf32, #tpu.memory_space<hbm>> -> memref<10000x128xf32, #tpu.memory_space<hbm>>
          tpu.wait_indirect_dma semaphore(%run_scoped3A_9 : memref<!tpu.dma_semaphore, #tpu.memory_space<semaphore_mem>>) src(%dma_wait3A_55 : memref<10000x128xf32, #tpu.memory_space<hbm>>) dst(%run_scoped3A_8 : memref<128x128xf32, #tpu.memory_space<vmem>>)
          %add3A_56 = arith.constant 1 : i32
          %add3A_57 = arith.addi %add3A_31, %add3A_56 : i32
          "tpu.region"() ({
            %run_scoped3A_58 = tpu.sem_alloc : memref<!tpu.dma_semaphore, #tpu.memory_space<semaphore_mem>>
            %dma_start3A_59 = arith.constant 0 : i32
            %dma_start3A_60 = tpu.memref_slice %arg8[%add3A_57, %dma_start3A_59] : memref<16x128xi32, #tpu.memory_space<vmem>> -> memref<1x128xi32, #tpu.memory_space<vmem>>
            %dma_start3A_61 = tpu.memref_squeeze %dma_start3A_60 : memref<1x128xi32, #tpu.memory_space<vmem>> -> memref<128xi32, #tpu.memory_space<vmem>>
            %dma_start3A_62 = arith.constant 0 : i32
            %dma_start3A_63 = arith.constant 0 : i32
            %dma_start3A_64 = tpu.memref_slice %arg9[%dma_start3A_62, %dma_start3A_63] : memref<10240x128xf32, #tpu.memory_space<vmem_shared>> -> memref<10240x128xf32, #tpu.memory_space<vmem_shared>>
            tpu.enqueue_indirect_dma source(%run_scoped3A_8 : memref<128x128xf32, #tpu.memory_space<vmem>>) target(%dma_start3A_64 : memref<10240x128xf32, #tpu.memory_space<vmem_shared>>) offsets(%dma_start3A_61 : memref<128xi32, #tpu.memory_space<vmem>>) semaphore(%run_scoped3A_58 : memref<!tpu.dma_semaphore, #tpu.memory_space<semaphore_mem>>) {add = true}
            %dma_wait3A_65 = arith.constant 0 : i32
            %dma_wait3A_66 = tpu.memref_slice %arg8[%add3A_57, %dma_wait3A_65] : memref<16x128xi32, #tpu.memory_space<vmem>> -> memref<1x128xi32, #tpu.memory_space<vmem>>
            %dma_wait3A_67 = tpu.memref_squeeze %dma_wait3A_66 : memref<1x128xi32, #tpu.memory_space<vmem>> -> memref<128xi32, #tpu.memory_space<vmem>>
            %dma_wait3A_68 = arith.constant 0 : i32
            %dma_wait3A_69 = arith.constant 0 : i32
            %dma_wait3A_70 = tpu.memref_slice %arg9[%dma_wait3A_68, %dma_wait3A_69] : memref<10240x128xf32, #tpu.memory_space<vmem_shared>> -> memref<10240x128xf32, #tpu.memory_space<vmem_shared>>
            tpu.wait_indirect_dma semaphore(%run_scoped3A_58 : memref<!tpu.dma_semaphore, #tpu.memory_space<semaphore_mem>>) src(%run_scoped3A_8 : memref<128x128xf32, #tpu.memory_space<vmem>>) dst(%dma_wait3A_70 : memref<10240x128xf32, #tpu.memory_space<vmem_shared>>)
            tpu.yield
          }) : () -> ()
        }
        %scan3A_26 = arith.constant 8 : i32
      }
      %scan3A_13 = arith.constant 5 : i32
      tpu.yield
    }) : () -> ()
    %barrier3A_3 = arith.constant 0 : index
    tpu.barrier barrier_id(%barrier3A_3)
    %mul3A_4 = arith.constant 640 : i32
    %mul3A_5 = arith.muli %arg1, %mul3A_4 : i32
    %mul3A_6 = arith.constant 640 : i32
    %mul3A_7 = arith.muli %arg1, %mul3A_6 : i32
    "tpu.region"() ({
      %run_scoped3A = tpu.sem_alloc : memref<!tpu.dma_semaphore, #tpu.memory_space<semaphore_mem>>
      %dma_start3A = arith.constant 0 : i32
      %dma_start3A_8 = tpu.memref_slice %arg6[%arg0, %mul3A_7, %dma_start3A] : memref<2x10240x128xf32, #tpu.memory_space<hbm>> -> memref<1x640x128xf32, #tpu.memory_space<hbm>>
      %dma_start3A_9 = tpu.memref_squeeze %dma_start3A_8 : memref<1x640x128xf32, #tpu.memory_space<hbm>> -> memref<640x128xf32, #tpu.memory_space<hbm>>
      %dma_start3A_10 = arith.constant 0 : i32
      %dma_start3A_11 = tpu.memref_slice %arg9[%mul3A_5, %dma_start3A_10] : memref<10240x128xf32, #tpu.memory_space<vmem_shared>> -> memref<640x128xf32, #tpu.memory_space<vmem_shared>>
      tpu.enqueue_dma source(%dma_start3A_11 : memref<640x128xf32, #tpu.memory_space<vmem_shared>>) target(%dma_start3A_9 : memref<640x128xf32, #tpu.memory_space<hbm>>) target_semaphore(%run_scoped3A : memref<!tpu.dma_semaphore, #tpu.memory_space<semaphore_mem>>)
      %dma_wait3A = arith.constant 0 : i32
      %dma_wait3A_12 = tpu.memref_slice %arg6[%arg0, %mul3A_7, %dma_wait3A] : memref<2x10240x128xf32, #tpu.memory_space<hbm>> -> memref<1x640x128xf32, #tpu.memory_space<hbm>>
      %dma_wait3A_13 = tpu.memref_squeeze %dma_wait3A_12 : memref<1x640x128xf32, #tpu.memory_space<hbm>> -> memref<640x128xf32, #tpu.memory_space<hbm>>
      %dma_wait3A_14 = arith.constant 0 : i32
      %dma_wait3A_15 = tpu.memref_slice %arg9[%mul3A_5, %dma_wait3A_14] : memref<10240x128xf32, #tpu.memory_space<vmem_shared>> -> memref<640x128xf32, #tpu.memory_space<vmem_shared>>
      tpu.wait_dma2 semaphore(%run_scoped3A : memref<!tpu.dma_semaphore, #tpu.memory_space<semaphore_mem>>) src(%dma_wait3A_15 : memref<640x128xf32, #tpu.memory_space<vmem_shared>>) dst(%dma_wait3A_13 : memref<640x128xf32, #tpu.memory_space<hbm>>)
      tpu.yield
    }) : () -> ()
    return
  }
}

module attributes {stable_mosaic.version = 14 : i64} {
  func.func @body(%arg0: memref<10000x128xf32, #tpu.memory_space<vmem>>, %arg1: memref<128x128xf32, #tpu.memory_space<vmem>>, %arg2: memref<2x10240x8xf32, #tpu.memory_space<vmem>>, %arg3: memref<10000x128xf32, #tpu.memory_space<vmem>>) attributes {dimension_semantics = [], scalar_prefetch = 0 : i64, scratch_operands = 0 : i64, tpu.core_type = #tpu.core_type<tc>} {
    %get3A = arith.constant 0 : index
    %get3A_0 = arith.constant 0 : index
    %get3A_1 = arith.constant 0 : index
    %get3A_2 = vector.load %arg2[%get3A, %get3A_0, %get3A_1] : memref<2x10240x8xf32, #tpu.memory_space<vmem>>, vector<1x10240x8xf32>
    %get3A_3 = vector.shape_cast %get3A_2 : vector<1x10240x8xf32> to vector<10240x8xf32>
    %get3A_4 = arith.constant 1 : index
    %get3A_5 = arith.constant 0 : index
    %get3A_6 = arith.constant 0 : index
    %get3A_7 = vector.load %arg2[%get3A_4, %get3A_5, %get3A_6] : memref<2x10240x8xf32, #tpu.memory_space<vmem>>, vector<1x10240x8xf32>
    %get3A_8 = vector.shape_cast %get3A_7 : vector<1x10240x8xf32> to vector<10240x8xf32>
    %add3A = arith.addf %get3A_3, %get3A_8 : vector<10240x8xf32>
    %add3A_9 = arith.constant 1.000000e+00 : f32
    %add3A_10 = vector.broadcast %add3A_9 : f32 to vector<10240x8xf32>
    %add3A_11 = arith.addf %add3A, %add3A_10 : vector<10240x8xf32>
    %rsqrt3A = math.rsqrt %add3A_11 : vector<10240x8xf32>
    %slice3A = vector.extract_strided_slice %rsqrt3A {offsets = [0, 0], sizes = [10000, 1], strides = [1, 1]} : vector<10240x8xf32> to vector<10000x1xf32>
    %get3A_12 = arith.constant 0 : index
    %get3A_13 = arith.constant 0 : index
    %get3A_14 = vector.load %arg0[%get3A_12, %get3A_13] : memref<10000x128xf32, #tpu.memory_space<vmem>>, vector<10000x128xf32>
    %get3A_15 = arith.constant 0 : index
    %get3A_16 = arith.constant 0 : index
    %get3A_17 = vector.load %arg1[%get3A_15, %get3A_16] : memref<128x128xf32, #tpu.memory_space<vmem>>, vector<128x128xf32>
    %dot_general3A = arith.constant dense<0.000000e+00> : vector<10000x128xf32>
    %dot_general3A_18 = tpu.matmul %get3A_14, %get3A_17, %dot_general3A {dimension_numbers = #tpu.dot_dimension_numbers<[1], [0], [0], [1], [0, 0, 1, 1], [], []>, transpose_lhs_hint = false} : vector<10000x128xf32>, vector<128x128xf32>, vector<10000x128xf32> -> vector<10000x128xf32>
    %mul3A = vector.broadcast %slice3A : vector<10000x1xf32> to vector<10000x128xf32>
    %mul3A_19 = arith.mulf %dot_general3A_18, %mul3A : vector<10000x128xf32>
    %swap3A = arith.constant 0 : index
    %swap3A_20 = arith.constant 0 : index
    %swap3A_21 = vector.load %arg3[%swap3A, %swap3A_20] : memref<10000x128xf32, #tpu.memory_space<vmem>>, vector<10000x128xf32>
    tpu.vector_store %arg3[%swap3A, %swap3A_20], %mul3A_19 {strides = array<i32>} : memref<10000x128xf32, #tpu.memory_space<vmem>>, vector<10000x128xf32>,
    return
  }
}

module attributes {stable_mosaic.version = 14 : i64} {
  func.func @body(%arg0: memref<2x10240x128xf32, #tpu.memory_space<vmem>>, %arg1: memref<10000x128xf32, #tpu.memory_space<vmem>>, %arg2: memref<2x10240x8xf32, #tpu.memory_space<vmem>>, %arg3: memref<1x128xf32, #tpu.memory_space<vmem>>, %arg4: memref<128x128xf32, #tpu.memory_space<vmem>>, %arg5: memref<10000x128xf32, #tpu.memory_space<vmem>>) attributes {dimension_semantics = [], scalar_prefetch = 0 : i64, scratch_operands = 0 : i64, tpu.core_type = #tpu.core_type<tc>} {
    %get3A = arith.constant 0 : index
    %get3A_0 = arith.constant 0 : index
    %get3A_1 = arith.constant 0 : index
    %get3A_2 = vector.load %arg2[%get3A, %get3A_0, %get3A_1] : memref<2x10240x8xf32, #tpu.memory_space<vmem>>, vector<1x10240x8xf32>
    %get3A_3 = vector.shape_cast %get3A_2 : vector<1x10240x8xf32> to vector<10240x8xf32>
    %get3A_4 = arith.constant 1 : index
    %get3A_5 = arith.constant 0 : index
    %get3A_6 = arith.constant 0 : index
    %get3A_7 = vector.load %arg2[%get3A_4, %get3A_5, %get3A_6] : memref<2x10240x8xf32, #tpu.memory_space<vmem>>, vector<1x10240x8xf32>
    %get3A_8 = vector.shape_cast %get3A_7 : vector<1x10240x8xf32> to vector<10240x8xf32>
    %add3A = arith.addf %get3A_3, %get3A_8 : vector<10240x8xf32>
    %add3A_9 = arith.constant 1.000000e+00 : f32
    %add3A_10 = vector.broadcast %add3A_9 : f32 to vector<10240x8xf32>
    %add3A_11 = arith.addf %add3A, %add3A_10 : vector<10240x8xf32>
    %rsqrt3A = math.rsqrt %add3A_11 : vector<10240x8xf32>
    %slice3A = vector.extract_strided_slice %rsqrt3A {offsets = [0, 0], sizes = [10000, 1], strides = [1, 1]} : vector<10240x8xf32> to vector<10000x1xf32>
    %get3A_12 = arith.constant 0 : index
    %get3A_13 = arith.constant 0 : index
    %get3A_14 = arith.constant 0 : index
    %get3A_15 = vector.load %arg0[%get3A_12, %get3A_13, %get3A_14] : memref<2x10240x128xf32, #tpu.memory_space<vmem>>, vector<1x10000x128xf32>
    %get3A_16 = vector.shape_cast %get3A_15 : vector<1x10000x128xf32> to vector<10000x128xf32>
    %get3A_17 = arith.constant 1 : index
    %get3A_18 = arith.constant 0 : index
    %get3A_19 = arith.constant 0 : index
    %get3A_20 = vector.load %arg0[%get3A_17, %get3A_18, %get3A_19] : memref<2x10240x128xf32, #tpu.memory_space<vmem>>, vector<1x10000x128xf32>
    %get3A_21 = vector.shape_cast %get3A_20 : vector<1x10000x128xf32> to vector<10000x128xf32>
    %add3A_22 = arith.addf %get3A_16, %get3A_21 : vector<10000x128xf32>
    %get3A_23 = arith.constant 0 : index
    %get3A_24 = arith.constant 0 : index
    %get3A_25 = vector.load %arg1[%get3A_23, %get3A_24] : memref<10000x128xf32, #tpu.memory_space<vmem>>, vector<10000x128xf32>
    %add3A_26 = arith.addf %add3A_22, %get3A_25 : vector<10000x128xf32>
    %mul3A = vector.broadcast %slice3A : vector<10000x1xf32> to vector<10000x128xf32>
    %mul3A_27 = arith.mulf %add3A_26, %mul3A : vector<10000x128xf32>
    %get3A_28 = arith.constant 0 : index
    %get3A_29 = arith.constant 0 : index
    %get3A_30 = vector.load %arg3[%get3A_28, %get3A_29] : memref<1x128xf32, #tpu.memory_space<vmem>>, vector<1x128xf32>
    %add3A_31 = vector.broadcast %get3A_30 : vector<1x128xf32> to vector<10000x128xf32>
    %add3A_32 = arith.addf %mul3A_27, %add3A_31 : vector<10000x128xf32>
    %max3A = arith.constant 0.000000e+00 : f32
    %max3A_33 = vector.broadcast %max3A : f32 to vector<10000x128xf32>
    %max3A_34 = arith.maximumf %add3A_32, %max3A_33 : vector<10000x128xf32>
    %get3A_35 = arith.constant 0 : index
    %get3A_36 = arith.constant 0 : index
    %get3A_37 = vector.load %arg4[%get3A_35, %get3A_36] : memref<128x128xf32, #tpu.memory_space<vmem>>, vector<128x128xf32>
    %dot_general3A = arith.constant dense<0.000000e+00> : vector<10000x128xf32>
    %dot_general3A_38 = tpu.matmul %max3A_34, %get3A_37, %dot_general3A {dimension_numbers = #tpu.dot_dimension_numbers<[1], [0], [0], [1], [0, 0, 1, 1], [], []>, transpose_lhs_hint = false} : vector<10000x128xf32>, vector<128x128xf32>, vector<10000x128xf32> -> vector<10000x128xf32>
    %mul3A_39 = vector.broadcast %slice3A : vector<10000x1xf32> to vector<10000x128xf32>
    %mul3A_40 = arith.mulf %dot_general3A_38, %mul3A_39 : vector<10000x128xf32>
    %swap3A = arith.constant 0 : index
    %swap3A_41 = arith.constant 0 : index
    %swap3A_42 = vector.load %arg5[%swap3A, %swap3A_41] : memref<10000x128xf32, #tpu.memory_space<vmem>>, vector<10000x128xf32>
    tpu.vector_store %arg5[%swap3A, %swap3A_41], %mul3A_40 {strides = array<i32>} : memref<10000x128xf32, #tpu.memory_space<vmem>>, vector<10000x128xf32>,
    return
  }
}

module attributes {stable_mosaic.version = 14 : i64} {
  func.func @body(%arg0: memref<2x10240x128xf32, #tpu.memory_space<vmem>>, %arg1: memref<10000x128xf32, #tpu.memory_space<vmem>>, %arg2: memref<2x10240x8xf32, #tpu.memory_space<vmem>>, %arg3: memref<1x128xf32, #tpu.memory_space<vmem>>, %arg4: memref<128x2xf32, #tpu.memory_space<vmem>>, %arg5: memref<1x2xf32, #tpu.memory_space<vmem>>, %arg6: memref<10000x2xf32, #tpu.memory_space<vmem>>) attributes {dimension_semantics = [], scalar_prefetch = 0 : i64, scratch_operands = 0 : i64, tpu.core_type = #tpu.core_type<tc>} {
    %get3A = arith.constant 0 : index
    %get3A_0 = arith.constant 0 : index
    %get3A_1 = arith.constant 0 : index
    %get3A_2 = vector.load %arg2[%get3A, %get3A_0, %get3A_1] : memref<2x10240x8xf32, #tpu.memory_space<vmem>>, vector<1x10240x8xf32>
    %get3A_3 = vector.shape_cast %get3A_2 : vector<1x10240x8xf32> to vector<10240x8xf32>
    %get3A_4 = arith.constant 1 : index
    %get3A_5 = arith.constant 0 : index
    %get3A_6 = arith.constant 0 : index
    %get3A_7 = vector.load %arg2[%get3A_4, %get3A_5, %get3A_6] : memref<2x10240x8xf32, #tpu.memory_space<vmem>>, vector<1x10240x8xf32>
    %get3A_8 = vector.shape_cast %get3A_7 : vector<1x10240x8xf32> to vector<10240x8xf32>
    %add3A = arith.addf %get3A_3, %get3A_8 : vector<10240x8xf32>
    %add3A_9 = arith.constant 1.000000e+00 : f32
    %add3A_10 = vector.broadcast %add3A_9 : f32 to vector<10240x8xf32>
    %add3A_11 = arith.addf %add3A, %add3A_10 : vector<10240x8xf32>
    %rsqrt3A = math.rsqrt %add3A_11 : vector<10240x8xf32>
    %slice3A = vector.extract_strided_slice %rsqrt3A {offsets = [0, 0], sizes = [10000, 1], strides = [1, 1]} : vector<10240x8xf32> to vector<10000x1xf32>
    %get3A_12 = arith.constant 0 : index
    %get3A_13 = arith.constant 0 : index
    %get3A_14 = arith.constant 0 : index
    %get3A_15 = vector.load %arg0[%get3A_12, %get3A_13, %get3A_14] : memref<2x10240x128xf32, #tpu.memory_space<vmem>>, vector<1x10000x128xf32>
    %get3A_16 = vector.shape_cast %get3A_15 : vector<1x10000x128xf32> to vector<10000x128xf32>
    %get3A_17 = arith.constant 1 : index
    %get3A_18 = arith.constant 0 : index
    %get3A_19 = arith.constant 0 : index
    %get3A_20 = vector.load %arg0[%get3A_17, %get3A_18, %get3A_19] : memref<2x10240x128xf32, #tpu.memory_space<vmem>>, vector<1x10000x128xf32>
    %get3A_21 = vector.shape_cast %get3A_20 : vector<1x10000x128xf32> to vector<10000x128xf32>
    %add3A_22 = arith.addf %get3A_16, %get3A_21 : vector<10000x128xf32>
    %get3A_23 = arith.constant 0 : index
    %get3A_24 = arith.constant 0 : index
    %get3A_25 = vector.load %arg1[%get3A_23, %get3A_24] : memref<10000x128xf32, #tpu.memory_space<vmem>>, vector<10000x128xf32>
    %add3A_26 = arith.addf %add3A_22, %get3A_25 : vector<10000x128xf32>
    %mul3A = vector.broadcast %slice3A : vector<10000x1xf32> to vector<10000x128xf32>
    %mul3A_27 = arith.mulf %add3A_26, %mul3A : vector<10000x128xf32>
    %get3A_28 = arith.constant 0 : index
    %get3A_29 = arith.constant 0 : index
    %get3A_30 = vector.load %arg3[%get3A_28, %get3A_29] : memref<1x128xf32, #tpu.memory_space<vmem>>, vector<1x128xf32>
    %add3A_31 = vector.broadcast %get3A_30 : vector<1x128xf32> to vector<10000x128xf32>
    %add3A_32 = arith.addf %mul3A_27, %add3A_31 : vector<10000x128xf32>
    %max3A = arith.constant 0.000000e+00 : f32
    %max3A_33 = vector.broadcast %max3A : f32 to vector<10000x128xf32>
    %max3A_34 = arith.maximumf %add3A_32, %max3A_33 : vector<10000x128xf32>
    %get3A_35 = arith.constant 0 : index
    %get3A_36 = arith.constant 0 : index
    %get3A_37 = vector.load %arg4[%get3A_35, %get3A_36] : memref<128x2xf32, #tpu.memory_space<vmem>>, vector<128x2xf32>
    %dot_general3A = arith.constant dense<0.000000e+00> : vector<10000x2xf32>
    %dot_general3A_38 = tpu.matmul %max3A_34, %get3A_37, %dot_general3A {dimension_numbers = #tpu.dot_dimension_numbers<[1], [0], [0], [1], [0, 0, 1, 1], [], []>, transpose_lhs_hint = false} : vector<10000x128xf32>, vector<128x2xf32>, vector<10000x2xf32> -> vector<10000x2xf32>
    %get3A_39 = arith.constant 0 : index
    %get3A_40 = arith.constant 0 : index
    %get3A_41 = vector.load %arg5[%get3A_39, %get3A_40] : memref<1x2xf32, #tpu.memory_space<vmem>>, vector<1x2xf32>
    %add3A_42 = vector.broadcast %get3A_41 : vector<1x2xf32> to vector<10000x2xf32>
    %add3A_43 = arith.addf %dot_general3A_38, %add3A_42 : vector<10000x2xf32>
    %swap3A = arith.constant 0 : index
    %swap3A_44 = arith.constant 0 : index
    %swap3A_45 = vector.load %arg6[%swap3A, %swap3A_44] : memref<10000x2xf32, #tpu.memory_space<vmem>>, vector<10000x2xf32>
    tpu.vector_store %arg6[%swap3A, %swap3A_44], %add3A_43 {strides = array<i32>} : memref<10000x2xf32, #tpu.memory_space<vmem>>, vector<10000x2xf32>,
    return
  }
}

</mosaic_0001>

<sc_bundles>
// kernel: kernel.11.cloned.1.call-start
scs
__scs_entry_jumppad:
0x0: {  	(pc) =	sbr.rel $0x88, $3  }
0x1: {  	(tag) =	ssettag $0x0;
	lr =	simm.s32 $0x1  }
0x2: {  	[smem:$0x3F99] =	sst lr;
	_ =	strace $0xD0000000  }
0x3: {  	_ = 	snop  }
0x4: {  	_ = 	snop  }
0x5: {  	_ = 	snop  }
0x6: {  	_ = 	snop  }
0x7: {  	_ = 	snop  }
__scs_overlays_trampoline_lowered:
0x8: {  	[smem:$0x3FA8] =	sst s0  }
0x9: {  	[smem:$0x3FA9] =	sst s1  }
0xa: {  	[smem:$0x3FAA] =	sst s2  }
0xb: {  	[smem:$0x3FAB] =	sst s3  }
0xc: {  	[smem:$0x3FAC] =	sst s4  }
0xd: {  	[smem:$0x3FAD] =	sst s5  }
0xe: {  	[smem:$0x3FAE] =	sst s6  }
0xf: {  	[smem:$0x3FAF] =	sst s7  }
0x10: {  	[smem:$0x3FB0] =	sst s8  }
0x11: {  	[smem:$0x3FB1] =	sst s9;
	s0 =	simm.s32 @!p0 $0x0  }
0x12: {  	s1 =	sld [smem:$0x3F97];
	s0 =	simm.s32 @p0 $0x1  }
0x13: {  	[smem:$0x3FB2] =	sst s0;
	s0 =	simm.s32 @!p1 $0x0  }
0x14: {  	s2 =	sld [smem:$0x3F96];
	s0 =	simm.s32 @p1 $0x1  }
0x15: {  	[smem:$0x3FB3] =	sst s0;
	s0 =	simm.s32 @!p2 $0x0  }
0x16: {  	s3 =	sld [smem:$0x3FDB];
	s0 =	simm.s32 @p2 $0x1  }
0x17: {  	s4 =	simm.s32 $0x1BF5;
	[smem:$0x3FB5] =	sst s0  }
0x18: {  	s0 =	sld [smem:$0x3F98];
	_ =	swait.ge [sflag:s4], $0x0  }
0x19: {  	s7 =	sld [smem:$0x3F99]  }
0x1a: {  	s8 =	sadd.s32 $0xFFFFE003, lr  }
0x1b: {  	s9 =	sadd.s32 $0xFFFFFEF7, lr;
	s5 =	simm.s32 $0xFFFFFFFF;
	p2 =	slt.u32 s8, $0xFFFFF086  }
0x1c: {  	p1 =	slt.u32 s9, $0xF7A;
	s5 =	simm.s32 @!p2 $0x0  }
0x1d: {  	s5 =	simm.s32 @p1 $0x1;
	p0 =	seq.s32 s7, s2  }
0x1e: {  	s7 =	smul.u32 @!p0 $0xF7A, s2;
	p2 =	seq.s32 @!p0 s5, $0x0  }
0x1f: {  	s9 =	smul.u32 $0xF7A, s1;
	s8 =	simm.s32 @!p0 $0x1BF5;
	p2 =	por !p2, p0  }
0x20: {  	[sflag:s8] =	ssyncset.s32 @!p0 $0xFFFFF086;
	s6 =	sadd.s32 @!p0 s3, s7;
	s7 =	simm.s32 @!p0 $0x108  }
0x21: {  	s3 =	sadd.s32 s3, s9;
	s6 =	sadd.s32 @!p0 $0x88, s6;
	s7 =	simm.s32 @p2 $0x1082  }
0x22: {  	[simem:s7], [sflag:s8] =	dma.local @!p0 [hbm:s6], $0xF7A  }
0x23: {  	s9 =	sor.u32 $0xD0000000, s2;
	s6 =	simm.s32 $0x108;
	_ =	swait.ge @!p0 [sflag:s8], $0x0  }
0x24: {  	s3 =	sadd.s32 $0x88, s3;
	s6 =	simm.s32 @!p1 $0x1082;
	[sflag:s4] =	ssyncset.s32 $0xFFFFF086  }
0x25: {  	[simem:s6], [sflag:s4] =	dma.local [hbm:s3], $0xF7A  }
0x26: {  	[smem:$0x3F99] =	sst s1;
	(tag) =	ssettag s2;
	_ =	strace s9  }
0x27: {  	s1 =	sld [smem:$0x3FA9]  }
0x28: {  	s2 =	sld [smem:$0x3FAA]  }
0x29: {  	s4 =	sld [smem:$0x3FAC]  }
0x2a: {  	p0 =	seq.s32 s5, $0x0;
	s5 =	sld [smem:$0x3FAD]  }
0x2b: {  	s6 =	sld [smem:$0x3FAE]  }
0x2c: {  	s7 =	sld [smem:$0x3FAF]  }
0x2d: {  	s3 =	simm.s32 $0x108;
	s8 =	sld [smem:$0x3FB0]  }
0x2e: {  	s3 =	simm.s32 @!p0 $0x1082;
	s9 =	sld [smem:$0x3FB1]  }
0x2f: {  	lr =	sadd.s32 s0, s3;
	s0 =	sld [smem:$0x3FA8]  }
0x30: {  	s3 =	sld [smem:$0x3FAB]  }
0x31: {  	[smem:$0x3FB4] =	sst s10  }
0x32: {  	s10 =	sld [smem:$0x3FB2];
	_ =	sdelay $0x3  }
0x33: {  	p0 =	seq.s32 s10, $0x1;
	s10 =	sld [smem:$0x3FB4];
	_ =	sdelay $0x3  }
0x34: {  	[smem:$0x3FB4] =	sst s10  }
0x35: {  	s10 =	sld [smem:$0x3FB3];
	_ =	sdelay $0x3  }
0x36: {  	p1 =	seq.s32 s10, $0x1;
	s10 =	sld [smem:$0x3FB4];
	_ =	sdelay $0x3  }
0x37: {  	[smem:$0x3FB4] =	sst s10  }
0x38: {  	s10 =	sld [smem:$0x3FB5]  }
0x39: {  	_ = 	snop;
	(pc) =	sbr.ind lr, $3  }
0x3a: {  	_ = 	snop  }
0x3b: {  	_ = 	snop  }
0x3c: {  	p2 =	seq.s32 s10, $0x1;
	s10 =	sld [smem:$0x3FB4]  }
0x3d: {  	_ =	shalt  }
0x3e: {  	_ =	shalt  }
0x3f: {  	_ =	shalt  }
0x40: {  	_ =	shalt  }
0x41: {  	_ =	shalt  }
0x42: {  	_ =	shalt  }
0x43: {  	_ =	shalt  }
0x44: {  	_ =	shalt  }
0x45: {  	_ =	shalt  }
0x46: {  	_ =	shalt  }
0x47: {  	_ =	shalt  }
0x48: {  	_ =	shalt  }
0x49: {  	_ =	shalt  }
0x4a: {  	_ =	shalt  }
0x4b: {  	_ =	shalt  }
0x4c: {  	_ =	shalt  }
0x4d: {  	_ =	shalt  }
0x4e: {  	_ =	shalt  }
0x4f: {  	_ =	shalt  }
0x50: {  	_ =	shalt  }
0x51: {  	_ =	shalt  }
0x52: {  	_ =	shalt  }
0x53: {  	_ =	shalt  }
0x54: {  	_ =	shalt  }
0x55: {  	_ =	shalt  }
0x56: {  	_ =	shalt  }
0x57: {  	_ =	shalt  }
0x58: {  	_ =	shalt  }
0x59: {  	_ =	shalt  }
0x5a: {  	_ =	shalt  }
0x5b: {  	_ =	shalt  }
0x5c: {  	_ =	shalt  }
0x5d: {  	_ =	shalt  }
0x5e: {  	_ =	shalt  }
0x5f: {  	_ =	shalt  }
0x60: {  	_ =	shalt  }
0x61: {  	_ =	shalt  }
0x62: {  	_ =	shalt  }
0x63: {  	_ =	shalt  }
0x64: {  	_ =	shalt  }
0x65: {  	_ =	shalt  }
0x66: {  	_ =	shalt  }
0x67: {  	_ =	shalt  }
0x68: {  	_ =	shalt  }
0x69: {  	_ =	shalt  }
0x6a: {  	_ =	shalt  }
0x6b: {  	_ =	shalt  }
0x6c: {  	_ =	shalt  }
0x6d: {  	_ =	shalt  }
0x6e: {  	_ =	shalt  }
0x6f: {  	_ =	shalt  }
0x70: {  	_ =	shalt  }
0x71: {  	_ =	shalt  }
0x72: {  	_ =	shalt  }
0x73: {  	_ =	shalt  }
0x74: {  	_ =	shalt  }
0x75: {  	_ =	shalt  }
0x76: {  	_ =	shalt  }
0x77: {  	_ =	shalt  }
0x78: {  	_ =	shalt  }
0x79: {  	_ =	shalt  }
0x7a: {  	_ =	shalt  }
0x7b: {  	_ =	shalt  }
0x7c: {  	_ =	shalt  }
0x7d: {  	_ =	shalt  }
0x7e: {  	_ =	shalt  }
0x7f: {  	_ =	shalt  }
0x80: {  	_ =	shalt  }
0x81: {  	_ =	shalt  }
0x82: {  	_ =	shalt  }
0x83: {  	_ =	shalt  }
0x84: {  	_ =	shalt  }
0x85: {  	_ =	shalt  }
0x86: {  	_ =	shalt  }
0x87: {  	_ =	shalt  }
.Lfunc_end0:
.L_simem_size_0:
called_computation.1_lowered:
.L_overlay_start_0:
0x88: {  	s2 =	sld [smem:$0x3FD9]  }
0x89: {  	s3 =	sld [smem:$0x3FFE];
	_ =	sdelay $0x1  }
0x8a: {  	s1 =	srdreg.scid  }
0x8b: {  	s0 =	sand.u32 $0x1, s1  }
0x8c: {  	s16 =	sshll.u32 s0, $0xA;
	s2 =	sadd.s32 s3, s2  }
0x8d: {  	s2 =	sadd.s32 s2, s16  }
0x8e: {  	[smem:$0x3FC0] =	sst s2  }
0x8f: {  	_ = 	snop  }
0x90: {  	(tm) =	ssettm $0x1  }
0x91: {  	s17 =	sld [smem:$0x3FFB];
	_ =	sdelay $0x3  }
0x92: {  	_ =	strace s17  }
0x93: {  	s2 =	sld [smem:$0x3FFC];
	_ =	sdelay $0x3  }
0x94: {  	_ =	strace s2  }
0x95: {  	s2 =	sld [smem:$0x3FFD];
	_ =	sdelay $0x3  }
0x96: {  	_ =	strace s2  }
0x97: {  	_ =	strace $0x8FFFFFFF  }
0x98: {  	s18 =	sld [smem:$0x3FDB];
	_ =	sdelay $0x1  }
0x99: {  	s19 =	simm.s32 $_scs_section_size  }
0x9a: {  	s4 =	simm.s32 $_size__tile_overlayer_lowered;
	s5 =	simm.s32 $_tile_overlayer_lowered  }
0x9b: {  	s22 =	simm.s32 $0x1BFF;
	s21 =	sshll.u32 s5, $0x1;
	s2 =	sadd.s32 s19, s18  }
0x9c: {  	s6 =	simm.s32 $0x0;
	s20 =	sshll.u32 s4, $0x1;
	s4 =	sadd.s32 s21, s2  }
0x9d: {  	[timem:s6], [sflag:s22] =	dma.local [hbm:s4], s20  }
0x9e: {  	_ =	swait.ge [sflag:s22], s20  }
0x9f: {  	s3 =	ssub.s32 $0x0, s20;
	[sflag:s22] =	ssyncset.done $0x0  }
0xa0: {  	[sflag:s22] =	ssyncadd.s32 s3;
	_ =	sdelay $0x1  }
0xa1: {  	s23 =	simm.s32 $0x1B8B  }
0xa2: {  	_ =	swait.ge [sflag:s23], $0x1  }
0xa3: {  	[sflag:s23] =	ssyncset.done $0x0  }
0xa4: {  	s25 =	simm.s32 $0x1B8E;
	s24 =	sld [smem:$0x3FFE];
	[sflag:s23] =	ssyncadd.s32 $0xFFFFFFFF  }
0xa5: {  	s26 =	simm.s32 $execute0_lowered;
	[smem:$0x3FD2] =	sst s25  }
0xa6: {  	s4 =	sshll.u32 s26, $0x1;
	_ =	strace $0x80000049;
	[dreg:$0x1] =	wrdreg $0xFFFFFFFF  }
0xa7: {  	s28 =	simm.s32 $_size_execute0_lowered;
	s2 =	sadd.s32 s2, s4;
	[dreg:$0x0] =	wrdreg $0x0  }
0xa8: {  	s4 =	sshll.u32 s28, $0x1;
	[dreg:$0x2] =	wrdreg s2  }
0xa9: {  	[dreg:$0x3] =	wrdreg s4  }
0xaa: {  	[dreg:$0x4] =	wrdreg $0xC0  }
0xab: {  	_ =	task [dreg:s6], $0x5FFFF  }
0xac: {  	[dreg:$0x1] =	wrdreg $0xFFFFFFFF  }
0xad: {  	[dreg:$0x0] =	wrdreg $0x60  }
0xae: {  	[dreg:$0x2] =	wrdreg s24  }
0xaf: {  	[dreg:$0x3] =	wrdreg $0x10000  }
0xb0: {  	[dreg:$0x4] =	wrdreg $0x9  }
0xb1: {  	_ =	task.clear_ibuf [dreg:s6], $0x5FFFF;
	_ =	strace $0x90000049  }
0xb2: {  	s29 =	simm.s32 $0x9;
	_ =	strace $0x8000004B  }
0xb3: {  	_ =	swait.ge [sflag:s29], $0x1  }
0xb4: {  	[sflag:s29] =	ssyncadd.s32 $0xFFFFFFFF  }
0xb5: {  	_ =	strace $0x9000004B  }
0xb6: {  	_ =	sfence  }
0xb7: {  	s30 =	sld [smem:$0x0];
	_ =	sdelay $0x2  }
0xb8: {  	s31 =	sshll.u32 s1, $0xD;
	s1 =	sshrl.u32 s1, $0x2  }
0xb9: {  	s3 =	sand.u32 $0x4000, s31;
	s1 =	sadd.s32 s1, s30  }
0xba: {  	s0 =	sor.u32 s3, s0;
	s1 =	sshll.u32 s1, $0x11  }
0xbb: {  	s0 =	sor.u32 s1, s0  }
0xbc: {  	s0 =	sadd.s32 $0x8F2B, s0  }
0xbd: {  	[sflag:s0] =	ssyncadd.remote.s32 $0x1  }
0xbe: {  	_ =	sfence.sel $0xFFFF  }
0xbf: {  	[dreg:$0x0] =	wrdreg $0xFFFFFFFF;
	(pc) =	sbr.abs _section_cstart, $3  }
0xc0: {  	[dreg:$0x1] =	wrdreg $0xFFFFFFFF  }
0xc1: {  	_ =	task.clear_ibuf [dreg:s6], $0x2FFFF;
	_ =	strace $0x9FFFFFFF  }
0xc2: {  	(tm) =	ssettm $0x7FFFFFFF  }
0xc3: {  	_ =	shalt  }
tec
execute0_lowered:
.L_overlay_start_1:
0x0: {  	(tag) =	ssettag $0x1  }
0x1: {  	s0 =	srdreg.scid;
	s1 =	rddreg [dreg:$0x0]  }
0x2: {  	s9 =	stileid.u32;
	s2 =	rddreg [dreg:$0x1];
	s3 =	simm.s32 $0x0  }
0x3: {  	s15 =	simm.s32 $0x880;
	s17 =	simm.s32 $0x100;
	s18 =	simm.s32 $0x180  }
0x4: {  	s19 =	simm.s32 $0x900;
	s20 =	simm.s32 $0x980;
	[smem:$0x7FF] =	sst s3  }
0x5: {  	s21 =	simm.s32 $0x200;
	_ =	strace $0x8000004A;
	[dreg:$0x5] =	wrdreg s15  }
0x6: {  	s22 =	simm.s32 $0x280;
	s23 =	simm.s32 $0xA00;
	[dreg:$0x6] =	wrdreg s17  }
0x7: {  	s24 =	simm.s32 $0xA80;
	s25 =	simm.s32 $0x300;
	[dreg:$0x7] =	wrdreg s18  }
0x8: {  	s26 =	simm.s32 $0x380;
	s28 =	simm.s32 $0x680;
	[dreg:$0x8] =	wrdreg s19  }
0x9: {  	s29 =	simm.s32 $0xE00;
	s30 =	simm.s32 $0xE80;
	[dreg:$0x9] =	wrdreg s20  }
0xa: {  	s31 =	simm.s32 $0x700;
	s5 =	smul.u32 $0x2800, s9;
	[dreg:$0xa] =	wrdreg s21  }
0xb: {  	s0 =	sand.u32 $0x1, s0;
	s6 =	smul.u32 $0x14000, s9;
	[dreg:$0xb] =	wrdreg s22  }
0xc: {  	s10 =	smul.u32 $0x50000, s9;
	s16 =	sshll.u32 s9, $0x6;
	[dreg:$0xc] =	wrdreg s23  }
0xd: {  	s9 =	simm.s32 $0x0;
	s4 =	smul.u32 $0x28000, s0;
	[dreg:$0xd] =	wrdreg s24  }
0xe: {  	s7 =	smul.u32 $0x140000, s0;
	s0 =	ssub.s32 $0x2, s0;
	[dreg:$0xe] =	wrdreg s25  }
0xf: {  	s15 =	simm.s32 $0x19000;
	[dreg:$0xf] =	wrdreg s26;
	s17 =	simm.s32 $0xB80  }
0x10: {  	s18 =	simm.s32 $0x400;
	s19 =	simm.s32 $0x480;
	s20 =	simm.s32 $0xC00  }
0x11: {  	s21 =	simm.s32 $0xC80;
	s22 =	simm.s32 $0x500;
	s23 =	simm.s32 $0x580  }
0x12: {  	s24 =	simm.s32 $0xD00;
	s25 =	simm.s32 $0xD80;
	s26 =	simm.s32 $0x600  }
0x13: {  	s8 =	sshrl.u32 s6, $0x3;
	s11 =	sshrl.u32 s0, $0x1;
	s12 =	sshrl.u32 s10, $0x2  }
0x14: {  	s10 =	simm.s32 $0x1;
	s5 =	sadd.s32 s5, s4;
	s4 =	sadd.s32 $0x8EE00, s1  }
0x15: {  	s6 =	sadd.s32 s6, s7;
	s8 =	sadd.s32 s8, s1;
	s0 =	ssub.s32 s0, s11  }
0x16: {  	s7 =	sor.u32 $0x1C01, s16;
	s11 =	simm.s32 $0x2;
	s16 =	simm.s32 $0xB00  }
0x17: {  	s5 =	sshrl.u32 s5, $0x3;
	s6 =	sshrl.u32 s6, $0x3;
	s14 =	sadd.s32 $0x16E00, s8  }
0x18: {  	s0 =	smax.u32 s0, $0x1;
	[dreg:$0x11] =	wrdreg s7;
	s5 =	sadd.s32 s5, s1  }
0x19: {  	s1 =	sadd.s32 s6, s1;
	s6 =	sadd.s32 s12, s2;
	[dreg:$0x10] =	wrdreg s14  }
0x1a: {  	[dreg:$0x13] =	wrdreg s0;
	s12 =	simm.s32 $0x800;
	s13 =	sadd.s32 $0x2E00, s5  }
0x1b: {  	s14 =	simm.s32 $0x15000;
	s5 =	sadd.s32 $0xCE00, s5;
	[dreg:$0x3] =	wrdreg s13  }
0x1c: {  	s0 =	simm.s32 $0xF00;
	s1 =	sadd.s32 $0xB6000, s1;
	[dreg:$0x4] =	wrdreg s5  }
0x1d: {  	s8 =	sshrl.u32 s6, $0x3;
	[dreg:$0x12] =	wrdreg s1;
	s13 =	simm.s32 $0x80  }
0x1e: {  	s1 =	simm.s32 $0x780;
	s5 =	simm.s32 $0xF80;
	[dreg:$0x14] =	wrdreg s8  }
.LBB2_1:
0x1f: {  	[dreg:$0x15] =	wrdreg s9  }
0x20: {  	s6 =	rddreg [dreg:$0x10]  }
0x21: {  	[spmem:s8], [sflag:s7] =	dma.local [hbm:s6], $0x2800  }
0x22: {  	_ =	swait.ge [sflag:s10], $0x2800  }
0x23: {  	[sflag:s10] =	ssyncset.done $0x0  }
0x24: {  	[sflag:s10] =	ssyncadd.s32 $0xFFFFD800  }
0x25: {  	[bflag:$0x0] =	sbarrier.arrive $0xFFFF  }
0x26: {  	s8 =	rddreg [dreg:$0x4]  }
0x27: {  	s6 =	sadd.s32 $0x0, s8  }
0x28: {  	[tilespmem:s3], [sflag:$0x2] =	stream.linear.gather [hbm4b:s6+s3], $0x800, $0x38;
	[tilespmem:$0x1D000] =	vst v63  }
0x29: {  	_ =	swait.ge [sflag:s11], $0x800  }
0x2a: {  	s9 =	rddreg [dreg:$0x3];
	[sflag:s11] =	ssyncset.done $0x0  }
0x2b: {  	[sflag:s11] =	ssyncadd.s32 $0xFFFFF800;
	s6 =	sadd.s32 $0x0, s9  }
0x2c: {  	[tilespmem:s12], [sflag:$0x2] =	stream.linear.gather [hbm4b:s6+s3], $0x800, $0x38;
	[tilespmem:$0x1D000] =	vst v63  }
0x2d: {  	_ =	swait.ge [sflag:s11], $0x800  }
0x2e: {  	[sflag:s11] =	ssyncset.done $0x0  }
0x2f: {  	[sflag:s11] =	ssyncadd.s32 $0xFFFFF800  }
0x30: {  	[tilespmem:s14], [sflag:$0x1] =	stream.indirect.gather [hbm4b:s4+s13], $0x80, s3, s13, $0xb8;
	[tilespmem:$0x1D000] =	vst v63  }
0x31: {  	_ = 	snop  }
0x32: {  	[tilespmem:s15], [sflag:$0x1] =	stream.indirect.gather [hbm4b:s4+s13], $0x80, s13, s13, $0xb8;
	[tilespmem:$0x1D000] =	vst v63  }
0x33: {  	_ =	swait.ge [sflag:s10], $0x4000  }
0x34: {  	[sflag:s10] =	ssyncset.done $0x0  }
0x35: {  	[sflag:s10] =	ssyncadd.s32 $0xFFFFC000  }
0x36: {  	[spmem:s2] =	stream.indirect.scatter.add.f32 [tilespmem:s14], [sflag:$0x2], $0x80, s12, s13, $0xb8;
	[tilespmem:$0x1D000] =	vst v63  }
0x37: {  	_ =	swait.ge [sflag:s11], $0x4000  }
0x38: {  	[sflag:s11] =	ssyncset.done $0x0  }
0x39: {  	[sflag:s11] =	ssyncadd.s32 $0xFFFFC000  }
0x3a: {  	_ =	swait.ge [sflag:s10], $0x4000  }
0x3b: {  	[sflag:s10] =	ssyncset.done $0x0  }
0x3c: {  	s7 =	rddreg [dreg:$0x5];
	[sflag:s10] =	ssyncadd.s32 $0xFFFFC000  }
0x3d: {  	[spmem:s2] =	stream.indirect.scatter.add.f32 [tilespmem:s15], [sflag:$0x2], $0x80, s7, s13, $0xb8;
	[tilespmem:$0x1D000] =	vst v63  }
0x3e: {  	_ =	swait.ge [sflag:s11], $0x4000  }
0x3f: {  	[sflag:s11] =	ssyncset.done $0x0  }
0x40: {  	s8 =	rddreg [dreg:$0x6];
	[sflag:s11] =	ssyncadd.s32 $0xFFFFC000  }
0x41: {  	[tilespmem:s14], [sflag:$0x1] =	stream.indirect.gather [hbm4b:s4+s13], $0x80, s8, s13, $0xb8;
	[tilespmem:$0x1D000] =	vst v63  }
0x42: {  	s9 =	rddreg [dreg:$0x7]  }
0x43: {  	[tilespmem:s15], [sflag:$0x1] =	stream.indirect.gather [hbm4b:s4+s13], $0x80, s9, s13, $0xb8;
	[tilespmem:$0x1D000] =	vst v63  }
0x44: {  	_ =	swait.ge [sflag:s10], $0x4000  }
0x45: {  	[sflag:s10] =	ssyncset.done $0x0  }
0x46: {  	s7 =	rddreg [dreg:$0x8];
	[sflag:s10] =	ssyncadd.s32 $0xFFFFC000  }
0x47: {  	[spmem:s2] =	stream.indirect.scatter.add.f32 [tilespmem:s14], [sflag:$0x2], $0x80, s7, s13, $0xb8;
	[tilespmem:$0x1D000] =	vst v63  }
0x48: {  	_ =	swait.ge [sflag:s11], $0x4000  }
0x49: {  	[sflag:s11] =	ssyncset.done $0x0  }
0x4a: {  	[sflag:s11] =	ssyncadd.s32 $0xFFFFC000  }
0x4b: {  	_ =	swait.ge [sflag:s10], $0x4000  }
0x4c: {  	[sflag:s10] =	ssyncset.done $0x0  }
0x4d: {  	s8 =	rddreg [dreg:$0x9];
	[sflag:s10] =	ssyncadd.s32 $0xFFFFC000  }
0x4e: {  	[spmem:s2] =	stream.indirect.scatter.add.f32 [tilespmem:s15], [sflag:$0x2], $0x80, s8, s13, $0xb8;
	[tilespmem:$0x1D000] =	vst v63  }
0x4f: {  	_ =	swait.ge [sflag:s11], $0x4000  }
0x50: {  	[sflag:s11] =	ssyncset.done $0x0  }
0x51: {  	s9 =	rddreg [dreg:$0xa];
	[sflag:s11] =	ssyncadd.s32 $0xFFFFC000  }
0x52: {  	[tilespmem:s14], [sflag:$0x1] =	stream.indirect.gather [hbm4b:s4+s13], $0x80, s9, s13, $0xb8;
	[tilespmem:$0x1D000] =	vst v63  }
0x53: {  	s7 =	rddreg [dreg:$0xb]  }
0x54: {  	[tilespmem:s15], [sflag:$0x1] =	stream.indirect.gather [hbm4b:s4+s13], $0x80, s7, s13, $0xb8;
	[tilespmem:$0x1D000] =	vst v63  }
0x55: {  	_ =	swait.ge [sflag:s10], $0x4000  }
0x56: {  	[sflag:s10] =	ssyncset.done $0x0  }
0x57: {  	s9 =	rddreg [dreg:$0xc];
	[sflag:s10] =	ssyncadd.s32 $0xFFFFC000  }
0x58: {  	[spmem:s2] =	stream.indirect.scatter.add.f32 [tilespmem:s14], [sflag:$0x2], $0x80, s9, s13, $0xb8;
	[tilespmem:$0x1D000] =	vst v63  }
0x59: {  	_ =	swait.ge [sflag:s11], $0x4000  }
0x5a: {  	[sflag:s11] =	ssyncset.done $0x0  }
0x5b: {  	[sflag:s11] =	ssyncadd.s32 $0xFFFFC000  }
0x5c: {  	_ =	swait.ge [sflag:s10], $0x4000  }
0x5d: {  	[sflag:s10] =	ssyncset.done $0x0  }
0x5e: {  	s7 =	rddreg [dreg:$0xd];
	[sflag:s10] =	ssyncadd.s32 $0xFFFFC000  }
0x5f: {  	[spmem:s2] =	stream.indirect.scatter.add.f32 [tilespmem:s15], [sflag:$0x2], $0x80, s7, s13, $0xb8;
	[tilespmem:$0x1D000] =	vst v63  }
0x60: {  	_ =	swait.ge [sflag:s11], $0x4000  }
0x61: {  	[sflag:s11] =	ssyncset.done $0x0  }
0x62: {  	s8 =	rddreg [dreg:$0xe];
	[sflag:s11] =	ssyncadd.s32 $0xFFFFC000  }
0x63: {  	[tilespmem:s14], [sflag:$0x1] =	stream.indirect.gather [hbm4b:s4+s13], $0x80, s8, s13, $0xb8;
	[tilespmem:$0x1D000] =	vst v63  }
0x64: {  	s9 =	rddreg [dreg:$0xf]  }
0x65: {  	[tilespmem:s15], [sflag:$0x1] =	stream.indirect.gather [hbm4b:s4+s13], $0x80, s9, s13, $0xb8;
	[tilespmem:$0x1D000] =	vst v63  }
0x66: {  	_ =	swait.ge [sflag:s10], $0x4000  }
0x67: {  	[sflag:s10] =	ssyncset.done $0x0  }
0x68: {  	[sflag:s10] =	ssyncadd.s32 $0xFFFFC000  }
0x69: {  	[spmem:s2] =	stream.indirect.scatter.add.f32 [tilespmem:s14], [sflag:$0x2], $0x80, s16, s13, $0xb8;
	[tilespmem:$0x1D000] =	vst v63  }
0x6a: {  	_ =	swait.ge [sflag:s11], $0x4000  }
0x6b: {  	[sflag:s11] =	ssyncset.done $0x0  }
0x6c: {  	[sflag:s11] =	ssyncadd.s32 $0xFFFFC000  }
0x6d: {  	_ =	swait.ge [sflag:s10], $0x4000  }
0x6e: {  	[sflag:s10] =	ssyncset.done $0x0  }
0x6f: {  	[sflag:s10] =	ssyncadd.s32 $0xFFFFC000  }
0x70: {  	[spmem:s2] =	stream.indirect.scatter.add.f32 [tilespmem:s15], [sflag:$0x2], $0x80, s17, s13, $0xb8;
	[tilespmem:$0x1D000] =	vst v63  }
0x71: {  	_ =	swait.ge [sflag:s11], $0x4000  }
0x72: {  	[sflag:s11] =	ssyncset.done $0x0  }
0x73: {  	[sflag:s11] =	ssyncadd.s32 $0xFFFFC000  }
0x74: {  	[tilespmem:s14], [sflag:$0x1] =	stream.indirect.gather [hbm4b:s4+s13], $0x80, s18, s13, $0xb8;
	[tilespmem:$0x1D000] =	vst v63  }
0x75: {  	_ = 	snop  }
0x76: {  	[tilespmem:s15], [sflag:$0x1] =	stream.indirect.gather [hbm4b:s4+s13], $0x80, s19, s13, $0xb8;
	[tilespmem:$0x1D000] =	vst v63  }
0x77: {  	_ =	swait.ge [sflag:s10], $0x4000  }
0x78: {  	[sflag:s10] =	ssyncset.done $0x0  }
0x79: {  	[sflag:s10] =	ssyncadd.s32 $0xFFFFC000  }
0x7a: {  	[spmem:s2] =	stream.indirect.scatter.add.f32 [tilespmem:s14], [sflag:$0x2], $0x80, s20, s13, $0xb8;
	[tilespmem:$0x1D000] =	vst v63  }
0x7b: {  	_ =	swait.ge [sflag:s11], $0x4000  }
0x7c: {  	[sflag:s11] =	ssyncset.done $0x0  }
0x7d: {  	[sflag:s11] =	ssyncadd.s32 $0xFFFFC000  }
0x7e: {  	_ =	swait.ge [sflag:s10], $0x4000  }
0x7f: {  	[sflag:s10] =	ssyncset.done $0x0  }
0x80: {  	[sflag:s10] =	ssyncadd.s32 $0xFFFFC000  }
0x81: {  	[spmem:s2] =	stream.indirect.scatter.add.f32 [tilespmem:s15], [sflag:$0x2], $0x80, s21, s13, $0xb8;
	[tilespmem:$0x1D000] =	vst v63  }
0x82: {  	_ =	swait.ge [sflag:s11], $0x4000  }
0x83: {  	[sflag:s11] =	ssyncset.done $0x0  }
0x84: {  	[sflag:s11] =	ssyncadd.s32 $0xFFFFC000  }
0x85: {  	[tilespmem:s14], [sflag:$0x1] =	stream.indirect.gather [hbm4b:s4+s13], $0x80, s22, s13, $0xb8;
	[tilespmem:$0x1D000] =	vst v63  }
0x86: {  	_ = 	snop  }
0x87: {  	[tilespmem:s15], [sflag:$0x1] =	stream.indirect.gather [hbm4b:s4+s13], $0x80, s23, s13, $0xb8;
	[tilespmem:$0x1D000] =	vst v63  }
0x88: {  	_ =	swait.ge [sflag:s10], $0x4000  }
0x89: {  	[sflag:s10] =	ssyncset.done $0x0  }
0x8a: {  	[sflag:s10] =	ssyncadd.s32 $0xFFFFC000  }
0x8b: {  	[spmem:s2] =	stream.indirect.scatter.add.f32 [tilespmem:s14], [sflag:$0x2], $0x80, s24, s13, $0xb8;
	[tilespmem:$0x1D000] =	vst v63  }
0x8c: {  	_ =	swait.ge [sflag:s11], $0x4000  }
0x8d: {  	[sflag:s11] =	ssyncset.done $0x0  }
0x8e: {  	[sflag:s11] =	ssyncadd.s32 $0xFFFFC000  }
0x8f: {  	_ =	swait.ge [sflag:s10], $0x4000  }
0x90: {  	[sflag:s10] =	ssyncset.done $0x0  }
0x91: {  	[sflag:s10] =	ssyncadd.s32 $0xFFFFC000  }
0x92: {  	[spmem:s2] =	stream.indirect.scatter.add.f32 [tilespmem:s15], [sflag:$0x2], $0x80, s25, s13, $0xb8;
	[tilespmem:$0x1D000] =	vst v63  }
0x93: {  	_ =	swait.ge [sflag:s11], $0x4000  }
0x94: {  	[sflag:s11] =	ssyncset.done $0x0  }
0x95: {  	[sflag:s11] =	ssyncadd.s32 $0xFFFFC000  }
0x96: {  	[tilespmem:s14], [sflag:$0x1] =	stream.indirect.gather [hbm4b:s4+s13], $0x80, s26, s13, $0xb8;
	[tilespmem:$0x1D000] =	vst v63  }
0x97: {  	_ = 	snop  }
0x98: {  	[tilespmem:s15], [sflag:$0x1] =	stream.indirect.gather [hbm4b:s4+s13], $0x80, s28, s13, $0xb8;
	[tilespmem:$0x1D000] =	vst v63  }
0x99: {  	_ =	swait.ge [sflag:s10], $0x4000  }
0x9a: {  	[sflag:s10] =	ssyncset.done $0x0  }
0x9b: {  	[sflag:s10] =	ssyncadd.s32 $0xFFFFC000  }
0x9c: {  	[spmem:s2] =	stream.indirect.scatter.add.f32 [tilespmem:s14], [sflag:$0x2], $0x80, s29, s13, $0xb8;
	[tilespmem:$0x1D000] =	vst v63  }
0x9d: {  	_ =	swait.ge [sflag:s11], $0x4000  }
0x9e: {  	[sflag:s11] =	ssyncset.done $0x0  }
0x9f: {  	[sflag:s11] =	ssyncadd.s32 $0xFFFFC000  }
0xa0: {  	_ =	swait.ge [sflag:s10], $0x4000  }
0xa1: {  	[sflag:s10] =	ssyncset.done $0x0  }
0xa2: {  	[sflag:s10] =	ssyncadd.s32 $0xFFFFC000  }
0xa3: {  	[spmem:s2] =	stream.indirect.scatter.add.f32 [tilespmem:s15], [sflag:$0x2], $0x80, s30, s13, $0xb8;
	[tilespmem:$0x1D000] =	vst v63  }
0xa4: {  	_ =	swait.ge [sflag:s11], $0x4000  }
0xa5: {  	[sflag:s11] =	ssyncset.done $0x0  }
0xa6: {  	[sflag:s11] =	ssyncadd.s32 $0xFFFFC000  }
0xa7: {  	[tilespmem:s14], [sflag:$0x1] =	stream.indirect.gather [hbm4b:s4+s13], $0x80, s31, s13, $0xb8;
	[tilespmem:$0x1D000] =	vst v63  }
0xa8: {  	_ = 	snop  }
0xa9: {  	[tilespmem:s15], [sflag:$0x1] =	stream.indirect.gather [hbm4b:s4+s13], $0x80, s1, s13, $0xb8;
	[tilespmem:$0x1D000] =	vst v63  }
0xaa: {  	_ =	swait.ge [sflag:s10], $0x4000  }
0xab: {  	[sflag:s10] =	ssyncset.done $0x0  }
0xac: {  	[sflag:s10] =	ssyncadd.s32 $0xFFFFC000  }
0xad: {  	[spmem:s2] =	stream.indirect.scatter.add.f32 [tilespmem:s14], [sflag:$0x2], $0x80, s0, s13, $0xb8;
	[tilespmem:$0x1D000] =	vst v63  }
0xae: {  	_ =	swait.ge [sflag:s11], $0x4000  }
0xaf: {  	[sflag:s11] =	ssyncset.done $0x0  }
0xb0: {  	[sflag:s11] =	ssyncadd.s32 $0xFFFFC000  }
0xb1: {  	_ =	swait.ge [sflag:s10], $0x4000  }
0xb2: {  	[sflag:s10] =	ssyncset.done $0x0  }
0xb3: {  	[sflag:s10] =	ssyncadd.s32 $0xFFFFC000  }
0xb4: {  	[spmem:s2] =	stream.indirect.scatter.add.f32 [tilespmem:s15], [sflag:$0x2], $0x80, s5, s13, $0xb8;
	[tilespmem:$0x1D000] =	vst v63  }
0xb5: {  	s6 =	simm.s32 $0x200;
	_ =	swait.ge [sflag:s11], $0x4000  }
0xb6: {  	s8 =	simm.s32 $0x100;
	s9 =	rddreg [dreg:$0x4];
	[sflag:s11] =	ssyncset.done $0x0  }
.LBB2_2:
0xb7: {  	[sflag:s11] =	ssyncadd.s32 $0xFFFFC000;
	s9 =	sadd.s32 s8, s9  }
0xb8: {  	[tilespmem:s3], [sflag:$0x2] =	stream.linear.gather [hbm4b:s9+s3], $0x800, $0x38;
	[tilespmem:$0x1D000] =	vst v63  }
0xb9: {  	_ =	swait.ge [sflag:s11], $0x800  }
0xba: {  	s9 =	rddreg [dreg:$0x3];
	[sflag:s11] =	ssyncset.done $0x0  }
0xbb: {  	[sflag:s11] =	ssyncadd.s32 $0xFFFFF800;
	s9 =	sadd.s32 s8, s9  }
0xbc: {  	[tilespmem:s12], [sflag:$0x2] =	stream.linear.gather [hbm4b:s9+s3], $0x800, $0x38;
	[tilespmem:$0x1D000] =	vst v63  }
0xbd: {  	_ =	swait.ge [sflag:s11], $0x800  }
0xbe: {  	[sflag:s11] =	ssyncset.done $0x0  }
0xbf: {  	[sflag:s11] =	ssyncadd.s32 $0xFFFFF800  }
0xc0: {  	[tilespmem:s14], [sflag:$0x1] =	stream.indirect.gather [hbm4b:s4+s13], $0x80, s3, s13, $0xb8;
	[tilespmem:$0x1D000] =	vst v63  }
0xc1: {  	_ = 	snop  }
0xc2: {  	[tilespmem:s15], [sflag:$0x1] =	stream.indirect.gather [hbm4b:s4+s13], $0x80, s13, s13, $0xb8;
	[tilespmem:$0x1D000] =	vst v63  }
0xc3: {  	_ =	swait.ge [sflag:s10], $0x4000  }
0xc4: {  	[sflag:s10] =	ssyncset.done $0x0  }
0xc5: {  	[sflag:s10] =	ssyncadd.s32 $0xFFFFC000  }
0xc6: {  	[spmem:s2] =	stream.indirect.scatter.add.f32 [tilespmem:s14], [sflag:$0x2], $0x80, s12, s13, $0xb8;
	[tilespmem:$0x1D000] =	vst v63  }
0xc7: {  	_ =	swait.ge [sflag:s11], $0x4000  }
0xc8: {  	[sflag:s11] =	ssyncset.done $0x0  }
0xc9: {  	[sflag:s11] =	ssyncadd.s32 $0xFFFFC000  }
0xca: {  	_ =	swait.ge [sflag:s10], $0x4000  }
0xcb: {  	[sflag:s10] =	ssyncset.done $0x0  }
0xcc: {  	s9 =	rddreg [dreg:$0x5];
	[sflag:s10] =	ssyncadd.s32 $0xFFFFC000  }
0xcd: {  	[spmem:s2] =	stream.indirect.scatter.add.f32 [tilespmem:s15], [sflag:$0x2], $0x80, s9, s13, $0xb8;
	[tilespmem:$0x1D000] =	vst v63  }
0xce: {  	_ =	swait.ge [sflag:s11], $0x4000  }
0xcf: {  	s7 =	smov.u32 s6;
	[sflag:s11] =	ssyncset.done $0x0  }
0xd0: {  	s8 =	smov.u32 s7;
	s7 =	rddreg [dreg:$0x6];
	[sflag:s11] =	ssyncadd.s32 $0xFFFFC000  }
0xd1: {  	[tilespmem:s14], [sflag:$0x1] =	stream.indirect.gather [hbm4b:s4+s13], $0x80, s7, s13, $0xb8;
	[tilespmem:$0x1D000] =	vst v63  }
0xd2: {  	s9 =	rddreg [dreg:$0x7]  }
0xd3: {  	[tilespmem:s15], [sflag:$0x1] =	stream.indirect.gather [hbm4b:s4+s13], $0x80, s9, s13, $0xb8;
	[tilespmem:$0x1D000] =	vst v63  }
0xd4: {  	_ =	swait.ge [sflag:s10], $0x4000  }
0xd5: {  	[sflag:s10] =	ssyncset.done $0x0  }
0xd6: {  	s9 =	rddreg [dreg:$0x8];
	[sflag:s10] =	ssyncadd.s32 $0xFFFFC000  }
0xd7: {  	[spmem:s2] =	stream.indirect.scatter.add.f32 [tilespmem:s14], [sflag:$0x2], $0x80, s9, s13, $0xb8;
	[tilespmem:$0x1D000] =	vst v63  }
0xd8: {  	_ =	swait.ge [sflag:s11], $0x4000  }
0xd9: {  	[sflag:s11] =	ssyncset.done $0x0  }
0xda: {  	[sflag:s11] =	ssyncadd.s32 $0xFFFFC000  }
0xdb: {  	_ =	swait.ge [sflag:s10], $0x4000  }
0xdc: {  	[sflag:s10] =	ssyncset.done $0x0  }
0xdd: {  	s9 =	rddreg [dreg:$0x9];
	[sflag:s10] =	ssyncadd.s32 $0xFFFFC000  }
0xde: {  	[spmem:s2] =	stream.indirect.scatter.add.f32 [tilespmem:s15], [sflag:$0x2], $0x80, s9, s13, $0xb8;
	[tilespmem:$0x1D000] =	vst v63  }
0xdf: {  	_ =	swait.ge [sflag:s11], $0x4000  }
0xe0: {  	[sflag:s11] =	ssyncset.done $0x0  }
0xe1: {  	s7 =	rddreg [dreg:$0xa];
	[sflag:s11] =	ssyncadd.s32 $0xFFFFC000  }
0xe2: {  	[tilespmem:s14], [sflag:$0x1] =	stream.indirect.gather [hbm4b:s4+s13], $0x80, s7, s13, $0xb8;
	[tilespmem:$0x1D000] =	vst v63  }
0xe3: {  	s9 =	rddreg [dreg:$0xb]  }
0xe4: {  	[tilespmem:s15], [sflag:$0x1] =	stream.indirect.gather [hbm4b:s4+s13], $0x80, s9, s13, $0xb8;
	[tilespmem:$0x1D000] =	vst v63  }
0xe5: {  	_ =	swait.ge [sflag:s10], $0x4000  }
0xe6: {  	[sflag:s10] =	ssyncset.done $0x0  }
0xe7: {  	s9 =	rddreg [dreg:$0xc];
	[sflag:s10] =	ssyncadd.s32 $0xFFFFC000  }
0xe8: {  	[spmem:s2] =	stream.indirect.scatter.add.f32 [tilespmem:s14], [sflag:$0x2], $0x80, s9, s13, $0xb8;
	[tilespmem:$0x1D000] =	vst v63  }
0xe9: {  	_ =	swait.ge [sflag:s11], $0x4000  }
0xea: {  	[sflag:s11] =	ssyncset.done $0x0  }
0xeb: {  	[sflag:s11] =	ssyncadd.s32 $0xFFFFC000  }
0xec: {  	_ =	swait.ge [sflag:s10], $0x4000  }
0xed: {  	[sflag:s10] =	ssyncset.done $0x0  }
0xee: {  	s9 =	rddreg [dreg:$0xd];
	[sflag:s10] =	ssyncadd.s32 $0xFFFFC000  }
0xef: {  	[spmem:s2] =	stream.indirect.scatter.add.f32 [tilespmem:s15], [sflag:$0x2], $0x80, s9, s13, $0xb8;
	[tilespmem:$0x1D000] =	vst v63  }
0xf0: {  	_ =	swait.ge [sflag:s11], $0x4000  }
0xf1: {  	[sflag:s11] =	ssyncset.done $0x0  }
0xf2: {  	s7 =	rddreg [dreg:$0xe];
	[sflag:s11] =	ssyncadd.s32 $0xFFFFC000  }
0xf3: {  	[tilespmem:s14], [sflag:$0x1] =	stream.indirect.gather [hbm4b:s4+s13], $0x80, s7, s13, $0xb8;
	[tilespmem:$0x1D000] =	vst v63  }
0xf4: {  	s9 =	rddreg [dreg:$0xf]  }
0xf5: {  	[tilespmem:s15], [sflag:$0x1] =	stream.indirect.gather [hbm4b:s4+s13], $0x80, s9, s13, $0xb8;
	[tilespmem:$0x1D000] =	vst v63  }
0xf6: {  	_ =	swait.ge [sflag:s10], $0x4000  }
0xf7: {  	[sflag:s10] =	ssyncset.done $0x0  }
0xf8: {  	[sflag:s10] =	ssyncadd.s32 $0xFFFFC000  }
0xf9: {  	[spmem:s2] =	stream.indirect.scatter.add.f32 [tilespmem:s14], [sflag:$0x2], $0x80, s16, s13, $0xb8;
	[tilespmem:$0x1D000] =	vst v63  }
0xfa: {  	_ =	swait.ge [sflag:s11], $0x4000  }
0xfb: {  	[sflag:s11] =	ssyncset.done $0x0  }
0xfc: {  	[sflag:s11] =	ssyncadd.s32 $0xFFFFC000  }
0xfd: {  	_ =	swait.ge [sflag:s10], $0x4000  }
0xfe: {  	[sflag:s10] =	ssyncset.done $0x0  }
0xff: {  	[sflag:s10] =	ssyncadd.s32 $0xFFFFC000  }
0x100: {  	[spmem:s2] =	stream.indirect.scatter.add.f32 [tilespmem:s15], [sflag:$0x2], $0x80, s17, s13, $0xb8;
	[tilespmem:$0x1D000] =	vst v63  }
0x101: {  	_ =	swait.ge [sflag:s11], $0x4000  }
0x102: {  	[sflag:s11] =	ssyncset.done $0x0  }
0x103: {  	[sflag:s11] =	ssyncadd.s32 $0xFFFFC000  }
0x104: {  	[tilespmem:s14], [sflag:$0x1] =	stream.indirect.gather [hbm4b:s4+s13], $0x80, s18, s13, $0xb8;
	[tilespmem:$0x1D000] =	vst v63  }
0x105: {  	_ = 	snop  }
0x106: {  	[tilespmem:s15], [sflag:$0x1] =	stream.indirect.gather [hbm4b:s4+s13], $0x80, s19, s13, $0xb8;
	[tilespmem:$0x1D000] =	vst v63  }
0x107: {  	_ =	swait.ge [sflag:s10], $0x4000  }
0x108: {  	[sflag:s10] =	ssyncset.done $0x0  }
0x109: {  	[sflag:s10] =	ssyncadd.s32 $0xFFFFC000  }
0x10a: {  	[spmem:s2] =	stream.indirect.scatter.add.f32 [tilespmem:s14], [sflag:$0x2], $0x80, s20, s13, $0xb8;
	[tilespmem:$0x1D000] =	vst v63  }
0x10b: {  	_ =	swait.ge [sflag:s11], $0x4000  }
0x10c: {  	[sflag:s11] =	ssyncset.done $0x0  }
0x10d: {  	[sflag:s11] =	ssyncadd.s32 $0xFFFFC000  }
0x10e: {  	_ =	swait.ge [sflag:s10], $0x4000  }
0x10f: {  	[sflag:s10] =	ssyncset.done $0x0  }
0x110: {  	[sflag:s10] =	ssyncadd.s32 $0xFFFFC000  }
0x111: {  	[spmem:s2] =	stream.indirect.scatter.add.f32 [tilespmem:s15], [sflag:$0x2], $0x80, s21, s13, $0xb8;
	[tilespmem:$0x1D000] =	vst v63  }
0x112: {  	_ =	swait.ge [sflag:s11], $0x4000  }
0x113: {  	[sflag:s11] =	ssyncset.done $0x0  }
0x114: {  	[sflag:s11] =	ssyncadd.s32 $0xFFFFC000  }
0x115: {  	[tilespmem:s14], [sflag:$0x1] =	stream.indirect.gather [hbm4b:s4+s13], $0x80, s22, s13, $0xb8;
	[tilespmem:$0x1D000] =	vst v63  }
0x116: {  	_ = 	snop  }
0x117: {  	[tilespmem:s15], [sflag:$0x1] =	stream.indirect.gather [hbm4b:s4+s13], $0x80, s23, s13, $0xb8;
	[tilespmem:$0x1D000] =	vst v63  }
0x118: {  	_ =	swait.ge [sflag:s10], $0x4000  }
0x119: {  	[sflag:s10] =	ssyncset.done $0x0  }
0x11a: {  	[sflag:s10] =	ssyncadd.s32 $0xFFFFC000  }
0x11b: {  	[spmem:s2] =	stream.indirect.scatter.add.f32 [tilespmem:s14], [sflag:$0x2], $0x80, s24, s13, $0xb8;
	[tilespmem:$0x1D000] =	vst v63  }
0x11c: {  	_ =	swait.ge [sflag:s11], $0x4000  }
0x11d: {  	[sflag:s11] =	ssyncset.done $0x0  }
0x11e: {  	[sflag:s11] =	ssyncadd.s32 $0xFFFFC000  }
0x11f: {  	_ =	swait.ge [sflag:s10], $0x4000  }
0x120: {  	[sflag:s10] =	ssyncset.done $0x0  }
0x121: {  	[sflag:s10] =	ssyncadd.s32 $0xFFFFC000  }
0x122: {  	[spmem:s2] =	stream.indirect.scatter.add.f32 [tilespmem:s15], [sflag:$0x2], $0x80, s25, s13, $0xb8;
	[tilespmem:$0x1D000] =	vst v63  }
0x123: {  	_ =	swait.ge [sflag:s11], $0x4000  }
0x124: {  	[sflag:s11] =	ssyncset.done $0x0  }
0x125: {  	[sflag:s11] =	ssyncadd.s32 $0xFFFFC000  }
0x126: {  	[tilespmem:s14], [sflag:$0x1] =	stream.indirect.gather [hbm4b:s4+s13], $0x80, s26, s13, $0xb8;
	[tilespmem:$0x1D000] =	vst v63  }
0x127: {  	_ = 	snop  }
0x128: {  	[tilespmem:s15], [sflag:$0x1] =	stream.indirect.gather [hbm4b:s4+s13], $0x80, s28, s13, $0xb8;
	[tilespmem:$0x1D000] =	vst v63  }
0x129: {  	_ =	swait.ge [sflag:s10], $0x4000  }
0x12a: {  	[sflag:s10] =	ssyncset.done $0x0  }
0x12b: {  	[sflag:s10] =	ssyncadd.s32 $0xFFFFC000  }
0x12c: {  	[spmem:s2] =	stream.indirect.scatter.add.f32 [tilespmem:s14], [sflag:$0x2], $0x80, s29, s13, $0xb8;
	[tilespmem:$0x1D000] =	vst v63  }
0x12d: {  	_ =	swait.ge [sflag:s11], $0x4000  }
0x12e: {  	[sflag:s11] =	ssyncset.done $0x0  }
0x12f: {  	[sflag:s11] =	ssyncadd.s32 $0xFFFFC000  }
0x130: {  	_ =	swait.ge [sflag:s10], $0x4000  }
0x131: {  	[sflag:s10] =	ssyncset.done $0x0  }
0x132: {  	[sflag:s10] =	ssyncadd.s32 $0xFFFFC000  }
0x133: {  	[spmem:s2] =	stream.indirect.scatter.add.f32 [tilespmem:s15], [sflag:$0x2], $0x80, s30, s13, $0xb8;
	[tilespmem:$0x1D000] =	vst v63  }
0x134: {  	_ =	swait.ge [sflag:s11], $0x4000  }
0x135: {  	[sflag:s11] =	ssyncset.done $0x0  }
0x136: {  	[sflag:s11] =	ssyncadd.s32 $0xFFFFC000  }
0x137: {  	[tilespmem:s14], [sflag:$0x1] =	stream.indirect.gather [hbm4b:s4+s13], $0x80, s31, s13, $0xb8;
	[tilespmem:$0x1D000] =	vst v63  }
0x138: {  	_ = 	snop  }
0x139: {  	[tilespmem:s15], [sflag:$0x1] =	stream.indirect.gather [hbm4b:s4+s13], $0x80, s1, s13, $0xb8;
	[tilespmem:$0x1D000] =	vst v63  }
0x13a: {  	_ =	swait.ge [sflag:s10], $0x4000  }
0x13b: {  	[sflag:s10] =	ssyncset.done $0x0  }
0x13c: {  	[sflag:s10] =	ssyncadd.s32 $0xFFFFC000  }
0x13d: {  	[spmem:s2] =	stream.indirect.scatter.add.f32 [tilespmem:s14], [sflag:$0x2], $0x80, s0, s13, $0xb8;
	[tilespmem:$0x1D000] =	vst v63  }
0x13e: {  	_ =	swait.ge [sflag:s11], $0x4000  }
0x13f: {  	[sflag:s11] =	ssyncset.done $0x0  }
0x140: {  	[sflag:s11] =	ssyncadd.s32 $0xFFFFC000  }
0x141: {  	p0 =	sne.s32 s6, $0x400;
	_ =	swait.ge [sflag:s10], $0x4000  }
.Ltmp0:
0x142: {  	[sflag:s10] =	ssyncset.done $0x0;
	(pc) =	sbr.rel @p0 .LBB2_2-.Ltmp0, $4  }
0x143: {  	[sflag:s10] =	ssyncadd.s32 $0xFFFFC000  }
0x144: {  	[spmem:s2] =	stream.indirect.scatter.add.f32 [tilespmem:s15], [sflag:$0x2], $0x80, s5, s13, $0xb8;
	[tilespmem:$0x1D000] =	vst v63  }
0x145: {  	_ =	swait.ge [sflag:s11], $0x4000  }
0x146: {  	s6 =	sadd.s32 $0x100, s6;
	s9 =	rddreg [dreg:$0x4];
	[sflag:s11] =	ssyncset.done $0x0  }
0x147: {  	[sflag:s11] =	ssyncadd.s32 $0xFFFFC000;
	s6 =	sadd.s32 s8, s9  }
0x148: {  	[tilespmem:s3], [sflag:$0x2] =	stream.linear.gather [hbm4b:s6+s3], $0x800, $0x38;
	[tilespmem:$0x1D000] =	vst v63  }
0x149: {  	_ =	swait.ge [sflag:s11], $0x800  }
0x14a: {  	s9 =	rddreg [dreg:$0x3];
	[sflag:s11] =	ssyncset.done $0x0  }
0x14b: {  	[sflag:s11] =	ssyncadd.s32 $0xFFFFF800;
	s6 =	sadd.s32 s8, s9  }
0x14c: {  	[tilespmem:s12], [sflag:$0x2] =	stream.linear.gather [hbm4b:s6+s3], $0x800, $0x38;
	[tilespmem:$0x1D000] =	vst v63  }
0x14d: {  	_ =	swait.ge [sflag:s11], $0x800  }
0x14e: {  	[sflag:s11] =	ssyncset.done $0x0  }
0x14f: {  	[sflag:s11] =	ssyncadd.s32 $0xFFFFF800  }
0x150: {  	[tilespmem:s14], [sflag:$0x1] =	stream.indirect.gather [hbm4b:s4+s13], $0x80, s3, s13, $0xb8;
	[tilespmem:$0x1D000] =	vst v63  }
0x151: {  	_ = 	snop  }
0x152: {  	[tilespmem:s15], [sflag:$0x1] =	stream.indirect.gather [hbm4b:s4+s13], $0x80, s13, s13, $0xb8;
	[tilespmem:$0x1D000] =	vst v63  }
0x153: {  	_ =	swait.ge [sflag:s10], $0x4000  }
0x154: {  	[sflag:s10] =	ssyncset.done $0x0  }
0x155: {  	[sflag:s10] =	ssyncadd.s32 $0xFFFFC000  }
0x156: {  	[spmem:s2] =	stream.indirect.scatter.add.f32 [tilespmem:s14], [sflag:$0x2], $0x80, s12, s13, $0xb8;
	[tilespmem:$0x1D000] =	vst v63  }
0x157: {  	_ =	swait.ge [sflag:s11], $0x4000  }
0x158: {  	[sflag:s11] =	ssyncset.done $0x0  }
0x159: {  	[sflag:s11] =	ssyncadd.s32 $0xFFFFC000  }
0x15a: {  	_ =	swait.ge [sflag:s10], $0x4000  }
0x15b: {  	[sflag:s10] =	ssyncset.done $0x0  }
0x15c: {  	s7 =	rddreg [dreg:$0x5];
	[sflag:s10] =	ssyncadd.s32 $0xFFFFC000  }
0x15d: {  	[spmem:s2] =	stream.indirect.scatter.add.f32 [tilespmem:s15], [sflag:$0x2], $0x80, s7, s13, $0xb8;
	[tilespmem:$0x1D000] =	vst v63  }
0x15e: {  	_ =	swait.ge [sflag:s11], $0x4000  }
0x15f: {  	[sflag:s11] =	ssyncset.done $0x0  }
0x160: {  	s8 =	rddreg [dreg:$0x6];
	[sflag:s11] =	ssyncadd.s32 $0xFFFFC000  }
0x161: {  	[tilespmem:s14], [sflag:$0x1] =	stream.indirect.gather [hbm4b:s4+s13], $0x80, s8, s13, $0xb8;
	[tilespmem:$0x1D000] =	vst v63  }
0x162: {  	s7 =	rddreg [dreg:$0x7]  }
0x163: {  	[tilespmem:s15], [sflag:$0x1] =	stream.indirect.gather [hbm4b:s4+s13], $0x80, s7, s13, $0xb8;
	[tilespmem:$0x1D000] =	vst v63  }
0x164: {  	_ =	swait.ge [sflag:s10], $0x4000  }
0x165: {  	[sflag:s10] =	ssyncset.done $0x0  }
0x166: {  	s9 =	rddreg [dreg:$0x8];
	[sflag:s10] =	ssyncadd.s32 $0xFFFFC000  }
0x167: {  	[spmem:s2] =	stream.indirect.scatter.add.f32 [tilespmem:s14], [sflag:$0x2], $0x80, s9, s13, $0xb8;
	[tilespmem:$0x1D000] =	vst v63  }
0x168: {  	_ =	swait.ge [sflag:s11], $0x4000  }
0x169: {  	[sflag:s11] =	ssyncset.done $0x0  }
0x16a: {  	[sflag:s11] =	ssyncadd.s32 $0xFFFFC000  }
0x16b: {  	_ =	swait.ge [sflag:s10], $0x4000  }
0x16c: {  	[sflag:s10] =	ssyncset.done $0x0  }
0x16d: {  	s7 =	rddreg [dreg:$0x9];
	[sflag:s10] =	ssyncadd.s32 $0xFFFFC000  }
0x16e: {  	[spmem:s2] =	stream.indirect.scatter.add.f32 [tilespmem:s15], [sflag:$0x2], $0x80, s7, s13, $0xb8;
	[tilespmem:$0x1D000] =	vst v63  }
0x16f: {  	_ =	swait.ge [sflag:s11], $0x4000  }
0x170: {  	[sflag:s11] =	ssyncset.done $0x0  }
0x171: {  	s8 =	rddreg [dreg:$0xa];
	[sflag:s11] =	ssyncadd.s32 $0xFFFFC000  }
0x172: {  	[tilespmem:s14], [sflag:$0x1] =	stream.indirect.gather [hbm4b:s4+s13], $0x80, s8, s13, $0xb8;
	[tilespmem:$0x1D000] =	vst v63  }
0x173: {  	s9 =	rddreg [dreg:$0xb]  }
0x174: {  	[tilespmem:s15], [sflag:$0x1] =	stream.indirect.gather [hbm4b:s4+s13], $0x80, s9, s13, $0xb8;
	[tilespmem:$0x1D000] =	vst v63  }
0x175: {  	_ =	swait.ge [sflag:s10], $0x4000  }
0x176: {  	[sflag:s10] =	ssyncset.done $0x0  }
0x177: {  	s8 =	rddreg [dreg:$0xc];
	[sflag:s10] =	ssyncadd.s32 $0xFFFFC000  }
0x178: {  	[spmem:s2] =	stream.indirect.scatter.add.f32 [tilespmem:s14], [sflag:$0x2], $0x80, s8, s13, $0xb8;
	[tilespmem:$0x1D000] =	vst v63  }
0x179: {  	_ =	swait.ge [sflag:s11], $0x4000  }
0x17a: {  	[sflag:s11] =	ssyncset.done $0x0  }
0x17b: {  	[sflag:s11] =	ssyncadd.s32 $0xFFFFC000  }
0x17c: {  	_ =	swait.ge [sflag:s10], $0x4000  }
0x17d: {  	[sflag:s10] =	ssyncset.done $0x0  }
0x17e: {  	s9 =	rddreg [dreg:$0xd];
	[sflag:s10] =	ssyncadd.s32 $0xFFFFC000  }
0x17f: {  	[spmem:s2] =	stream.indirect.scatter.add.f32 [tilespmem:s15], [sflag:$0x2], $0x80, s9, s13, $0xb8;
	[tilespmem:$0x1D000] =	vst v63  }
0x180: {  	_ =	swait.ge [sflag:s11], $0x4000  }
0x181: {  	[sflag:s11] =	ssyncset.done $0x0  }
0x182: {  	s7 =	rddreg [dreg:$0xe];
	[sflag:s11] =	ssyncadd.s32 $0xFFFFC000  }
0x183: {  	[tilespmem:s14], [sflag:$0x1] =	stream.indirect.gather [hbm4b:s4+s13], $0x80, s7, s13, $0xb8;
	[tilespmem:$0x1D000] =	vst v63  }
0x184: {  	s8 =	rddreg [dreg:$0xf]  }
0x185: {  	[tilespmem:s15], [sflag:$0x1] =	stream.indirect.gather [hbm4b:s4+s13], $0x80, s8, s13, $0xb8;
	[tilespmem:$0x1D000] =	vst v63  }
0x186: {  	_ =	swait.ge [sflag:s10], $0x4000  }
0x187: {  	[sflag:s10] =	ssyncset.done $0x0  }
0x188: {  	[sflag:s10] =	ssyncadd.s32 $0xFFFFC000  }
0x189: {  	[spmem:s2] =	stream.indirect.scatter.add.f32 [tilespmem:s14], [sflag:$0x2], $0x80, s16, s13, $0xb8;
	[tilespmem:$0x1D000] =	vst v63  }
0x18a: {  	_ =	swait.ge [sflag:s11], $0x4000  }
0x18b: {  	[sflag:s11] =	ssyncset.done $0x0  }
0x18c: {  	[sflag:s11] =	ssyncadd.s32 $0xFFFFC000  }
0x18d: {  	_ =	swait.ge [sflag:s10], $0x4000  }
0x18e: {  	[sflag:s10] =	ssyncset.done $0x0  }
0x18f: {  	[sflag:s10] =	ssyncadd.s32 $0xFFFFC000  }
0x190: {  	[spmem:s2] =	stream.indirect.scatter.add.f32 [tilespmem:s15], [sflag:$0x2], $0x80, s17, s13, $0xb8;
	[tilespmem:$0x1D000] =	vst v63  }
0x191: {  	_ =	swait.ge [sflag:s11], $0x4000  }
0x192: {  	[sflag:s11] =	ssyncset.done $0x0  }
0x193: {  	[sflag:s11] =	ssyncadd.s32 $0xFFFFC000  }
0x194: {  	[tilespmem:s14], [sflag:$0x1] =	stream.indirect.gather [hbm4b:s4+s13], $0x80, s18, s13, $0xb8;
	[tilespmem:$0x1D000] =	vst v63  }
0x195: {  	_ = 	snop  }
0x196: {  	[tilespmem:s15], [sflag:$0x1] =	stream.indirect.gather [hbm4b:s4+s13], $0x80, s19, s13, $0xb8;
	[tilespmem:$0x1D000] =	vst v63  }
0x197: {  	_ =	swait.ge [sflag:s10], $0x4000  }
0x198: {  	[sflag:s10] =	ssyncset.done $0x0  }
0x199: {  	[sflag:s10] =	ssyncadd.s32 $0xFFFFC000  }
0x19a: {  	[spmem:s2] =	stream.indirect.scatter.add.f32 [tilespmem:s14], [sflag:$0x2], $0x80, s20, s13, $0xb8;
	[tilespmem:$0x1D000] =	vst v63  }
0x19b: {  	_ =	swait.ge [sflag:s11], $0x4000  }
0x19c: {  	[sflag:s11] =	ssyncset.done $0x0  }
0x19d: {  	[sflag:s11] =	ssyncadd.s32 $0xFFFFC000  }
0x19e: {  	_ =	swait.ge [sflag:s10], $0x4000  }
0x19f: {  	[sflag:s10] =	ssyncset.done $0x0  }
0x1a0: {  	[sflag:s10] =	ssyncadd.s32 $0xFFFFC000  }
0x1a1: {  	[spmem:s2] =	stream.indirect.scatter.add.f32 [tilespmem:s15], [sflag:$0x2], $0x80, s21, s13, $0xb8;
	[tilespmem:$0x1D000] =	vst v63  }
0x1a2: {  	_ =	swait.ge [sflag:s11], $0x4000  }
0x1a3: {  	[sflag:s11] =	ssyncset.done $0x0  }
0x1a4: {  	[sflag:s11] =	ssyncadd.s32 $0xFFFFC000  }
0x1a5: {  	[tilespmem:s14], [sflag:$0x1] =	stream.indirect.gather [hbm4b:s4+s13], $0x80, s22, s13, $0xb8;
	[tilespmem:$0x1D000] =	vst v63  }
0x1a6: {  	_ = 	snop  }
0x1a7: {  	[tilespmem:s15], [sflag:$0x1] =	stream.indirect.gather [hbm4b:s4+s13], $0x80, s23, s13, $0xb8;
	[tilespmem:$0x1D000] =	vst v63  }
0x1a8: {  	_ =	swait.ge [sflag:s10], $0x4000  }
0x1a9: {  	[sflag:s10] =	ssyncset.done $0x0  }
0x1aa: {  	[sflag:s10] =	ssyncadd.s32 $0xFFFFC000  }
0x1ab: {  	[spmem:s2] =	stream.indirect.scatter.add.f32 [tilespmem:s14], [sflag:$0x2], $0x80, s24, s13, $0xb8;
	[tilespmem:$0x1D000] =	vst v63  }
0x1ac: {  	_ =	swait.ge [sflag:s11], $0x4000  }
0x1ad: {  	[sflag:s11] =	ssyncset.done $0x0  }
0x1ae: {  	[sflag:s11] =	ssyncadd.s32 $0xFFFFC000  }
0x1af: {  	_ =	swait.ge [sflag:s10], $0x4000  }
0x1b0: {  	[sflag:s10] =	ssyncset.done $0x0  }
0x1b1: {  	[sflag:s10] =	ssyncadd.s32 $0xFFFFC000  }
0x1b2: {  	[spmem:s2] =	stream.indirect.scatter.add.f32 [tilespmem:s15], [sflag:$0x2], $0x80, s25, s13, $0xb8;
	[tilespmem:$0x1D000] =	vst v63  }
0x1b3: {  	_ =	swait.ge [sflag:s11], $0x4000  }
0x1b4: {  	[sflag:s11] =	ssyncset.done $0x0  }
0x1b5: {  	[sflag:s11] =	ssyncadd.s32 $0xFFFFC000  }
0x1b6: {  	[tilespmem:s14], [sflag:$0x1] =	stream.indirect.gather [hbm4b:s4+s13], $0x80, s26, s13, $0xb8;
	[tilespmem:$0x1D000] =	vst v63  }
0x1b7: {  	_ = 	snop  }
0x1b8: {  	[tilespmem:s15], [sflag:$0x1] =	stream.indirect.gather [hbm4b:s4+s13], $0x80, s28, s13, $0xb8;
	[tilespmem:$0x1D000] =	vst v63  }
0x1b9: {  	_ =	swait.ge [sflag:s10], $0x4000  }
0x1ba: {  	[sflag:s10] =	ssyncset.done $0x0  }
0x1bb: {  	[sflag:s10] =	ssyncadd.s32 $0xFFFFC000  }
0x1bc: {  	[spmem:s2] =	stream.indirect.scatter.add.f32 [tilespmem:s14], [sflag:$0x2], $0x80, s29, s13, $0xb8;
	[tilespmem:$0x1D000] =	vst v63  }
0x1bd: {  	_ =	swait.ge [sflag:s11], $0x4000  }
0x1be: {  	[sflag:s11] =	ssyncset.done $0x0  }
0x1bf: {  	[sflag:s11] =	ssyncadd.s32 $0xFFFFC000  }
0x1c0: {  	_ =	swait.ge [sflag:s10], $0x4000  }
0x1c1: {  	[sflag:s10] =	ssyncset.done $0x0  }
0x1c2: {  	[sflag:s10] =	ssyncadd.s32 $0xFFFFC000  }
0x1c3: {  	[spmem:s2] =	stream.indirect.scatter.add.f32 [tilespmem:s15], [sflag:$0x2], $0x80, s30, s13, $0xb8;
	[tilespmem:$0x1D000] =	vst v63  }
0x1c4: {  	_ =	swait.ge [sflag:s11], $0x4000  }
0x1c5: {  	[sflag:s11] =	ssyncset.done $0x0  }
0x1c6: {  	[sflag:s11] =	ssyncadd.s32 $0xFFFFC000  }
0x1c7: {  	[tilespmem:s14], [sflag:$0x1] =	stream.indirect.gather [hbm4b:s4+s13], $0x80, s31, s13, $0xb8;
	[tilespmem:$0x1D000] =	vst v63  }
0x1c8: {  	_ = 	snop  }
0x1c9: {  	[tilespmem:s15], [sflag:$0x1] =	stream.indirect.gather [hbm4b:s4+s13], $0x80, s1, s13, $0xb8;
	[tilespmem:$0x1D000] =	vst v63  }
0x1ca: {  	_ =	swait.ge [sflag:s10], $0x4000  }
0x1cb: {  	[sflag:s10] =	ssyncset.done $0x0  }
0x1cc: {  	[sflag:s10] =	ssyncadd.s32 $0xFFFFC000  }
0x1cd: {  	[spmem:s2] =	stream.indirect.scatter.add.f32 [tilespmem:s14], [sflag:$0x2], $0x80, s0, s13, $0xb8;
	[tilespmem:$0x1D000] =	vst v63  }
0x1ce: {  	_ =	swait.ge [sflag:s11], $0x4000  }
0x1cf: {  	[sflag:s11] =	ssyncset.done $0x0  }
0x1d0: {  	[sflag:s11] =	ssyncadd.s32 $0xFFFFC000  }
0x1d1: {  	_ =	swait.ge [sflag:s10], $0x4000  }
0x1d2: {  	[sflag:s10] =	ssyncset.done $0x0  }
0x1d3: {  	[sflag:s10] =	ssyncadd.s32 $0xFFFFC000  }
0x1d4: {  	[spmem:s2] =	stream.indirect.scatter.add.f32 [tilespmem:s15], [sflag:$0x2], $0x80, s5, s13, $0xb8;
	[tilespmem:$0x1D000] =	vst v63  }
0x1d5: {  	_ =	swait.ge [sflag:s11], $0x4000  }
0x1d6: {  	[sflag:s11] =	ssyncset.done $0x0  }
0x1d7: {  	[sflag:s11] =	ssyncadd.s32 $0xFFFFC000  }
0x1d8: {  	[bflag:$0x0] =	sbarrier.arrive $0xFFFF  }
0x1d9: {  	s7 =	rddreg [dreg:$0x11]  }
0x1da: {  	s9 =	rddreg [dreg:$0x12]  }
0x1db: {  	s8 =	rddreg [dreg:$0x14]  }
0x1dc: {  	[hbm:s9], [sflag:s7] =	dma.local [spmem:s8], $0x2800  }
0x1dd: {  	_ =	swait.ge [sflag:s10], $0x2800  }
0x1de: {  	s6 =	rddreg [dreg:$0x15]  }
0x1df: {  	s9 =	sadd.s32 $0x1, s6;
	s6 =	rddreg [dreg:$0x13]  }
0x1e0: {  	p0 =	sne.s32 s9, s6  }
.Ltmp1:
0x1e1: {  	_ = 	snop;
	(pc) =	sbr.rel @p0 .LBB2_1-.Ltmp1, $3  }
0x1e2: {  	_ =	sdelay $0x1  }
0x1e3: {  	[sflag:s10] =	ssyncset.done $0x0  }
0x1e4: {  	[sflag:s10] =	ssyncadd.s32 $0xFFFFD800  }
0x1e5: {  	_ =	sfence.sel $0x180000  }
0x1e6: {  	[bflag:$0x0] =	sbarrier.arrive $0xFFFF  }
0x1e7: {  	_ =	strace $0x9000004A  }
0x1e8: {  	s0 =	stileid.u32;
	[bflag:$0x2] =	sbarrier.arrive $0xFFFF  }
0x1e9: {  	p0 =	sne.s32 s0, $0x0;
	s0 =	rddreg [dreg:$0x2]  }
0x1ea: {  	s0 =	sadd.s32 @!p0 $0x100000, s0  }
0x1eb: {  	[sflag:s0] =	ssyncadd.tile.s32 @!p0 $0x1;
	_ =	shalt  }
.Lfunc_end2:
_tile_overlayer_lowered:
.L_overlay_start_2:
0x1ec: {  	(tag) =	ssettag $0x2  }
0x1ed: {  	s0 =	rddreg [dreg:$0x0];
	s2 =	stileid.u32  }
0x1ee: {  	s1 =	rddreg [dreg:$0x1];
	p0 =	sne.s32 s2, $0x0  }
0x1ef: {  	s3 =	rddreg [dreg:$0x2];
	[bflag:$0x3] =	sbarrier.arrive $0xFFFF;
	s2 =	simm.s32 @!p0 $0x1C01  }
0x1f0: {  	[timem:s3], [sflag:s2] =	dma.local @!p0 [hbm:s0], s1  }
0x1f1: {  	s0 =	simm.s32 @!p0 $0x1  }
0x1f2: {  	_ =	swait.ge @!p0 [sflag:s0], s1  }
0x1f3: {  	s1 =	ssub.s32 @!p0 $0x0, s1;
	[sflag:s0] =	ssyncset.done @!p0 $0x0  }
0x1f4: {  	[sflag:s0] =	ssyncadd.s32 @!p0 s1  }
0x1f5: {  	[bflag:$0x3] =	sbarrier.arrive $0xFFFF  }
0x1f6: {  	_ =	shalt  }

// kernel: kernel.14.cloned.1.call-start
scs
__scs_entry_jumppad:
0x0: {  	(pc) =	sbr.rel $0x88, $3  }
0x1: {  	(tag) =	ssettag $0x0;
	lr =	simm.s32 $0x1  }
0x2: {  	[smem:$0x3F99] =	sst lr;
	_ =	strace $0xD0000000  }
0x3: {  	_ = 	snop  }
0x4: {  	_ = 	snop  }
0x5: {  	_ = 	snop  }
0x6: {  	_ = 	snop  }
0x7: {  	_ = 	snop  }
__scs_overlays_trampoline_lowered:
0x8: {  	[smem:$0x3FA8] =	sst s0  }
0x9: {  	[smem:$0x3FA9] =	sst s1  }
0xa: {  	[smem:$0x3FAA] =	sst s2  }
0xb: {  	[smem:$0x3FAB] =	sst s3  }
0xc: {  	[smem:$0x3FAC] =	sst s4  }
0xd: {  	[smem:$0x3FAD] =	sst s5  }
0xe: {  	[smem:$0x3FAE] =	sst s6  }
0xf: {  	[smem:$0x3FAF] =	sst s7  }
0x10: {  	[smem:$0x3FB0] =	sst s8  }
0x11: {  	[smem:$0x3FB1] =	sst s9;
	s0 =	simm.s32 @!p0 $0x0  }
0x12: {  	s1 =	sld [smem:$0x3F97];
	s0 =	simm.s32 @p0 $0x1  }
0x13: {  	[smem:$0x3FB2] =	sst s0;
	s0 =	simm.s32 @!p1 $0x0  }
0x14: {  	s2 =	sld [smem:$0x3F96];
	s0 =	simm.s32 @p1 $0x1  }
0x15: {  	[smem:$0x3FB3] =	sst s0;
	s0 =	simm.s32 @!p2 $0x0  }
0x16: {  	s3 =	sld [smem:$0x3FDB];
	s0 =	simm.s32 @p2 $0x1  }
0x17: {  	s4 =	simm.s32 $0x1BF5;
	[smem:$0x3FB5] =	sst s0  }
0x18: {  	s0 =	sld [smem:$0x3F98];
	_ =	swait.ge [sflag:s4], $0x0  }
0x19: {  	s7 =	sld [smem:$0x3F99]  }
0x1a: {  	s8 =	sadd.s32 $0xFFFFE003, lr  }
0x1b: {  	s9 =	sadd.s32 $0xFFFFFEF7, lr;
	s5 =	simm.s32 $0xFFFFFFFF;
	p2 =	slt.u32 s8, $0xFFFFF086  }
0x1c: {  	p1 =	slt.u32 s9, $0xF7A;
	s5 =	simm.s32 @!p2 $0x0  }
0x1d: {  	s5 =	simm.s32 @p1 $0x1;
	p0 =	seq.s32 s7, s2  }
0x1e: {  	s7 =	smul.u32 @!p0 $0xF7A, s2;
	p2 =	seq.s32 @!p0 s5, $0x0  }
0x1f: {  	s9 =	smul.u32 $0xF7A, s1;
	s8 =	simm.s32 @!p0 $0x1BF5;
	p2 =	por !p2, p0  }
0x20: {  	[sflag:s8] =	ssyncset.s32 @!p0 $0xFFFFF086;
	s6 =	sadd.s32 @!p0 s3, s7;
	s7 =	simm.s32 @!p0 $0x108  }
0x21: {  	s3 =	sadd.s32 s3, s9;
	s6 =	sadd.s32 @!p0 $0x88, s6;
	s7 =	simm.s32 @p2 $0x1082  }
0x22: {  	[simem:s7], [sflag:s8] =	dma.local @!p0 [hbm:s6], $0xF7A  }
0x23: {  	s9 =	sor.u32 $0xD0000000, s2;
	s6 =	simm.s32 $0x108;
	_ =	swait.ge @!p0 [sflag:s8], $0x0  }
0x24: {  	s3 =	sadd.s32 $0x88, s3;
	s6 =	simm.s32 @!p1 $0x1082;
	[sflag:s4] =	ssyncset.s32 $0xFFFFF086  }
0x25: {  	[simem:s6], [sflag:s4] =	dma.local [hbm:s3], $0xF7A  }
0x26: {  	[smem:$0x3F99] =	sst s1;
	(tag) =	ssettag s2;
	_ =	strace s9  }
0x27: {  	s1 =	sld [smem:$0x3FA9]  }
0x28: {  	s2 =	sld [smem:$0x3FAA]  }
0x29: {  	s4 =	sld [smem:$0x3FAC]  }
0x2a: {  	p0 =	seq.s32 s5, $0x0;
	s5 =	sld [smem:$0x3FAD]  }
0x2b: {  	s6 =	sld [smem:$0x3FAE]  }
0x2c: {  	s7 =	sld [smem:$0x3FAF]  }
0x2d: {  	s3 =	simm.s32 $0x108;
	s8 =	sld [smem:$0x3FB0]  }
0x2e: {  	s3 =	simm.s32 @!p0 $0x1082;
	s9 =	sld [smem:$0x3FB1]  }
0x2f: {  	lr =	sadd.s32 s0, s3;
	s0 =	sld [smem:$0x3FA8]  }
0x30: {  	s3 =	sld [smem:$0x3FAB]  }
0x31: {  	[smem:$0x3FB4] =	sst s10  }
0x32: {  	s10 =	sld [smem:$0x3FB2];
	_ =	sdelay $0x3  }
0x33: {  	p0 =	seq.s32 s10, $0x1;
	s10 =	sld [smem:$0x3FB4];
	_ =	sdelay $0x3  }
0x34: {  	[smem:$0x3FB4] =	sst s10  }
0x35: {  	s10 =	sld [smem:$0x3FB3];
	_ =	sdelay $0x3  }
0x36: {  	p1 =	seq.s32 s10, $0x1;
	s10 =	sld [smem:$0x3FB4];
	_ =	sdelay $0x3  }
0x37: {  	[smem:$0x3FB4] =	sst s10  }
0x38: {  	s10 =	sld [smem:$0x3FB5]  }
0x39: {  	_ = 	snop;
	(pc) =	sbr.ind lr, $3  }
0x3a: {  	_ = 	snop  }
0x3b: {  	_ = 	snop  }
0x3c: {  	p2 =	seq.s32 s10, $0x1;
	s10 =	sld [smem:$0x3FB4]  }
0x3d: {  	_ =	shalt  }
0x3e: {  	_ =	shalt  }
0x3f: {  	_ =	shalt  }
0x40: {  	_ =	shalt  }
0x41: {  	_ =	shalt  }
0x42: {  	_ =	shalt  }
0x43: {  	_ =	shalt  }
0x44: {  	_ =	shalt  }
0x45: {  	_ =	shalt  }
0x46: {  	_ =	shalt  }
0x47: {  	_ =	shalt  }
0x48: {  	_ =	shalt  }
0x49: {  	_ =	shalt  }
0x4a: {  	_ =	shalt  }
0x4b: {  	_ =	shalt  }
0x4c: {  	_ =	shalt  }
0x4d: {  	_ =	shalt  }
0x4e: {  	_ =	shalt  }
0x4f: {  	_ =	shalt  }
0x50: {  	_ =	shalt  }
0x51: {  	_ =	shalt  }
0x52: {  	_ =	shalt  }
0x53: {  	_ =	shalt  }
0x54: {  	_ =	shalt  }
0x55: {  	_ =	shalt  }
0x56: {  	_ =	shalt  }
0x57: {  	_ =	shalt  }
0x58: {  	_ =	shalt  }
0x59: {  	_ =	shalt  }
0x5a: {  	_ =	shalt  }
0x5b: {  	_ =	shalt  }
0x5c: {  	_ =	shalt  }
0x5d: {  	_ =	shalt  }
0x5e: {  	_ =	shalt  }
0x5f: {  	_ =	shalt  }
0x60: {  	_ =	shalt  }
0x61: {  	_ =	shalt  }
0x62: {  	_ =	shalt  }
0x63: {  	_ =	shalt  }
0x64: {  	_ =	shalt  }
0x65: {  	_ =	shalt  }
0x66: {  	_ =	shalt  }
0x67: {  	_ =	shalt  }
0x68: {  	_ =	shalt  }
0x69: {  	_ =	shalt  }
0x6a: {  	_ =	shalt  }
0x6b: {  	_ =	shalt  }
0x6c: {  	_ =	shalt  }
0x6d: {  	_ =	shalt  }
0x6e: {  	_ =	shalt  }
0x6f: {  	_ =	shalt  }
0x70: {  	_ =	shalt  }
0x71: {  	_ =	shalt  }
0x72: {  	_ =	shalt  }
0x73: {  	_ =	shalt  }
0x74: {  	_ =	shalt  }
0x75: {  	_ =	shalt  }
0x76: {  	_ =	shalt  }
0x77: {  	_ =	shalt  }
0x78: {  	_ =	shalt  }
0x79: {  	_ =	shalt  }
0x7a: {  	_ =	shalt  }
0x7b: {  	_ =	shalt  }
0x7c: {  	_ =	shalt  }
0x7d: {  	_ =	shalt  }
0x7e: {  	_ =	shalt  }
0x7f: {  	_ =	shalt  }
0x80: {  	_ =	shalt  }
0x81: {  	_ =	shalt  }
0x82: {  	_ =	shalt  }
0x83: {  	_ =	shalt  }
0x84: {  	_ =	shalt  }
0x85: {  	_ =	shalt  }
0x86: {  	_ =	shalt  }
0x87: {  	_ =	shalt  }
.Lfunc_end0:
.L_simem_size_0:
called_computation.2_lowered:
.L_overlay_start_0:
0x88: {  	s2 =	sld [smem:$0x3FD9]  }
0x89: {  	s3 =	sld [smem:$0x3FFE];
	_ =	sdelay $0x1  }
0x8a: {  	s1 =	srdreg.scid  }
0x8b: {  	s0 =	sand.u32 $0x1, s1  }
0x8c: {  	s16 =	sshll.u32 s0, $0xA;
	s2 =	sadd.s32 s3, s2  }
0x8d: {  	s2 =	sadd.s32 s2, s16  }
0x8e: {  	[smem:$0x3FC0] =	sst s2  }
0x8f: {  	_ = 	snop  }
0x90: {  	(tm) =	ssettm $0x1  }
0x91: {  	s17 =	sld [smem:$0x3FFB];
	_ =	sdelay $0x3  }
0x92: {  	_ =	strace s17  }
0x93: {  	s2 =	sld [smem:$0x3FFC];
	_ =	sdelay $0x3  }
0x94: {  	_ =	strace s2  }
0x95: {  	s2 =	sld [smem:$0x3FFD];
	_ =	sdelay $0x3  }
0x96: {  	_ =	strace s2  }
0x97: {  	_ =	strace $0x8FFFFFFF  }
0x98: {  	s18 =	sld [smem:$0x3FDB];
	_ =	sdelay $0x1  }
0x99: {  	s19 =	simm.s32 $_scs_section_size  }
0x9a: {  	s4 =	simm.s32 $_size__tile_overlayer_lowered;
	s5 =	simm.s32 $_tile_overlayer_lowered  }
0x9b: {  	s22 =	simm.s32 $0x1BFF;
	s21 =	sshll.u32 s5, $0x1;
	s2 =	sadd.s32 s19, s18  }
0x9c: {  	s6 =	simm.s32 $0x0;
	s20 =	sshll.u32 s4, $0x1;
	s4 =	sadd.s32 s21, s2  }
0x9d: {  	[timem:s6], [sflag:s22] =	dma.local [hbm:s4], s20  }
0x9e: {  	_ =	swait.ge [sflag:s22], s20  }
0x9f: {  	s3 =	ssub.s32 $0x0, s20;
	[sflag:s22] =	ssyncset.done $0x0  }
0xa0: {  	[sflag:s22] =	ssyncadd.s32 s3;
	_ =	sdelay $0x1  }
0xa1: {  	s23 =	simm.s32 $0x1B8B  }
0xa2: {  	_ =	swait.ge [sflag:s23], $0x1  }
0xa3: {  	[sflag:s23] =	ssyncset.done $0x0  }
0xa4: {  	s25 =	simm.s32 $0x1B8E;
	s24 =	sld [smem:$0x3FFE];
	[sflag:s23] =	ssyncadd.s32 $0xFFFFFFFF  }
0xa5: {  	s26 =	simm.s32 $execute0_lowered;
	[smem:$0x3FD2] =	sst s25  }
0xa6: {  	s4 =	sshll.u32 s26, $0x1;
	_ =	strace $0x8000004C;
	[dreg:$0x1] =	wrdreg $0xFFFFFFFF  }
0xa7: {  	s28 =	simm.s32 $_size_execute0_lowered;
	s2 =	sadd.s32 s2, s4;
	[dreg:$0x0] =	wrdreg $0x0  }
0xa8: {  	s4 =	sshll.u32 s28, $0x1;
	[dreg:$0x2] =	wrdreg s2  }
0xa9: {  	[dreg:$0x3] =	wrdreg s4  }
0xaa: {  	[dreg:$0x4] =	wrdreg $0xC0  }
0xab: {  	_ =	task [dreg:s6], $0x5FFFF  }
0xac: {  	[dreg:$0x1] =	wrdreg $0xFFFFFFFF  }
0xad: {  	[dreg:$0x0] =	wrdreg $0x60  }
0xae: {  	[dreg:$0x2] =	wrdreg s24  }
0xaf: {  	[dreg:$0x3] =	wrdreg $0x10000  }
0xb0: {  	[dreg:$0x4] =	wrdreg $0x9  }
0xb1: {  	_ =	task.clear_ibuf [dreg:s6], $0x5FFFF;
	_ =	strace $0x9000004C  }
0xb2: {  	s29 =	simm.s32 $0x9;
	_ =	strace $0x8000004E  }
0xb3: {  	_ =	swait.ge [sflag:s29], $0x1  }
0xb4: {  	[sflag:s29] =	ssyncadd.s32 $0xFFFFFFFF  }
0xb5: {  	_ =	strace $0x9000004E  }
0xb6: {  	_ =	sfence  }
0xb7: {  	s30 =	sld [smem:$0x0];
	_ =	sdelay $0x2  }
0xb8: {  	s31 =	sshll.u32 s1, $0xD;
	s1 =	sshrl.u32 s1, $0x2  }
0xb9: {  	s3 =	sand.u32 $0x4000, s31;
	s1 =	sadd.s32 s1, s30  }
0xba: {  	s0 =	sor.u32 s3, s0;
	s1 =	sshll.u32 s1, $0x11  }
0xbb: {  	s0 =	sor.u32 s1, s0  }
0xbc: {  	s0 =	sadd.s32 $0x8F2B, s0  }
0xbd: {  	[sflag:s0] =	ssyncadd.remote.s32 $0x1  }
0xbe: {  	_ =	sfence.sel $0xFFFF  }
0xbf: {  	[dreg:$0x0] =	wrdreg $0xFFFFFFFF;
	(pc) =	sbr.abs _section_cstart, $3  }
0xc0: {  	[dreg:$0x1] =	wrdreg $0xFFFFFFFF  }
0xc1: {  	_ =	task.clear_ibuf [dreg:s6], $0x2FFFF;
	_ =	strace $0x9FFFFFFF  }
0xc2: {  	(tm) =	ssettm $0x7FFFFFFF  }
0xc3: {  	_ =	shalt  }
tec
execute0_lowered:
.L_overlay_start_1:
0x0: {  	(tag) =	ssettag $0x1  }
0x1: {  	s0 =	srdreg.scid;
	s1 =	rddreg [dreg:$0x0]  }
0x2: {  	s9 =	stileid.u32;
	s2 =	rddreg [dreg:$0x1];
	s3 =	simm.s32 $0x0  }
0x3: {  	s15 =	simm.s32 $0x880;
	s17 =	simm.s32 $0x100;
	s18 =	simm.s32 $0x180  }
0x4: {  	s19 =	simm.s32 $0x900;
	s20 =	simm.s32 $0x980;
	[smem:$0x7FF] =	sst s3  }
0x5: {  	s21 =	simm.s32 $0x200;
	_ =	strace $0x8000004D;
	[dreg:$0x5] =	wrdreg s15  }
0x6: {  	s22 =	simm.s32 $0x280;
	s23 =	simm.s32 $0xA00;
	[dreg:$0x6] =	wrdreg s17  }
0x7: {  	s24 =	simm.s32 $0xA80;
	s25 =	simm.s32 $0x300;
	[dreg:$0x7] =	wrdreg s18  }
0x8: {  	s26 =	simm.s32 $0x380;
	s28 =	simm.s32 $0x680;
	[dreg:$0x8] =	wrdreg s19  }
0x9: {  	s29 =	simm.s32 $0xE00;
	s30 =	simm.s32 $0xE80;
	[dreg:$0x9] =	wrdreg s20  }
0xa: {  	s31 =	simm.s32 $0x700;
	s5 =	smul.u32 $0x2800, s9;
	[dreg:$0xa] =	wrdreg s21  }
0xb: {  	s0 =	sand.u32 $0x1, s0;
	s6 =	smul.u32 $0x14000, s9;
	[dreg:$0xb] =	wrdreg s22  }
0xc: {  	s10 =	smul.u32 $0x50000, s9;
	s16 =	sshll.u32 s9, $0x6;
	[dreg:$0xc] =	wrdreg s23  }
0xd: {  	s9 =	simm.s32 $0x0;
	s4 =	smul.u32 $0x28000, s0;
	[dreg:$0xd] =	wrdreg s24  }
0xe: {  	s7 =	smul.u32 $0x140000, s0;
	s0 =	ssub.s32 $0x2, s0;
	[dreg:$0xe] =	wrdreg s25  }
0xf: {  	s15 =	simm.s32 $0x19000;
	[dreg:$0xf] =	wrdreg s26;
	s17 =	simm.s32 $0xB80  }
0x10: {  	s18 =	simm.s32 $0x400;
	s19 =	simm.s32 $0x480;
	s20 =	simm.s32 $0xC00  }
0x11: {  	s21 =	simm.s32 $0xC80;
	s22 =	simm.s32 $0x500;
	s23 =	simm.s32 $0x580  }
0x12: {  	s24 =	simm.s32 $0xD00;
	s25 =	simm.s32 $0xD80;
	s26 =	simm.s32 $0x600  }
0x13: {  	s8 =	sshrl.u32 s6, $0x3;
	s11 =	sshrl.u32 s0, $0x1;
	s12 =	sshrl.u32 s10, $0x2  }
0x14: {  	s10 =	simm.s32 $0x1;
	s5 =	sadd.s32 s5, s4;
	s4 =	sadd.s32 $0x8EE00, s1  }
0x15: {  	s6 =	sadd.s32 s6, s7;
	s8 =	sadd.s32 s8, s1;
	s0 =	ssub.s32 s0, s11  }
0x16: {  	s7 =	sor.u32 $0x1C01, s16;
	s11 =	simm.s32 $0x2;
	s16 =	simm.s32 $0xB00  }
0x17: {  	s5 =	sshrl.u32 s5, $0x3;
	s6 =	sshrl.u32 s6, $0x3;
	s14 =	sadd.s32 $0x16E00, s8  }
0x18: {  	s0 =	smax.u32 s0, $0x1;
	[dreg:$0x11] =	wrdreg s7;
	s5 =	sadd.s32 s5, s1  }
0x19: {  	s1 =	sadd.s32 s6, s1;
	s6 =	sadd.s32 s12, s2;
	[dreg:$0x10] =	wrdreg s14  }
0x1a: {  	[dreg:$0x13] =	wrdreg s0;
	s12 =	simm.s32 $0x800;
	s13 =	sadd.s32 $0x2E00, s5  }
0x1b: {  	s14 =	simm.s32 $0x15000;
	s5 =	sadd.s32 $0xCE00, s5;
	[dreg:$0x3] =	wrdreg s13  }
0x1c: {  	s0 =	simm.s32 $0xF00;
	s1 =	sadd.s32 $0xB6000, s1;
	[dreg:$0x4] =	wrdreg s5  }
0x1d: {  	s8 =	sshrl.u32 s6, $0x3;
	[dreg:$0x12] =	wrdreg s1;
	s13 =	simm.s32 $0x80  }
0x1e: {  	s1 =	simm.s32 $0x780;
	s5 =	simm.s32 $0xF80;
	[dreg:$0x14] =	wrdreg s8  }
.LBB2_1:
0x1f: {  	[dreg:$0x15] =	wrdreg s9  }
0x20: {  	s6 =	rddreg [dreg:$0x10]  }
0x21: {  	[spmem:s8], [sflag:s7] =	dma.local [hbm:s6], $0x2800  }
0x22: {  	_ =	swait.ge [sflag:s10], $0x2800  }
0x23: {  	[sflag:s10] =	ssyncset.done $0x0  }
0x24: {  	[sflag:s10] =	ssyncadd.s32 $0xFFFFD800  }
0x25: {  	[bflag:$0x0] =	sbarrier.arrive $0xFFFF  }
0x26: {  	s8 =	rddreg [dreg:$0x4]  }
0x27: {  	s6 =	sadd.s32 $0x0, s8  }
0x28: {  	[tilespmem:s3], [sflag:$0x2] =	stream.linear.gather [hbm4b:s6+s3], $0x800, $0x38;
	[tilespmem:$0x1D000] =	vst v63  }
0x29: {  	_ =	swait.ge [sflag:s11], $0x800  }
0x2a: {  	s9 =	rddreg [dreg:$0x3];
	[sflag:s11] =	ssyncset.done $0x0  }
0x2b: {  	[sflag:s11] =	ssyncadd.s32 $0xFFFFF800;
	s6 =	sadd.s32 $0x0, s9  }
0x2c: {  	[tilespmem:s12], [sflag:$0x2] =	stream.linear.gather [hbm4b:s6+s3], $0x800, $0x38;
	[tilespmem:$0x1D000] =	vst v63  }
0x2d: {  	_ =	swait.ge [sflag:s11], $0x800  }
0x2e: {  	[sflag:s11] =	ssyncset.done $0x0  }
0x2f: {  	[sflag:s11] =	ssyncadd.s32 $0xFFFFF800  }
0x30: {  	[tilespmem:s14], [sflag:$0x1] =	stream.indirect.gather [hbm4b:s4+s13], $0x80, s3, s13, $0xb8;
	[tilespmem:$0x1D000] =	vst v63  }
0x31: {  	_ = 	snop  }
0x32: {  	[tilespmem:s15], [sflag:$0x1] =	stream.indirect.gather [hbm4b:s4+s13], $0x80, s13, s13, $0xb8;
	[tilespmem:$0x1D000] =	vst v63  }
0x33: {  	_ =	swait.ge [sflag:s10], $0x4000  }
0x34: {  	[sflag:s10] =	ssyncset.done $0x0  }
0x35: {  	[sflag:s10] =	ssyncadd.s32 $0xFFFFC000  }
0x36: {  	[spmem:s2] =	stream.indirect.scatter.add.f32 [tilespmem:s14], [sflag:$0x2], $0x80, s12, s13, $0xb8;
	[tilespmem:$0x1D000] =	vst v63  }
0x37: {  	_ =	swait.ge [sflag:s11], $0x4000  }
0x38: {  	[sflag:s11] =	ssyncset.done $0x0  }
0x39: {  	[sflag:s11] =	ssyncadd.s32 $0xFFFFC000  }
0x3a: {  	_ =	swait.ge [sflag:s10], $0x4000  }
0x3b: {  	[sflag:s10] =	ssyncset.done $0x0  }
0x3c: {  	s7 =	rddreg [dreg:$0x5];
	[sflag:s10] =	ssyncadd.s32 $0xFFFFC000  }
0x3d: {  	[spmem:s2] =	stream.indirect.scatter.add.f32 [tilespmem:s15], [sflag:$0x2], $0x80, s7, s13, $0xb8;
	[tilespmem:$0x1D000] =	vst v63  }
0x3e: {  	_ =	swait.ge [sflag:s11], $0x4000  }
0x3f: {  	[sflag:s11] =	ssyncset.done $0x0  }
0x40: {  	s8 =	rddreg [dreg:$0x6];
	[sflag:s11] =	ssyncadd.s32 $0xFFFFC000  }
0x41: {  	[tilespmem:s14], [sflag:$0x1] =	stream.indirect.gather [hbm4b:s4+s13], $0x80, s8, s13, $0xb8;
	[tilespmem:$0x1D000] =	vst v63  }
0x42: {  	s9 =	rddreg [dreg:$0x7]  }
0x43: {  	[tilespmem:s15], [sflag:$0x1] =	stream.indirect.gather [hbm4b:s4+s13], $0x80, s9, s13, $0xb8;
	[tilespmem:$0x1D000] =	vst v63  }
0x44: {  	_ =	swait.ge [sflag:s10], $0x4000  }
0x45: {  	[sflag:s10] =	ssyncset.done $0x0  }
0x46: {  	s7 =	rddreg [dreg:$0x8];
	[sflag:s10] =	ssyncadd.s32 $0xFFFFC000  }
0x47: {  	[spmem:s2] =	stream.indirect.scatter.add.f32 [tilespmem:s14], [sflag:$0x2], $0x80, s7, s13, $0xb8;
	[tilespmem:$0x1D000] =	vst v63  }
0x48: {  	_ =	swait.ge [sflag:s11], $0x4000  }
0x49: {  	[sflag:s11] =	ssyncset.done $0x0  }
0x4a: {  	[sflag:s11] =	ssyncadd.s32 $0xFFFFC000  }
0x4b: {  	_ =	swait.ge [sflag:s10], $0x4000  }
0x4c: {  	[sflag:s10] =	ssyncset.done $0x0  }
0x4d: {  	s8 =	rddreg [dreg:$0x9];
	[sflag:s10] =	ssyncadd.s32 $0xFFFFC000  }
0x4e: {  	[spmem:s2] =	stream.indirect.scatter.add.f32 [tilespmem:s15], [sflag:$0x2], $0x80, s8, s13, $0xb8;
	[tilespmem:$0x1D000] =	vst v63  }
0x4f: {  	_ =	swait.ge [sflag:s11], $0x4000  }
0x50: {  	[sflag:s11] =	ssyncset.done $0x0  }
0x51: {  	s9 =	rddreg [dreg:$0xa];
	[sflag:s11] =	ssyncadd.s32 $0xFFFFC000  }
0x52: {  	[tilespmem:s14], [sflag:$0x1] =	stream.indirect.gather [hbm4b:s4+s13], $0x80, s9, s13, $0xb8;
	[tilespmem:$0x1D000] =	vst v63  }
0x53: {  	s7 =	rddreg [dreg:$0xb]  }
0x54: {  	[tilespmem:s15], [sflag:$0x1] =	stream.indirect.gather [hbm4b:s4+s13], $0x80, s7, s13, $0xb8;
	[tilespmem:$0x1D000] =	vst v63  }
0x55: {  	_ =	swait.ge [sflag:s10], $0x4000  }
0x56: {  	[sflag:s10] =	ssyncset.done $0x0  }
0x57: {  	s9 =	rddreg [dreg:$0xc];
	[sflag:s10] =	ssyncadd.s32 $0xFFFFC000  }
0x58: {  	[spmem:s2] =	stream.indirect.scatter.add.f32 [tilespmem:s14], [sflag:$0x2], $0x80, s9, s13, $0xb8;
	[tilespmem:$0x1D000] =	vst v63  }
0x59: {  	_ =	swait.ge [sflag:s11], $0x4000  }
0x5a: {  	[sflag:s11] =	ssyncset.done $0x0  }
0x5b: {  	[sflag:s11] =	ssyncadd.s32 $0xFFFFC000  }
0x5c: {  	_ =	swait.ge [sflag:s10], $0x4000  }
0x5d: {  	[sflag:s10] =	ssyncset.done $0x0  }
0x5e: {  	s7 =	rddreg [dreg:$0xd];
	[sflag:s10] =	ssyncadd.s32 $0xFFFFC000  }
0x5f: {  	[spmem:s2] =	stream.indirect.scatter.add.f32 [tilespmem:s15], [sflag:$0x2], $0x80, s7, s13, $0xb8;
	[tilespmem:$0x1D000] =	vst v63  }
0x60: {  	_ =	swait.ge [sflag:s11], $0x4000  }
0x61: {  	[sflag:s11] =	ssyncset.done $0x0  }
0x62: {  	s8 =	rddreg [dreg:$0xe];
	[sflag:s11] =	ssyncadd.s32 $0xFFFFC000  }
0x63: {  	[tilespmem:s14], [sflag:$0x1] =	stream.indirect.gather [hbm4b:s4+s13], $0x80, s8, s13, $0xb8;
	[tilespmem:$0x1D000] =	vst v63  }
0x64: {  	s9 =	rddreg [dreg:$0xf]  }
0x65: {  	[tilespmem:s15], [sflag:$0x1] =	stream.indirect.gather [hbm4b:s4+s13], $0x80, s9, s13, $0xb8;
	[tilespmem:$0x1D000] =	vst v63  }
0x66: {  	_ =	swait.ge [sflag:s10], $0x4000  }
0x67: {  	[sflag:s10] =	ssyncset.done $0x0  }
0x68: {  	[sflag:s10] =	ssyncadd.s32 $0xFFFFC000  }
0x69: {  	[spmem:s2] =	stream.indirect.scatter.add.f32 [tilespmem:s14], [sflag:$0x2], $0x80, s16, s13, $0xb8;
	[tilespmem:$0x1D000] =	vst v63  }
0x6a: {  	_ =	swait.ge [sflag:s11], $0x4000  }
0x6b: {  	[sflag:s11] =	ssyncset.done $0x0  }
0x6c: {  	[sflag:s11] =	ssyncadd.s32 $0xFFFFC000  }
0x6d: {  	_ =	swait.ge [sflag:s10], $0x4000  }
0x6e: {  	[sflag:s10] =	ssyncset.done $0x0  }
0x6f: {  	[sflag:s10] =	ssyncadd.s32 $0xFFFFC000  }
0x70: {  	[spmem:s2] =	stream.indirect.scatter.add.f32 [tilespmem:s15], [sflag:$0x2], $0x80, s17, s13, $0xb8;
	[tilespmem:$0x1D000] =	vst v63  }
0x71: {  	_ =	swait.ge [sflag:s11], $0x4000  }
0x72: {  	[sflag:s11] =	ssyncset.done $0x0  }
0x73: {  	[sflag:s11] =	ssyncadd.s32 $0xFFFFC000  }
0x74: {  	[tilespmem:s14], [sflag:$0x1] =	stream.indirect.gather [hbm4b:s4+s13], $0x80, s18, s13, $0xb8;
	[tilespmem:$0x1D000] =	vst v63  }
0x75: {  	_ = 	snop  }
0x76: {  	[tilespmem:s15], [sflag:$0x1] =	stream.indirect.gather [hbm4b:s4+s13], $0x80, s19, s13, $0xb8;
	[tilespmem:$0x1D000] =	vst v63  }
0x77: {  	_ =	swait.ge [sflag:s10], $0x4000  }
0x78: {  	[sflag:s10] =	ssyncset.done $0x0  }
0x79: {  	[sflag:s10] =	ssyncadd.s32 $0xFFFFC000  }
0x7a: {  	[spmem:s2] =	stream.indirect.scatter.add.f32 [tilespmem:s14], [sflag:$0x2], $0x80, s20, s13, $0xb8;
	[tilespmem:$0x1D000] =	vst v63  }
0x7b: {  	_ =	swait.ge [sflag:s11], $0x4000  }
0x7c: {  	[sflag:s11] =	ssyncset.done $0x0  }
0x7d: {  	[sflag:s11] =	ssyncadd.s32 $0xFFFFC000  }
0x7e: {  	_ =	swait.ge [sflag:s10], $0x4000  }
0x7f: {  	[sflag:s10] =	ssyncset.done $0x0  }
0x80: {  	[sflag:s10] =	ssyncadd.s32 $0xFFFFC000  }
0x81: {  	[spmem:s2] =	stream.indirect.scatter.add.f32 [tilespmem:s15], [sflag:$0x2], $0x80, s21, s13, $0xb8;
	[tilespmem:$0x1D000] =	vst v63  }
0x82: {  	_ =	swait.ge [sflag:s11], $0x4000  }
0x83: {  	[sflag:s11] =	ssyncset.done $0x0  }
0x84: {  	[sflag:s11] =	ssyncadd.s32 $0xFFFFC000  }
0x85: {  	[tilespmem:s14], [sflag:$0x1] =	stream.indirect.gather [hbm4b:s4+s13], $0x80, s22, s13, $0xb8;
	[tilespmem:$0x1D000] =	vst v63  }
0x86: {  	_ = 	snop  }
0x87: {  	[tilespmem:s15], [sflag:$0x1] =	stream.indirect.gather [hbm4b:s4+s13], $0x80, s23, s13, $0xb8;
	[tilespmem:$0x1D000] =	vst v63  }
0x88: {  	_ =	swait.ge [sflag:s10], $0x4000  }
0x89: {  	[sflag:s10] =	ssyncset.done $0x0  }
0x8a: {  	[sflag:s10] =	ssyncadd.s32 $0xFFFFC000  }
0x8b: {  	[spmem:s2] =	stream.indirect.scatter.add.f32 [tilespmem:s14], [sflag:$0x2], $0x80, s24, s13, $0xb8;
	[tilespmem:$0x1D000] =	vst v63  }
0x8c: {  	_ =	swait.ge [sflag:s11], $0x4000  }
0x8d: {  	[sflag:s11] =	ssyncset.done $0x0  }
0x8e: {  	[sflag:s11] =	ssyncadd.s32 $0xFFFFC000  }
0x8f: {  	_ =	swait.ge [sflag:s10], $0x4000  }
0x90: {  	[sflag:s10] =	ssyncset.done $0x0  }
0x91: {  	[sflag:s10] =	ssyncadd.s32 $0xFFFFC000  }
0x92: {  	[spmem:s2] =	stream.indirect.scatter.add.f32 [tilespmem:s15], [sflag:$0x2], $0x80, s25, s13, $0xb8;
	[tilespmem:$0x1D000] =	vst v63  }
0x93: {  	_ =	swait.ge [sflag:s11], $0x4000  }
0x94: {  	[sflag:s11] =	ssyncset.done $0x0  }
0x95: {  	[sflag:s11] =	ssyncadd.s32 $0xFFFFC000  }
0x96: {  	[tilespmem:s14], [sflag:$0x1] =	stream.indirect.gather [hbm4b:s4+s13], $0x80, s26, s13, $0xb8;
	[tilespmem:$0x1D000] =	vst v63  }
0x97: {  	_ = 	snop  }
0x98: {  	[tilespmem:s15], [sflag:$0x1] =	stream.indirect.gather [hbm4b:s4+s13], $0x80, s28, s13, $0xb8;
	[tilespmem:$0x1D000] =	vst v63  }
0x99: {  	_ =	swait.ge [sflag:s10], $0x4000  }
0x9a: {  	[sflag:s10] =	ssyncset.done $0x0  }
0x9b: {  	[sflag:s10] =	ssyncadd.s32 $0xFFFFC000  }
0x9c: {  	[spmem:s2] =	stream.indirect.scatter.add.f32 [tilespmem:s14], [sflag:$0x2], $0x80, s29, s13, $0xb8;
	[tilespmem:$0x1D000] =	vst v63  }
0x9d: {  	_ =	swait.ge [sflag:s11], $0x4000  }
0x9e: {  	[sflag:s11] =	ssyncset.done $0x0  }
0x9f: {  	[sflag:s11] =	ssyncadd.s32 $0xFFFFC000  }
0xa0: {  	_ =	swait.ge [sflag:s10], $0x4000  }
0xa1: {  	[sflag:s10] =	ssyncset.done $0x0  }
0xa2: {  	[sflag:s10] =	ssyncadd.s32 $0xFFFFC000  }
0xa3: {  	[spmem:s2] =	stream.indirect.scatter.add.f32 [tilespmem:s15], [sflag:$0x2], $0x80, s30, s13, $0xb8;
	[tilespmem:$0x1D000] =	vst v63  }
0xa4: {  	_ =	swait.ge [sflag:s11], $0x4000  }
0xa5: {  	[sflag:s11] =	ssyncset.done $0x0  }
0xa6: {  	[sflag:s11] =	ssyncadd.s32 $0xFFFFC000  }
0xa7: {  	[tilespmem:s14], [sflag:$0x1] =	stream.indirect.gather [hbm4b:s4+s13], $0x80, s31, s13, $0xb8;
	[tilespmem:$0x1D000] =	vst v63  }
0xa8: {  	_ = 	snop  }
0xa9: {  	[tilespmem:s15], [sflag:$0x1] =	stream.indirect.gather [hbm4b:s4+s13], $0x80, s1, s13, $0xb8;
	[tilespmem:$0x1D000] =	vst v63  }
0xaa: {  	_ =	swait.ge [sflag:s10], $0x4000  }
0xab: {  	[sflag:s10] =	ssyncset.done $0x0  }
0xac: {  	[sflag:s10] =	ssyncadd.s32 $0xFFFFC000  }
0xad: {  	[spmem:s2] =	stream.indirect.scatter.add.f32 [tilespmem:s14], [sflag:$0x2], $0x80, s0, s13, $0xb8;
	[tilespmem:$0x1D000] =	vst v63  }
0xae: {  	_ =	swait.ge [sflag:s11], $0x4000  }
0xaf: {  	[sflag:s11] =	ssyncset.done $0x0  }
0xb0: {  	[sflag:s11] =	ssyncadd.s32 $0xFFFFC000  }
0xb1: {  	_ =	swait.ge [sflag:s10], $0x4000  }
0xb2: {  	[sflag:s10] =	ssyncset.done $0x0  }
0xb3: {  	[sflag:s10] =	ssyncadd.s32 $0xFFFFC000  }
0xb4: {  	[spmem:s2] =	stream.indirect.scatter.add.f32 [tilespmem:s15], [sflag:$0x2], $0x80, s5, s13, $0xb8;
	[tilespmem:$0x1D000] =	vst v63  }
0xb5: {  	s6 =	simm.s32 $0x200;
	_ =	swait.ge [sflag:s11], $0x4000  }
0xb6: {  	s8 =	simm.s32 $0x100;
	s9 =	rddreg [dreg:$0x4];
	[sflag:s11] =	ssyncset.done $0x0  }
.LBB2_2:
0xb7: {  	[sflag:s11] =	ssyncadd.s32 $0xFFFFC000;
	s9 =	sadd.s32 s8, s9  }
0xb8: {  	[tilespmem:s3], [sflag:$0x2] =	stream.linear.gather [hbm4b:s9+s3], $0x800, $0x38;
	[tilespmem:$0x1D000] =	vst v63  }
0xb9: {  	_ =	swait.ge [sflag:s11], $0x800  }
0xba: {  	s9 =	rddreg [dreg:$0x3];
	[sflag:s11] =	ssyncset.done $0x0  }
0xbb: {  	[sflag:s11] =	ssyncadd.s32 $0xFFFFF800;
	s9 =	sadd.s32 s8, s9  }
0xbc: {  	[tilespmem:s12], [sflag:$0x2] =	stream.linear.gather [hbm4b:s9+s3], $0x800, $0x38;
	[tilespmem:$0x1D000] =	vst v63  }
0xbd: {  	_ =	swait.ge [sflag:s11], $0x800  }
0xbe: {  	[sflag:s11] =	ssyncset.done $0x0  }
0xbf: {  	[sflag:s11] =	ssyncadd.s32 $0xFFFFF800  }
0xc0: {  	[tilespmem:s14], [sflag:$0x1] =	stream.indirect.gather [hbm4b:s4+s13], $0x80, s3, s13, $0xb8;
	[tilespmem:$0x1D000] =	vst v63  }
0xc1: {  	_ = 	snop  }
0xc2: {  	[tilespmem:s15], [sflag:$0x1] =	stream.indirect.gather [hbm4b:s4+s13], $0x80, s13, s13, $0xb8;
	[tilespmem:$0x1D000] =	vst v63  }
0xc3: {  	_ =	swait.ge [sflag:s10], $0x4000  }
0xc4: {  	[sflag:s10] =	ssyncset.done $0x0  }
0xc5: {  	[sflag:s10] =	ssyncadd.s32 $0xFFFFC000  }
0xc6: {  	[spmem:s2] =	stream.indirect.scatter.add.f32 [tilespmem:s14], [sflag:$0x2], $0x80, s12, s13, $0xb8;
	[tilespmem:$0x1D000] =	vst v63  }
0xc7: {  	_ =	swait.ge [sflag:s11], $0x4000  }
0xc8: {  	[sflag:s11] =	ssyncset.done $0x0  }
0xc9: {  	[sflag:s11] =	ssyncadd.s32 $0xFFFFC000  }
0xca: {  	_ =	swait.ge [sflag:s10], $0x4000  }
0xcb: {  	[sflag:s10] =	ssyncset.done $0x0  }
0xcc: {  	s9 =	rddreg [dreg:$0x5];
	[sflag:s10] =	ssyncadd.s32 $0xFFFFC000  }
0xcd: {  	[spmem:s2] =	stream.indirect.scatter.add.f32 [tilespmem:s15], [sflag:$0x2], $0x80, s9, s13, $0xb8;
	[tilespmem:$0x1D000] =	vst v63  }
0xce: {  	_ =	swait.ge [sflag:s11], $0x4000  }
0xcf: {  	s7 =	smov.u32 s6;
	[sflag:s11] =	ssyncset.done $0x0  }
0xd0: {  	s8 =	smov.u32 s7;
	s7 =	rddreg [dreg:$0x6];
	[sflag:s11] =	ssyncadd.s32 $0xFFFFC000  }
0xd1: {  	[tilespmem:s14], [sflag:$0x1] =	stream.indirect.gather [hbm4b:s4+s13], $0x80, s7, s13, $0xb8;
	[tilespmem:$0x1D000] =	vst v63  }
0xd2: {  	s9 =	rddreg [dreg:$0x7]  }
0xd3: {  	[tilespmem:s15], [sflag:$0x1] =	stream.indirect.gather [hbm4b:s4+s13], $0x80, s9, s13, $0xb8;
	[tilespmem:$0x1D000] =	vst v63  }
0xd4: {  	_ =	swait.ge [sflag:s10], $0x4000  }
0xd5: {  	[sflag:s10] =	ssyncset.done $0x0  }
0xd6: {  	s9 =	rddreg [dreg:$0x8];
	[sflag:s10] =	ssyncadd.s32 $0xFFFFC000  }
0xd7: {  	[spmem:s2] =	stream.indirect.scatter.add.f32 [tilespmem:s14], [sflag:$0x2], $0x80, s9, s13, $0xb8;
	[tilespmem:$0x1D000] =	vst v63  }
0xd8: {  	_ =	swait.ge [sflag:s11], $0x4000  }
0xd9: {  	[sflag:s11] =	ssyncset.done $0x0  }
0xda: {  	[sflag:s11] =	ssyncadd.s32 $0xFFFFC000  }
0xdb: {  	_ =	swait.ge [sflag:s10], $0x4000  }
0xdc: {  	[sflag:s10] =	ssyncset.done $0x0  }
0xdd: {  	s9 =	rddreg [dreg:$0x9];
	[sflag:s10] =	ssyncadd.s32 $0xFFFFC000  }
0xde: {  	[spmem:s2] =	stream.indirect.scatter.add.f32 [tilespmem:s15], [sflag:$0x2], $0x80, s9, s13, $0xb8;
	[tilespmem:$0x1D000] =	vst v63  }
0xdf: {  	_ =	swait.ge [sflag:s11], $0x4000  }
0xe0: {  	[sflag:s11] =	ssyncset.done $0x0  }
0xe1: {  	s7 =	rddreg [dreg:$0xa];
	[sflag:s11] =	ssyncadd.s32 $0xFFFFC000  }
0xe2: {  	[tilespmem:s14], [sflag:$0x1] =	stream.indirect.gather [hbm4b:s4+s13], $0x80, s7, s13, $0xb8;
	[tilespmem:$0x1D000] =	vst v63  }
0xe3: {  	s9 =	rddreg [dreg:$0xb]  }
0xe4: {  	[tilespmem:s15], [sflag:$0x1] =	stream.indirect.gather [hbm4b:s4+s13], $0x80, s9, s13, $0xb8;
	[tilespmem:$0x1D000] =	vst v63  }
0xe5: {  	_ =	swait.ge [sflag:s10], $0x4000  }
0xe6: {  	[sflag:s10] =	ssyncset.done $0x0  }
0xe7: {  	s9 =	rddreg [dreg:$0xc];
	[sflag:s10] =	ssyncadd.s32 $0xFFFFC000  }
0xe8: {  	[spmem:s2] =	stream.indirect.scatter.add.f32 [tilespmem:s14], [sflag:$0x2], $0x80, s9, s13, $0xb8;
	[tilespmem:$0x1D000] =	vst v63  }
0xe9: {  	_ =	swait.ge [sflag:s11], $0x4000  }
0xea: {  	[sflag:s11] =	ssyncset.done $0x0  }
0xeb: {  	[sflag:s11] =	ssyncadd.s32 $0xFFFFC000  }
0xec: {  	_ =	swait.ge [sflag:s10], $0x4000  }
0xed: {  	[sflag:s10] =	ssyncset.done $0x0  }
0xee: {  	s9 =	rddreg [dreg:$0xd];
	[sflag:s10] =	ssyncadd.s32 $0xFFFFC000  }
0xef: {  	[spmem:s2] =	stream.indirect.scatter.add.f32 [tilespmem:s15], [sflag:$0x2], $0x80, s9, s13, $0xb8;
	[tilespmem:$0x1D000] =	vst v63  }
0xf0: {  	_ =	swait.ge [sflag:s11], $0x4000  }
0xf1: {  	[sflag:s11] =	ssyncset.done $0x0  }
0xf2: {  	s7 =	rddreg [dreg:$0xe];
	[sflag:s11] =	ssyncadd.s32 $0xFFFFC000  }
0xf3: {  	[tilespmem:s14], [sflag:$0x1] =	stream.indirect.gather [hbm4b:s4+s13], $0x80, s7, s13, $0xb8;
	[tilespmem:$0x1D000] =	vst v63  }
0xf4: {  	s9 =	rddreg [dreg:$0xf]  }
0xf5: {  	[tilespmem:s15], [sflag:$0x1] =	stream.indirect.gather [hbm4b:s4+s13], $0x80, s9, s13, $0xb8;
	[tilespmem:$0x1D000] =	vst v63  }
0xf6: {  	_ =	swait.ge [sflag:s10], $0x4000  }
0xf7: {  	[sflag:s10] =	ssyncset.done $0x0  }
0xf8: {  	[sflag:s10] =	ssyncadd.s32 $0xFFFFC000  }
0xf9: {  	[spmem:s2] =	stream.indirect.scatter.add.f32 [tilespmem:s14], [sflag:$0x2], $0x80, s16, s13, $0xb8;
	[tilespmem:$0x1D000] =	vst v63  }
0xfa: {  	_ =	swait.ge [sflag:s11], $0x4000  }
0xfb: {  	[sflag:s11] =	ssyncset.done $0x0  }
0xfc: {  	[sflag:s11] =	ssyncadd.s32 $0xFFFFC000  }
0xfd: {  	_ =	swait.ge [sflag:s10], $0x4000  }
0xfe: {  	[sflag:s10] =	ssyncset.done $0x0  }
0xff: {  	[sflag:s10] =	ssyncadd.s32 $0xFFFFC000  }
0x100: {  	[spmem:s2] =	stream.indirect.scatter.add.f32 [tilespmem:s15], [sflag:$0x2], $0x80, s17, s13, $0xb8;
	[tilespmem:$0x1D000] =	vst v63  }
0x101: {  	_ =	swait.ge [sflag:s11], $0x4000  }
0x102: {  	[sflag:s11] =	ssyncset.done $0x0  }
0x103: {  	[sflag:s11] =	ssyncadd.s32 $0xFFFFC000  }
0x104: {  	[tilespmem:s14], [sflag:$0x1] =	stream.indirect.gather [hbm4b:s4+s13], $0x80, s18, s13, $0xb8;
	[tilespmem:$0x1D000] =	vst v63  }
0x105: {  	_ = 	snop  }
0x106: {  	[tilespmem:s15], [sflag:$0x1] =	stream.indirect.gather [hbm4b:s4+s13], $0x80, s19, s13, $0xb8;
	[tilespmem:$0x1D000] =	vst v63  }
0x107: {  	_ =	swait.ge [sflag:s10], $0x4000  }
0x108: {  	[sflag:s10] =	ssyncset.done $0x0  }
0x109: {  	[sflag:s10] =	ssyncadd.s32 $0xFFFFC000  }
0x10a: {  	[spmem:s2] =	stream.indirect.scatter.add.f32 [tilespmem:s14], [sflag:$0x2], $0x80, s20, s13, $0xb8;
	[tilespmem:$0x1D000] =	vst v63  }
0x10b: {  	_ =	swait.ge [sflag:s11], $0x4000  }
0x10c: {  	[sflag:s11] =	ssyncset.done $0x0  }
0x10d: {  	[sflag:s11] =	ssyncadd.s32 $0xFFFFC000  }
0x10e: {  	_ =	swait.ge [sflag:s10], $0x4000  }
0x10f: {  	[sflag:s10] =	ssyncset.done $0x0  }
0x110: {  	[sflag:s10] =	ssyncadd.s32 $0xFFFFC000  }
0x111: {  	[spmem:s2] =	stream.indirect.scatter.add.f32 [tilespmem:s15], [sflag:$0x2], $0x80, s21, s13, $0xb8;
	[tilespmem:$0x1D000] =	vst v63  }
0x112: {  	_ =	swait.ge [sflag:s11], $0x4000  }
0x113: {  	[sflag:s11] =	ssyncset.done $0x0  }
0x114: {  	[sflag:s11] =	ssyncadd.s32 $0xFFFFC000  }
0x115: {  	[tilespmem:s14], [sflag:$0x1] =	stream.indirect.gather [hbm4b:s4+s13], $0x80, s22, s13, $0xb8;
	[tilespmem:$0x1D000] =	vst v63  }
0x116: {  	_ = 	snop  }
0x117: {  	[tilespmem:s15], [sflag:$0x1] =	stream.indirect.gather [hbm4b:s4+s13], $0x80, s23, s13, $0xb8;
	[tilespmem:$0x1D000] =	vst v63  }
0x118: {  	_ =	swait.ge [sflag:s10], $0x4000  }
0x119: {  	[sflag:s10] =	ssyncset.done $0x0  }
0x11a: {  	[sflag:s10] =	ssyncadd.s32 $0xFFFFC000  }
0x11b: {  	[spmem:s2] =	stream.indirect.scatter.add.f32 [tilespmem:s14], [sflag:$0x2], $0x80, s24, s13, $0xb8;
	[tilespmem:$0x1D000] =	vst v63  }
0x11c: {  	_ =	swait.ge [sflag:s11], $0x4000  }
0x11d: {  	[sflag:s11] =	ssyncset.done $0x0  }
0x11e: {  	[sflag:s11] =	ssyncadd.s32 $0xFFFFC000  }
0x11f: {  	_ =	swait.ge [sflag:s10], $0x4000  }
0x120: {  	[sflag:s10] =	ssyncset.done $0x0  }
0x121: {  	[sflag:s10] =	ssyncadd.s32 $0xFFFFC000  }
0x122: {  	[spmem:s2] =	stream.indirect.scatter.add.f32 [tilespmem:s15], [sflag:$0x2], $0x80, s25, s13, $0xb8;
	[tilespmem:$0x1D000] =	vst v63  }
0x123: {  	_ =	swait.ge [sflag:s11], $0x4000  }
0x124: {  	[sflag:s11] =	ssyncset.done $0x0  }
0x125: {  	[sflag:s11] =	ssyncadd.s32 $0xFFFFC000  }
0x126: {  	[tilespmem:s14], [sflag:$0x1] =	stream.indirect.gather [hbm4b:s4+s13], $0x80, s26, s13, $0xb8;
	[tilespmem:$0x1D000] =	vst v63  }
0x127: {  	_ = 	snop  }
0x128: {  	[tilespmem:s15], [sflag:$0x1] =	stream.indirect.gather [hbm4b:s4+s13], $0x80, s28, s13, $0xb8;
	[tilespmem:$0x1D000] =	vst v63  }
0x129: {  	_ =	swait.ge [sflag:s10], $0x4000  }
0x12a: {  	[sflag:s10] =	ssyncset.done $0x0  }
0x12b: {  	[sflag:s10] =	ssyncadd.s32 $0xFFFFC000  }
0x12c: {  	[spmem:s2] =	stream.indirect.scatter.add.f32 [tilespmem:s14], [sflag:$0x2], $0x80, s29, s13, $0xb8;
	[tilespmem:$0x1D000] =	vst v63  }
0x12d: {  	_ =	swait.ge [sflag:s11], $0x4000  }
0x12e: {  	[sflag:s11] =	ssyncset.done $0x0  }
0x12f: {  	[sflag:s11] =	ssyncadd.s32 $0xFFFFC000  }
0x130: {  	_ =	swait.ge [sflag:s10], $0x4000  }
0x131: {  	[sflag:s10] =	ssyncset.done $0x0  }
0x132: {  	[sflag:s10] =	ssyncadd.s32 $0xFFFFC000  }
0x133: {  	[spmem:s2] =	stream.indirect.scatter.add.f32 [tilespmem:s15], [sflag:$0x2], $0x80, s30, s13, $0xb8;
	[tilespmem:$0x1D000] =	vst v63  }
0x134: {  	_ =	swait.ge [sflag:s11], $0x4000  }
0x135: {  	[sflag:s11] =	ssyncset.done $0x0  }
0x136: {  	[sflag:s11] =	ssyncadd.s32 $0xFFFFC000  }
0x137: {  	[tilespmem:s14], [sflag:$0x1] =	stream.indirect.gather [hbm4b:s4+s13], $0x80, s31, s13, $0xb8;
	[tilespmem:$0x1D000] =	vst v63  }
0x138: {  	_ = 	snop  }
0x139: {  	[tilespmem:s15], [sflag:$0x1] =	stream.indirect.gather [hbm4b:s4+s13], $0x80, s1, s13, $0xb8;
	[tilespmem:$0x1D000] =	vst v63  }
0x13a: {  	_ =	swait.ge [sflag:s10], $0x4000  }
0x13b: {  	[sflag:s10] =	ssyncset.done $0x0  }
0x13c: {  	[sflag:s10] =	ssyncadd.s32 $0xFFFFC000  }
0x13d: {  	[spmem:s2] =	stream.indirect.scatter.add.f32 [tilespmem:s14], [sflag:$0x2], $0x80, s0, s13, $0xb8;
	[tilespmem:$0x1D000] =	vst v63  }
0x13e: {  	_ =	swait.ge [sflag:s11], $0x4000  }
0x13f: {  	[sflag:s11] =	ssyncset.done $0x0  }
0x140: {  	[sflag:s11] =	ssyncadd.s32 $0xFFFFC000  }
0x141: {  	p0 =	sne.s32 s6, $0x400;
	_ =	swait.ge [sflag:s10], $0x4000  }
.Ltmp0:
0x142: {  	[sflag:s10] =	ssyncset.done $0x0;
	(pc) =	sbr.rel @p0 .LBB2_2-.Ltmp0, $4  }
0x143: {  	[sflag:s10] =	ssyncadd.s32 $0xFFFFC000  }
0x144: {  	[spmem:s2] =	stream.indirect.scatter.add.f32 [tilespmem:s15], [sflag:$0x2], $0x80, s5, s13, $0xb8;
	[tilespmem:$0x1D000] =	vst v63  }
0x145: {  	_ =	swait.ge [sflag:s11], $0x4000  }
0x146: {  	s6 =	sadd.s32 $0x100, s6;
	s9 =	rddreg [dreg:$0x4];
	[sflag:s11] =	ssyncset.done $0x0  }
0x147: {  	[sflag:s11] =	ssyncadd.s32 $0xFFFFC000;
	s6 =	sadd.s32 s8, s9  }
0x148: {  	[tilespmem:s3], [sflag:$0x2] =	stream.linear.gather [hbm4b:s6+s3], $0x800, $0x38;
	[tilespmem:$0x1D000] =	vst v63  }
0x149: {  	_ =	swait.ge [sflag:s11], $0x800  }
0x14a: {  	s9 =	rddreg [dreg:$0x3];
	[sflag:s11] =	ssyncset.done $0x0  }
0x14b: {  	[sflag:s11] =	ssyncadd.s32 $0xFFFFF800;
	s6 =	sadd.s32 s8, s9  }
0x14c: {  	[tilespmem:s12], [sflag:$0x2] =	stream.linear.gather [hbm4b:s6+s3], $0x800, $0x38;
	[tilespmem:$0x1D000] =	vst v63  }
0x14d: {  	_ =	swait.ge [sflag:s11], $0x800  }
0x14e: {  	[sflag:s11] =	ssyncset.done $0x0  }
0x14f: {  	[sflag:s11] =	ssyncadd.s32 $0xFFFFF800  }
0x150: {  	[tilespmem:s14], [sflag:$0x1] =	stream.indirect.gather [hbm4b:s4+s13], $0x80, s3, s13, $0xb8;
	[tilespmem:$0x1D000] =	vst v63  }
0x151: {  	_ = 	snop  }
0x152: {  	[tilespmem:s15], [sflag:$0x1] =	stream.indirect.gather [hbm4b:s4+s13], $0x80, s13, s13, $0xb8;
	[tilespmem:$0x1D000] =	vst v63  }
0x153: {  	_ =	swait.ge [sflag:s10], $0x4000  }
0x154: {  	[sflag:s10] =	ssyncset.done $0x0  }
0x155: {  	[sflag:s10] =	ssyncadd.s32 $0xFFFFC000  }
0x156: {  	[spmem:s2] =	stream.indirect.scatter.add.f32 [tilespmem:s14], [sflag:$0x2], $0x80, s12, s13, $0xb8;
	[tilespmem:$0x1D000] =	vst v63  }
0x157: {  	_ =	swait.ge [sflag:s11], $0x4000  }
0x158: {  	[sflag:s11] =	ssyncset.done $0x0  }
0x159: {  	[sflag:s11] =	ssyncadd.s32 $0xFFFFC000  }
0x15a: {  	_ =	swait.ge [sflag:s10], $0x4000  }
0x15b: {  	[sflag:s10] =	ssyncset.done $0x0  }
0x15c: {  	s7 =	rddreg [dreg:$0x5];
	[sflag:s10] =	ssyncadd.s32 $0xFFFFC000  }
0x15d: {  	[spmem:s2] =	stream.indirect.scatter.add.f32 [tilespmem:s15], [sflag:$0x2], $0x80, s7, s13, $0xb8;
	[tilespmem:$0x1D000] =	vst v63  }
0x15e: {  	_ =	swait.ge [sflag:s11], $0x4000  }
0x15f: {  	[sflag:s11] =	ssyncset.done $0x0  }
0x160: {  	s8 =	rddreg [dreg:$0x6];
	[sflag:s11] =	ssyncadd.s32 $0xFFFFC000  }
0x161: {  	[tilespmem:s14], [sflag:$0x1] =	stream.indirect.gather [hbm4b:s4+s13], $0x80, s8, s13, $0xb8;
	[tilespmem:$0x1D000] =	vst v63  }
0x162: {  	s7 =	rddreg [dreg:$0x7]  }
0x163: {  	[tilespmem:s15], [sflag:$0x1] =	stream.indirect.gather [hbm4b:s4+s13], $0x80, s7, s13, $0xb8;
	[tilespmem:$0x1D000] =	vst v63  }
0x164: {  	_ =	swait.ge [sflag:s10], $0x4000  }
0x165: {  	[sflag:s10] =	ssyncset.done $0x0  }
0x166: {  	s9 =	rddreg [dreg:$0x8];
	[sflag:s10] =	ssyncadd.s32 $0xFFFFC000  }
0x167: {  	[spmem:s2] =	stream.indirect.scatter.add.f32 [tilespmem:s14], [sflag:$0x2], $0x80, s9, s13, $0xb8;
	[tilespmem:$0x1D000] =	vst v63  }
0x168: {  	_ =	swait.ge [sflag:s11], $0x4000  }
0x169: {  	[sflag:s11] =	ssyncset.done $0x0  }
0x16a: {  	[sflag:s11] =	ssyncadd.s32 $0xFFFFC000  }
0x16b: {  	_ =	swait.ge [sflag:s10], $0x4000  }
0x16c: {  	[sflag:s10] =	ssyncset.done $0x0  }
0x16d: {  	s7 =	rddreg [dreg:$0x9];
	[sflag:s10] =	ssyncadd.s32 $0xFFFFC000  }
0x16e: {  	[spmem:s2] =	stream.indirect.scatter.add.f32 [tilespmem:s15], [sflag:$0x2], $0x80, s7, s13, $0xb8;
	[tilespmem:$0x1D000] =	vst v63  }
0x16f: {  	_ =	swait.ge [sflag:s11], $0x4000  }
0x170: {  	[sflag:s11] =	ssyncset.done $0x0  }
0x171: {  	s8 =	rddreg [dreg:$0xa];
	[sflag:s11] =	ssyncadd.s32 $0xFFFFC000  }
0x172: {  	[tilespmem:s14], [sflag:$0x1] =	stream.indirect.gather [hbm4b:s4+s13], $0x80, s8, s13, $0xb8;
	[tilespmem:$0x1D000] =	vst v63  }
0x173: {  	s9 =	rddreg [dreg:$0xb]  }
0x174: {  	[tilespmem:s15], [sflag:$0x1] =	stream.indirect.gather [hbm4b:s4+s13], $0x80, s9, s13, $0xb8;
	[tilespmem:$0x1D000] =	vst v63  }
0x175: {  	_ =	swait.ge [sflag:s10], $0x4000  }
0x176: {  	[sflag:s10] =	ssyncset.done $0x0  }
0x177: {  	s8 =	rddreg [dreg:$0xc];
	[sflag:s10] =	ssyncadd.s32 $0xFFFFC000  }
0x178: {  	[spmem:s2] =	stream.indirect.scatter.add.f32 [tilespmem:s14], [sflag:$0x2], $0x80, s8, s13, $0xb8;
	[tilespmem:$0x1D000] =	vst v63  }
0x179: {  	_ =	swait.ge [sflag:s11], $0x4000  }
0x17a: {  	[sflag:s11] =	ssyncset.done $0x0  }
0x17b: {  	[sflag:s11] =	ssyncadd.s32 $0xFFFFC000  }
0x17c: {  	_ =	swait.ge [sflag:s10], $0x4000  }
0x17d: {  	[sflag:s10] =	ssyncset.done $0x0  }
0x17e: {  	s9 =	rddreg [dreg:$0xd];
	[sflag:s10] =	ssyncadd.s32 $0xFFFFC000  }
0x17f: {  	[spmem:s2] =	stream.indirect.scatter.add.f32 [tilespmem:s15], [sflag:$0x2], $0x80, s9, s13, $0xb8;
	[tilespmem:$0x1D000] =	vst v63  }
0x180: {  	_ =	swait.ge [sflag:s11], $0x4000  }
0x181: {  	[sflag:s11] =	ssyncset.done $0x0  }
0x182: {  	s7 =	rddreg [dreg:$0xe];
	[sflag:s11] =	ssyncadd.s32 $0xFFFFC000  }
0x183: {  	[tilespmem:s14], [sflag:$0x1] =	stream.indirect.gather [hbm4b:s4+s13], $0x80, s7, s13, $0xb8;
	[tilespmem:$0x1D000] =	vst v63  }
0x184: {  	s8 =	rddreg [dreg:$0xf]  }
0x185: {  	[tilespmem:s15], [sflag:$0x1] =	stream.indirect.gather [hbm4b:s4+s13], $0x80, s8, s13, $0xb8;
	[tilespmem:$0x1D000] =	vst v63  }
0x186: {  	_ =	swait.ge [sflag:s10], $0x4000  }
0x187: {  	[sflag:s10] =	ssyncset.done $0x0  }
0x188: {  	[sflag:s10] =	ssyncadd.s32 $0xFFFFC000  }
0x189: {  	[spmem:s2] =	stream.indirect.scatter.add.f32 [tilespmem:s14], [sflag:$0x2], $0x80, s16, s13, $0xb8;
	[tilespmem:$0x1D000] =	vst v63  }
0x18a: {  	_ =	swait.ge [sflag:s11], $0x4000  }
0x18b: {  	[sflag:s11] =	ssyncset.done $0x0  }
0x18c: {  	[sflag:s11] =	ssyncadd.s32 $0xFFFFC000  }
0x18d: {  	_ =	swait.ge [sflag:s10], $0x4000  }
0x18e: {  	[sflag:s10] =	ssyncset.done $0x0  }
0x18f: {  	[sflag:s10] =	ssyncadd.s32 $0xFFFFC000  }
0x190: {  	[spmem:s2] =	stream.indirect.scatter.add.f32 [tilespmem:s15], [sflag:$0x2], $0x80, s17, s13, $0xb8;
	[tilespmem:$0x1D000] =	vst v63  }
0x191: {  	_ =	swait.ge [sflag:s11], $0x4000  }
0x192: {  	[sflag:s11] =	ssyncset.done $0x0  }
0x193: {  	[sflag:s11] =	ssyncadd.s32 $0xFFFFC000  }
0x194: {  	[tilespmem:s14], [sflag:$0x1] =	stream.indirect.gather [hbm4b:s4+s13], $0x80, s18, s13, $0xb8;
	[tilespmem:$0x1D000] =	vst v63  }
0x195: {  	_ = 	snop  }
0x196: {  	[tilespmem:s15], [sflag:$0x1] =	stream.indirect.gather [hbm4b:s4+s13], $0x80, s19, s13, $0xb8;
	[tilespmem:$0x1D000] =	vst v63  }
0x197: {  	_ =	swait.ge [sflag:s10], $0x4000  }
0x198: {  	[sflag:s10] =	ssyncset.done $0x0  }
0x199: {  	[sflag:s10] =	ssyncadd.s32 $0xFFFFC000  }
0x19a: {  	[spmem:s2] =	stream.indirect.scatter.add.f32 [tilespmem:s14], [sflag:$0x2], $0x80, s20, s13, $0xb8;
	[tilespmem:$0x1D000] =	vst v63  }
0x19b: {  	_ =	swait.ge [sflag:s11], $0x4000  }
0x19c: {  	[sflag:s11] =	ssyncset.done $0x0  }
0x19d: {  	[sflag:s11] =	ssyncadd.s32 $0xFFFFC000  }
0x19e: {  	_ =	swait.ge [sflag:s10], $0x4000  }
0x19f: {  	[sflag:s10] =	ssyncset.done $0x0  }
0x1a0: {  	[sflag:s10] =	ssyncadd.s32 $0xFFFFC000  }
0x1a1: {  	[spmem:s2] =	stream.indirect.scatter.add.f32 [tilespmem:s15], [sflag:$0x2], $0x80, s21, s13, $0xb8;
	[tilespmem:$0x1D000] =	vst v63  }
0x1a2: {  	_ =	swait.ge [sflag:s11], $0x4000  }
0x1a3: {  	[sflag:s11] =	ssyncset.done $0x0  }
0x1a4: {  	[sflag:s11] =	ssyncadd.s32 $0xFFFFC000  }
0x1a5: {  	[tilespmem:s14], [sflag:$0x1] =	stream.indirect.gather [hbm4b:s4+s13], $0x80, s22, s13, $0xb8;
	[tilespmem:$0x1D000] =	vst v63  }
0x1a6: {  	_ = 	snop  }
0x1a7: {  	[tilespmem:s15], [sflag:$0x1] =	stream.indirect.gather [hbm4b:s4+s13], $0x80, s23, s13, $0xb8;
	[tilespmem:$0x1D000] =	vst v63  }
0x1a8: {  	_ =	swait.ge [sflag:s10], $0x4000  }
0x1a9: {  	[sflag:s10] =	ssyncset.done $0x0  }
0x1aa: {  	[sflag:s10] =	ssyncadd.s32 $0xFFFFC000  }
0x1ab: {  	[spmem:s2] =	stream.indirect.scatter.add.f32 [tilespmem:s14], [sflag:$0x2], $0x80, s24, s13, $0xb8;
	[tilespmem:$0x1D000] =	vst v63  }
0x1ac: {  	_ =	swait.ge [sflag:s11], $0x4000  }
0x1ad: {  	[sflag:s11] =	ssyncset.done $0x0  }
0x1ae: {  	[sflag:s11] =	ssyncadd.s32 $0xFFFFC000  }
0x1af: {  	_ =	swait.ge [sflag:s10], $0x4000  }
0x1b0: {  	[sflag:s10] =	ssyncset.done $0x0  }
0x1b1: {  	[sflag:s10] =	ssyncadd.s32 $0xFFFFC000  }
0x1b2: {  	[spmem:s2] =	stream.indirect.scatter.add.f32 [tilespmem:s15], [sflag:$0x2], $0x80, s25, s13, $0xb8;
	[tilespmem:$0x1D000] =	vst v63  }
0x1b3: {  	_ =	swait.ge [sflag:s11], $0x4000  }
0x1b4: {  	[sflag:s11] =	ssyncset.done $0x0  }
0x1b5: {  	[sflag:s11] =	ssyncadd.s32 $0xFFFFC000  }
0x1b6: {  	[tilespmem:s14], [sflag:$0x1] =	stream.indirect.gather [hbm4b:s4+s13], $0x80, s26, s13, $0xb8;
	[tilespmem:$0x1D000] =	vst v63  }
0x1b7: {  	_ = 	snop  }
0x1b8: {  	[tilespmem:s15], [sflag:$0x1] =	stream.indirect.gather [hbm4b:s4+s13], $0x80, s28, s13, $0xb8;
	[tilespmem:$0x1D000] =	vst v63  }
0x1b9: {  	_ =	swait.ge [sflag:s10], $0x4000  }
0x1ba: {  	[sflag:s10] =	ssyncset.done $0x0  }
0x1bb: {  	[sflag:s10] =	ssyncadd.s32 $0xFFFFC000  }
0x1bc: {  	[spmem:s2] =	stream.indirect.scatter.add.f32 [tilespmem:s14], [sflag:$0x2], $0x80, s29, s13, $0xb8;
	[tilespmem:$0x1D000] =	vst v63  }
0x1bd: {  	_ =	swait.ge [sflag:s11], $0x4000  }
0x1be: {  	[sflag:s11] =	ssyncset.done $0x0  }
0x1bf: {  	[sflag:s11] =	ssyncadd.s32 $0xFFFFC000  }
0x1c0: {  	_ =	swait.ge [sflag:s10], $0x4000  }
0x1c1: {  	[sflag:s10] =	ssyncset.done $0x0  }
0x1c2: {  	[sflag:s10] =	ssyncadd.s32 $0xFFFFC000  }
0x1c3: {  	[spmem:s2] =	stream.indirect.scatter.add.f32 [tilespmem:s15], [sflag:$0x2], $0x80, s30, s13, $0xb8;
	[tilespmem:$0x1D000] =	vst v63  }
0x1c4: {  	_ =	swait.ge [sflag:s11], $0x4000  }
0x1c5: {  	[sflag:s11] =	ssyncset.done $0x0  }
0x1c6: {  	[sflag:s11] =	ssyncadd.s32 $0xFFFFC000  }
0x1c7: {  	[tilespmem:s14], [sflag:$0x1] =	stream.indirect.gather [hbm4b:s4+s13], $0x80, s31, s13, $0xb8;
	[tilespmem:$0x1D000] =	vst v63  }
0x1c8: {  	_ = 	snop  }
0x1c9: {  	[tilespmem:s15], [sflag:$0x1] =	stream.indirect.gather [hbm4b:s4+s13], $0x80, s1, s13, $0xb8;
	[tilespmem:$0x1D000] =	vst v63  }
0x1ca: {  	_ =	swait.ge [sflag:s10], $0x4000  }
0x1cb: {  	[sflag:s10] =	ssyncset.done $0x0  }
0x1cc: {  	[sflag:s10] =	ssyncadd.s32 $0xFFFFC000  }
0x1cd: {  	[spmem:s2] =	stream.indirect.scatter.add.f32 [tilespmem:s14], [sflag:$0x2], $0x80, s0, s13, $0xb8;
	[tilespmem:$0x1D000] =	vst v63  }
0x1ce: {  	_ =	swait.ge [sflag:s11], $0x4000  }
0x1cf: {  	[sflag:s11] =	ssyncset.done $0x0  }
0x1d0: {  	[sflag:s11] =	ssyncadd.s32 $0xFFFFC000  }
0x1d1: {  	_ =	swait.ge [sflag:s10], $0x4000  }
0x1d2: {  	[sflag:s10] =	ssyncset.done $0x0  }
0x1d3: {  	[sflag:s10] =	ssyncadd.s32 $0xFFFFC000  }
0x1d4: {  	[spmem:s2] =	stream.indirect.scatter.add.f32 [tilespmem:s15], [sflag:$0x2], $0x80, s5, s13, $0xb8;
	[tilespmem:$0x1D000] =	vst v63  }
0x1d5: {  	_ =	swait.ge [sflag:s11], $0x4000  }
0x1d6: {  	[sflag:s11] =	ssyncset.done $0x0  }
0x1d7: {  	[sflag:s11] =	ssyncadd.s32 $0xFFFFC000  }
0x1d8: {  	[bflag:$0x0] =	sbarrier.arrive $0xFFFF  }
0x1d9: {  	s7 =	rddreg [dreg:$0x11]  }
0x1da: {  	s9 =	rddreg [dreg:$0x12]  }
0x1db: {  	s8 =	rddreg [dreg:$0x14]  }
0x1dc: {  	[hbm:s9], [sflag:s7] =	dma.local [spmem:s8], $0x2800  }
0x1dd: {  	_ =	swait.ge [sflag:s10], $0x2800  }
0x1de: {  	s6 =	rddreg [dreg:$0x15]  }
0x1df: {  	s9 =	sadd.s32 $0x1, s6;
	s6 =	rddreg [dreg:$0x13]  }
0x1e0: {  	p0 =	sne.s32 s9, s6  }
.Ltmp1:
0x1e1: {  	_ = 	snop;
	(pc) =	sbr.rel @p0 .LBB2_1-.Ltmp1, $3  }
0x1e2: {  	_ =	sdelay $0x1  }
0x1e3: {  	[sflag:s10] =	ssyncset.done $0x0  }
0x1e4: {  	[sflag:s10] =	ssyncadd.s32 $0xFFFFD800  }
0x1e5: {  	_ =	sfence.sel $0x180000  }
0x1e6: {  	[bflag:$0x0] =	sbarrier.arrive $0xFFFF  }
0x1e7: {  	_ =	strace $0x9000004D  }
0x1e8: {  	s0 =	stileid.u32;
	[bflag:$0x2] =	sbarrier.arrive $0xFFFF  }
0x1e9: {  	p0 =	sne.s32 s0, $0x0;
	s0 =	rddreg [dreg:$0x2]  }
0x1ea: {  	s0 =	sadd.s32 @!p0 $0x100000, s0  }
0x1eb: {  	[sflag:s0] =	ssyncadd.tile.s32 @!p0 $0x1;
	_ =	shalt  }
.Lfunc_end2:
_tile_overlayer_lowered:
.L_overlay_start_2:
0x1ec: {  	(tag) =	ssettag $0x2  }
0x1ed: {  	s0 =	rddreg [dreg:$0x0];
	s2 =	stileid.u32  }
0x1ee: {  	s1 =	rddreg [dreg:$0x1];
	p0 =	sne.s32 s2, $0x0  }
0x1ef: {  	s3 =	rddreg [dreg:$0x2];
	[bflag:$0x3] =	sbarrier.arrive $0xFFFF;
	s2 =	simm.s32 @!p0 $0x1C01  }
0x1f0: {  	[timem:s3], [sflag:s2] =	dma.local @!p0 [hbm:s0], s1  }
0x1f1: {  	s0 =	simm.s32 @!p0 $0x1  }
0x1f2: {  	_ =	swait.ge @!p0 [sflag:s0], s1  }
0x1f3: {  	s1 =	ssub.s32 @!p0 $0x0, s1;
	[sflag:s0] =	ssyncset.done @!p0 $0x0  }
0x1f4: {  	[sflag:s0] =	ssyncadd.s32 @!p0 s1  }
0x1f5: {  	[bflag:$0x3] =	sbarrier.arrive $0xFFFF  }
0x1f6: {  	_ =	shalt  }

// kernel: kernel.8.cloned.1.call-start
scs
__scs_entry_jumppad:
0x0: {  	(pc) =	sbr.rel $0x88, $3  }
0x1: {  	(tag) =	ssettag $0x0;
	lr =	simm.s32 $0x1  }
0x2: {  	[smem:$0x3F99] =	sst lr;
	_ =	strace $0xD0000000  }
0x3: {  	_ = 	snop  }
0x4: {  	_ = 	snop  }
0x5: {  	_ = 	snop  }
0x6: {  	_ = 	snop  }
0x7: {  	_ = 	snop  }
__scs_overlays_trampoline_lowered:
0x8: {  	[smem:$0x3FA8] =	sst s0  }
0x9: {  	[smem:$0x3FA9] =	sst s1  }
0xa: {  	[smem:$0x3FAA] =	sst s2  }
0xb: {  	[smem:$0x3FAB] =	sst s3  }
0xc: {  	[smem:$0x3FAC] =	sst s4  }
0xd: {  	[smem:$0x3FAD] =	sst s5  }
0xe: {  	[smem:$0x3FAE] =	sst s6  }
0xf: {  	[smem:$0x3FAF] =	sst s7  }
0x10: {  	[smem:$0x3FB0] =	sst s8  }
0x11: {  	[smem:$0x3FB1] =	sst s9;
	s0 =	simm.s32 @!p0 $0x0  }
0x12: {  	s1 =	sld [smem:$0x3F97];
	s0 =	simm.s32 @p0 $0x1  }
0x13: {  	[smem:$0x3FB2] =	sst s0;
	s0 =	simm.s32 @!p1 $0x0  }
0x14: {  	s2 =	sld [smem:$0x3F96];
	s0 =	simm.s32 @p1 $0x1  }
0x15: {  	[smem:$0x3FB3] =	sst s0;
	s0 =	simm.s32 @!p2 $0x0  }
0x16: {  	s3 =	sld [smem:$0x3FDB];
	s0 =	simm.s32 @p2 $0x1  }
0x17: {  	s4 =	simm.s32 $0x1BF5;
	[smem:$0x3FB5] =	sst s0  }
0x18: {  	s0 =	sld [smem:$0x3F98];
	_ =	swait.ge [sflag:s4], $0x0  }
0x19: {  	s7 =	sld [smem:$0x3F99]  }
0x1a: {  	s8 =	sadd.s32 $0xFFFFE003, lr  }
0x1b: {  	s9 =	sadd.s32 $0xFFFFFEF7, lr;
	s5 =	simm.s32 $0xFFFFFFFF;
	p2 =	slt.u32 s8, $0xFFFFF086  }
0x1c: {  	p1 =	slt.u32 s9, $0xF7A;
	s5 =	simm.s32 @!p2 $0x0  }
0x1d: {  	s5 =	simm.s32 @p1 $0x1;
	p0 =	seq.s32 s7, s2  }
0x1e: {  	s7 =	smul.u32 @!p0 $0xF7A, s2;
	p2 =	seq.s32 @!p0 s5, $0x0  }
0x1f: {  	s9 =	smul.u32 $0xF7A, s1;
	s8 =	simm.s32 @!p0 $0x1BF5;
	p2 =	por !p2, p0  }
0x20: {  	[sflag:s8] =	ssyncset.s32 @!p0 $0xFFFFF086;
	s6 =	sadd.s32 @!p0 s3, s7;
	s7 =	simm.s32 @!p0 $0x108  }
0x21: {  	s3 =	sadd.s32 s3, s9;
	s6 =	sadd.s32 @!p0 $0x88, s6;
	s7 =	simm.s32 @p2 $0x1082  }
0x22: {  	[simem:s7], [sflag:s8] =	dma.local @!p0 [hbm:s6], $0xF7A  }
0x23: {  	s9 =	sor.u32 $0xD0000000, s2;
	s6 =	simm.s32 $0x108;
	_ =	swait.ge @!p0 [sflag:s8], $0x0  }
0x24: {  	s3 =	sadd.s32 $0x88, s3;
	s6 =	simm.s32 @!p1 $0x1082;
	[sflag:s4] =	ssyncset.s32 $0xFFFFF086  }
0x25: {  	[simem:s6], [sflag:s4] =	dma.local [hbm:s3], $0xF7A  }
0x26: {  	[smem:$0x3F99] =	sst s1;
	(tag) =	ssettag s2;
	_ =	strace s9  }
0x27: {  	s1 =	sld [smem:$0x3FA9]  }
0x28: {  	s2 =	sld [smem:$0x3FAA]  }
0x29: {  	s4 =	sld [smem:$0x3FAC]  }
0x2a: {  	p0 =	seq.s32 s5, $0x0;
	s5 =	sld [smem:$0x3FAD]  }
0x2b: {  	s6 =	sld [smem:$0x3FAE]  }
0x2c: {  	s7 =	sld [smem:$0x3FAF]  }
0x2d: {  	s3 =	simm.s32 $0x108;
	s8 =	sld [smem:$0x3FB0]  }
0x2e: {  	s3 =	simm.s32 @!p0 $0x1082;
	s9 =	sld [smem:$0x3FB1]  }
0x2f: {  	lr =	sadd.s32 s0, s3;
	s0 =	sld [smem:$0x3FA8]  }
0x30: {  	s3 =	sld [smem:$0x3FAB]  }
0x31: {  	[smem:$0x3FB4] =	sst s10  }
0x32: {  	s10 =	sld [smem:$0x3FB2];
	_ =	sdelay $0x3  }
0x33: {  	p0 =	seq.s32 s10, $0x1;
	s10 =	sld [smem:$0x3FB4];
	_ =	sdelay $0x3  }
0x34: {  	[smem:$0x3FB4] =	sst s10  }
0x35: {  	s10 =	sld [smem:$0x3FB3];
	_ =	sdelay $0x3  }
0x36: {  	p1 =	seq.s32 s10, $0x1;
	s10 =	sld [smem:$0x3FB4];
	_ =	sdelay $0x3  }
0x37: {  	[smem:$0x3FB4] =	sst s10  }
0x38: {  	s10 =	sld [smem:$0x3FB5]  }
0x39: {  	_ = 	snop;
	(pc) =	sbr.ind lr, $3  }
0x3a: {  	_ = 	snop  }
0x3b: {  	_ = 	snop  }
0x3c: {  	p2 =	seq.s32 s10, $0x1;
	s10 =	sld [smem:$0x3FB4]  }
0x3d: {  	_ =	shalt  }
0x3e: {  	_ =	shalt  }
0x3f: {  	_ =	shalt  }
0x40: {  	_ =	shalt  }
0x41: {  	_ =	shalt  }
0x42: {  	_ =	shalt  }
0x43: {  	_ =	shalt  }
0x44: {  	_ =	shalt  }
0x45: {  	_ =	shalt  }
0x46: {  	_ =	shalt  }
0x47: {  	_ =	shalt  }
0x48: {  	_ =	shalt  }
0x49: {  	_ =	shalt  }
0x4a: {  	_ =	shalt  }
0x4b: {  	_ =	shalt  }
0x4c: {  	_ =	shalt  }
0x4d: {  	_ =	shalt  }
0x4e: {  	_ =	shalt  }
0x4f: {  	_ =	shalt  }
0x50: {  	_ =	shalt  }
0x51: {  	_ =	shalt  }
0x52: {  	_ =	shalt  }
0x53: {  	_ =	shalt  }
0x54: {  	_ =	shalt  }
0x55: {  	_ =	shalt  }
0x56: {  	_ =	shalt  }
0x57: {  	_ =	shalt  }
0x58: {  	_ =	shalt  }
0x59: {  	_ =	shalt  }
0x5a: {  	_ =	shalt  }
0x5b: {  	_ =	shalt  }
0x5c: {  	_ =	shalt  }
0x5d: {  	_ =	shalt  }
0x5e: {  	_ =	shalt  }
0x5f: {  	_ =	shalt  }
0x60: {  	_ =	shalt  }
0x61: {  	_ =	shalt  }
0x62: {  	_ =	shalt  }
0x63: {  	_ =	shalt  }
0x64: {  	_ =	shalt  }
0x65: {  	_ =	shalt  }
0x66: {  	_ =	shalt  }
0x67: {  	_ =	shalt  }
0x68: {  	_ =	shalt  }
0x69: {  	_ =	shalt  }
0x6a: {  	_ =	shalt  }
0x6b: {  	_ =	shalt  }
0x6c: {  	_ =	shalt  }
0x6d: {  	_ =	shalt  }
0x6e: {  	_ =	shalt  }
0x6f: {  	_ =	shalt  }
0x70: {  	_ =	shalt  }
0x71: {  	_ =	shalt  }
0x72: {  	_ =	shalt  }
0x73: {  	_ =	shalt  }
0x74: {  	_ =	shalt  }
0x75: {  	_ =	shalt  }
0x76: {  	_ =	shalt  }
0x77: {  	_ =	shalt  }
0x78: {  	_ =	shalt  }
0x79: {  	_ =	shalt  }
0x7a: {  	_ =	shalt  }
0x7b: {  	_ =	shalt  }
0x7c: {  	_ =	shalt  }
0x7d: {  	_ =	shalt  }
0x7e: {  	_ =	shalt  }
0x7f: {  	_ =	shalt  }
0x80: {  	_ =	shalt  }
0x81: {  	_ =	shalt  }
0x82: {  	_ =	shalt  }
0x83: {  	_ =	shalt  }
0x84: {  	_ =	shalt  }
0x85: {  	_ =	shalt  }
0x86: {  	_ =	shalt  }
0x87: {  	_ =	shalt  }
.Lfunc_end0:
.L_simem_size_0:
called_computation_lowered:
.L_overlay_start_0:
0x88: {  	s2 =	sld [smem:$0x3FD9]  }
0x89: {  	s3 =	sld [smem:$0x3FFE];
	_ =	sdelay $0x1  }
0x8a: {  	s1 =	srdreg.scid  }
0x8b: {  	s0 =	sand.u32 $0x1, s1  }
0x8c: {  	s17 =	sshll.u32 s0, $0xA;
	s2 =	sadd.s32 s3, s2  }
0x8d: {  	s2 =	sadd.s32 s2, s17  }
0x8e: {  	[smem:$0x3FC0] =	sst s2  }
0x8f: {  	_ = 	snop  }
0x90: {  	s2 =	sld [smem:$0x3FD0];
	(tm) =	ssettm $0x1  }
0x91: {  	s18 =	sld [smem:$0x3FFB];
	_ =	sdelay $0x3  }
0x92: {  	_ =	strace s18  }
0x93: {  	s3 =	sld [smem:$0x3FFC];
	_ =	sdelay $0x3  }
0x94: {  	_ =	strace s3  }
0x95: {  	s3 =	sld [smem:$0x3FFD];
	_ =	sdelay $0x3  }
0x96: {  	_ =	strace s3  }
0x97: {  	_ =	strace $0x8FFFFFFF  }
0x98: {  	s19 =	sld [smem:$0x3FDB];
	_ =	sdelay $0x1  }
0x99: {  	s4 =	simm.s32 $_scs_section_size  }
0x9a: {  	s5 =	simm.s32 $_size__tile_overlayer_lowered;
	s6 =	simm.s32 $_tile_overlayer_lowered  }
0x9b: {  	s22 =	simm.s32 $0x1BFF;
	s21 =	sshll.u32 s6, $0x1;
	s3 =	sadd.s32 s4, s19  }
0x9c: {  	s7 =	simm.s32 $0x0;
	s20 =	sshll.u32 s5, $0x1;
	s5 =	sadd.s32 s21, s3  }
0x9d: {  	[timem:s7], [sflag:s22] =	dma.local [hbm:s5], s20  }
0x9e: {  	_ =	swait.ge [sflag:s22], s20  }
0x9f: {  	s4 =	ssub.s32 $0x0, s20;
	[sflag:s22] =	ssyncset.done $0x0  }
0xa0: {  	[sflag:s22] =	ssyncadd.s32 s4;
	_ =	sdelay $0x1  }
0xa1: {  	s23 =	simm.s32 $0x1B8B  }
0xa2: {  	_ =	swait.ge [sflag:s23], $0x1  }
0xa3: {  	[sflag:s23] =	ssyncset.done $0x0  }
0xa4: {  	s25 =	simm.s32 $0x1B8E;
	s24 =	sld [smem:$0x3FFE];
	[sflag:s23] =	ssyncadd.s32 $0xFFFFFFFF  }
0xa5: {  	s26 =	simm.s32 $execute0_lowered;
	[smem:$0x3FD2] =	sst s25  }
0xa6: {  	s5 =	sshll.u32 s26, $0x1;
	_ =	strace $0x80000046;
	[dreg:$0x1] =	wrdreg $0xFFFFFFFF  }
0xa7: {  	s28 =	simm.s32 $_size_execute0_lowered;
	s3 =	sadd.s32 s3, s5;
	[dreg:$0x0] =	wrdreg $0x0  }
0xa8: {  	s5 =	sshll.u32 s28, $0x1;
	[dreg:$0x2] =	wrdreg s3  }
0xa9: {  	[dreg:$0x3] =	wrdreg s5  }
0xaa: {  	[dreg:$0x4] =	wrdreg $0xC0  }
0xab: {  	_ =	task [dreg:s7], $0x5FFFF  }
0xac: {  	[dreg:$0x1] =	wrdreg $0xFFFFFFFF  }
0xad: {  	[dreg:$0x0] =	wrdreg $0x60  }
0xae: {  	[dreg:$0x2] =	wrdreg s24  }
0xaf: {  	[dreg:$0x3] =	wrdreg s2  }
0xb0: {  	[dreg:$0x4] =	wrdreg $0x48000  }
0xb1: {  	[dreg:$0x5] =	wrdreg $0x9  }
0xb2: {  	_ =	task.clear_ibuf [dreg:s7], $0x6FFFF;
	_ =	strace $0x90000046  }
0xb3: {  	s29 =	simm.s32 $0x9;
	_ =	strace $0x80000048  }
0xb4: {  	_ =	swait.ge [sflag:s29], $0x1  }
0xb5: {  	[sflag:s29] =	ssyncadd.s32 $0xFFFFFFFF  }
0xb6: {  	_ =	strace $0x90000048  }
0xb7: {  	_ =	sfence  }
0xb8: {  	s30 =	sld [smem:$0x0];
	_ =	sdelay $0x2  }
0xb9: {  	s31 =	sshll.u32 s1, $0xD;
	s1 =	sshrl.u32 s1, $0x2  }
0xba: {  	s3 =	sand.u32 $0x4000, s31;
	s1 =	sadd.s32 s1, s30  }
0xbb: {  	s0 =	sor.u32 s3, s0;
	s1 =	sshll.u32 s1, $0x11  }
0xbc: {  	s0 =	sor.u32 s1, s0  }
0xbd: {  	s0 =	sadd.s32 $0x8F2B, s0  }
0xbe: {  	[sflag:s0] =	ssyncadd.remote.s32 $0x1  }
0xbf: {  	_ =	sfence.sel $0xFFFF  }
0xc0: {  	[dreg:$0x0] =	wrdreg $0xFFFFFFFF;
	(pc) =	sbr.abs _section_cstart, $3  }
0xc1: {  	[dreg:$0x1] =	wrdreg $0xFFFFFFFF  }
0xc2: {  	_ =	task.clear_ibuf [dreg:s7], $0x2FFFF;
	_ =	strace $0x9FFFFFFF  }
0xc3: {  	(tm) =	ssettm $0x7FFFFFFF  }
tec
execute0_lowered:
.L_overlay_start_1:
0x0: {  	(tag) =	ssettag $0x1  }
0x1: {  	s0 =	rddreg [dreg:$0x0];
	s1 =	srdreg.scid  }
0x2: {  	s2 =	stileid.u32;
	s3 =	rddreg [dreg:$0x2]  }
0x3: {  	s4 =	simm.s32 $0x0;
	s10 =	simm.s32 $0x1;
	s13 =	simm.s32 $0x2  }
0x4: {  	s14 =	simm.s32 $0x80;
	s15 =	simm.s32 $0x100;
	s16 =	simm.s32 $0x180  }
0x5: {  	s17 =	simm.s32 $0x200;
	s18 =	simm.s32 $0x280;
	s19 =	simm.s32 $0x300  }
0x6: {  	s20 =	simm.s32 $0x380;
	s21 =	simm.s32 $0x400;
	s6 =	smul.u32 $0x2800, s2  }
0x7: {  	s22 =	simm.s32 $0x480;
	s28 =	simm.s32 $0x700;
	s23 =	smul.u32 $0x14000, s2  }
0x8: {  	s29 =	simm.s32 $0x780;
	s1 =	sand.u32 $0x1, s1;
	s25 =	smul.u32 $0x50000, s2  }
0x9: {  	s30 =	simm.s32 $0x0;
	[smem:$0x7FF] =	sst s4;
	s5 =	smul.u32 $0x28000, s1  }
0xa: {  	s31 =	sshll.u32 s2, $0x6;
	s7 =	smul.u32 $0x140000, s1;
	_ =	strace $0x80000047  }
0xb: {  	s1 =	ssub.s32 $0x2, s1;
	s11 =	sor.u32 $0x1C01, s31;
	s24 =	sshrl.u32 s23, $0x3  }
0xc: {  	s9 =	sshrl.u32 s1, $0x1;
	s26 =	sshrl.u32 s25, $0x2;
	s25 =	simm.s32 $0x600  }
0xd: {  	s5 =	sadd.s32 s6, s5;
	s6 =	sadd.s32 s23, s7;
	s1 =	ssub.s32 s1, s9  }
0xe: {  	s12 =	sadd.s32 s26, s3;
	s9 =	simm.s32 $0x800;
	s23 =	simm.s32 $0x500  }
0xf: {  	s26 =	simm.s32 $0x680;
	s5 =	sshrl.u32 s5, $0x3;
	s6 =	sshrl.u32 s6, $0x3  }
0x10: {  	s7 =	smax.u32 s1, $0x1;
	s12 =	sshrl.u32 s12, $0x3;
	s8 =	sadd.s32 s5, s0  }
0x11: {  	s5 =	sadd.s32 s24, s0;
	s0 =	sadd.s32 s6, s0;
	s24 =	simm.s32 $0x580  }
0x12: {  	s5 =	sadd.s32 $0x16E00, s5;
	s6 =	sadd.s32 $0x3EE00, s0;
	s8 =	sadd.s32 $0x2E00, s8  }
.LBB2_1:
0x13: {  	s0 =	rddreg [dreg:$0x1]  }
0x14: {  	[tilespmem:s9], [sflag:$0x1] =	stream.linear.gather [hbm4b:s0+s4], $0x4000, $0x38;
	[tilespmem:$0x18800] =	vst v63  }
0x15: {  	_ =	swait.ge [sflag:s10], $0x4000  }
0x16: {  	[sflag:s10] =	ssyncset.done $0x0  }
0x17: {  	[sflag:s10] =	ssyncadd.s32 $0xFFFFC000  }
0x18: {  	[spmem:s12], [sflag:s11] =	dma.local [hbm:s5], $0x2800  }
0x19: {  	_ =	swait.ge [sflag:s10], $0x2800  }
0x1a: {  	[sflag:s10] =	ssyncset.done $0x0  }
0x1b: {  	[sflag:s10] =	ssyncadd.s32 $0xFFFFD800  }
0x1c: {  	s2 =	sadd.s32 $0x0, s8;
	[bflag:$0x0] =	sbarrier.arrive $0xFFFF  }
0x1d: {  	[tilespmem:s4], [sflag:$0x2] =	stream.linear.gather [hbm4b:s2+s4], $0x800, $0x38;
	[tilespmem:$0x18800] =	vst v63  }
0x1e: {  	_ =	swait.ge [sflag:s13], $0x800  }
0x1f: {  	[sflag:s13] =	ssyncset.done $0x0  }
0x20: {  	[sflag:s13] =	ssyncadd.s32 $0xFFFFF800  }
0x21: {  	[spmem:s3] =	stream.indirect.scatter.add.f32 [tilespmem:s9], [sflag:$0x1], $0x80, s4, s14, $0xb8;
	[tilespmem:$0x18800] =	vst v63  }
0x22: {  	_ = 	snop  }
0x23: {  	[spmem:s3] =	stream.indirect.scatter.add.f32 [tilespmem:s9], [sflag:$0x1], $0x80, s14, s14, $0xb8;
	[tilespmem:$0x18800] =	vst v63  }
0x24: {  	_ = 	snop  }
0x25: {  	[spmem:s3] =	stream.indirect.scatter.add.f32 [tilespmem:s9], [sflag:$0x1], $0x80, s15, s14, $0xb8;
	[tilespmem:$0x18800] =	vst v63  }
0x26: {  	_ = 	snop  }
0x27: {  	[spmem:s3] =	stream.indirect.scatter.add.f32 [tilespmem:s9], [sflag:$0x1], $0x80, s16, s14, $0xb8;
	[tilespmem:$0x18800] =	vst v63  }
0x28: {  	_ =	swait.ge [sflag:s10], $0x4000  }
0x29: {  	[sflag:s10] =	ssyncset.done $0x0  }
0x2a: {  	[sflag:s10] =	ssyncadd.s32 $0xFFFFC000  }
0x2b: {  	_ =	swait.ge [sflag:s10], $0x4000  }
0x2c: {  	[sflag:s10] =	ssyncset.done $0x0  }
0x2d: {  	[sflag:s10] =	ssyncadd.s32 $0xFFFFC000  }
0x2e: {  	_ =	swait.ge [sflag:s10], $0x4000  }
0x2f: {  	[sflag:s10] =	ssyncset.done $0x0  }
0x30: {  	[sflag:s10] =	ssyncadd.s32 $0xFFFFC000  }
0x31: {  	_ =	swait.ge [sflag:s10], $0x4000  }
0x32: {  	[sflag:s10] =	ssyncset.done $0x0  }
0x33: {  	[sflag:s10] =	ssyncadd.s32 $0xFFFFC000  }
0x34: {  	[spmem:s3] =	stream.indirect.scatter.add.f32 [tilespmem:s9], [sflag:$0x1], $0x80, s17, s14, $0xb8;
	[tilespmem:$0x18800] =	vst v63  }
0x35: {  	_ = 	snop  }
0x36: {  	[spmem:s3] =	stream.indirect.scatter.add.f32 [tilespmem:s9], [sflag:$0x1], $0x80, s18, s14, $0xb8;
	[tilespmem:$0x18800] =	vst v63  }
0x37: {  	_ = 	snop  }
0x38: {  	[spmem:s3] =	stream.indirect.scatter.add.f32 [tilespmem:s9], [sflag:$0x1], $0x80, s19, s14, $0xb8;
	[tilespmem:$0x18800] =	vst v63  }
0x39: {  	_ = 	snop  }
0x3a: {  	[spmem:s3] =	stream.indirect.scatter.add.f32 [tilespmem:s9], [sflag:$0x1], $0x80, s20, s14, $0xb8;
	[tilespmem:$0x18800] =	vst v63  }
0x3b: {  	_ =	swait.ge [sflag:s10], $0x4000  }
0x3c: {  	[sflag:s10] =	ssyncset.done $0x0  }
0x3d: {  	[sflag:s10] =	ssyncadd.s32 $0xFFFFC000  }
0x3e: {  	_ =	swait.ge [sflag:s10], $0x4000  }
0x3f: {  	[sflag:s10] =	ssyncset.done $0x0  }
0x40: {  	[sflag:s10] =	ssyncadd.s32 $0xFFFFC000  }
0x41: {  	_ =	swait.ge [sflag:s10], $0x4000  }
0x42: {  	[sflag:s10] =	ssyncset.done $0x0  }
0x43: {  	[sflag:s10] =	ssyncadd.s32 $0xFFFFC000  }
0x44: {  	_ =	swait.ge [sflag:s10], $0x4000  }
0x45: {  	[sflag:s10] =	ssyncset.done $0x0  }
0x46: {  	[sflag:s10] =	ssyncadd.s32 $0xFFFFC000  }
0x47: {  	[spmem:s3] =	stream.indirect.scatter.add.f32 [tilespmem:s9], [sflag:$0x1], $0x80, s21, s14, $0xb8;
	[tilespmem:$0x18800] =	vst v63  }
0x48: {  	_ = 	snop  }
0x49: {  	[spmem:s3] =	stream.indirect.scatter.add.f32 [tilespmem:s9], [sflag:$0x1], $0x80, s22, s14, $0xb8;
	[tilespmem:$0x18800] =	vst v63  }
0x4a: {  	_ = 	snop  }
0x4b: {  	[spmem:s3] =	stream.indirect.scatter.add.f32 [tilespmem:s9], [sflag:$0x1], $0x80, s23, s14, $0xb8;
	[tilespmem:$0x18800] =	vst v63  }
0x4c: {  	_ = 	snop  }
0x4d: {  	[spmem:s3] =	stream.indirect.scatter.add.f32 [tilespmem:s9], [sflag:$0x1], $0x80, s24, s14, $0xb8;
	[tilespmem:$0x18800] =	vst v63  }
0x4e: {  	_ =	swait.ge [sflag:s10], $0x4000  }
0x4f: {  	[sflag:s10] =	ssyncset.done $0x0  }
0x50: {  	[sflag:s10] =	ssyncadd.s32 $0xFFFFC000  }
0x51: {  	_ =	swait.ge [sflag:s10], $0x4000  }
0x52: {  	[sflag:s10] =	ssyncset.done $0x0  }
0x53: {  	[sflag:s10] =	ssyncadd.s32 $0xFFFFC000  }
0x54: {  	_ =	swait.ge [sflag:s10], $0x4000  }
0x55: {  	[sflag:s10] =	ssyncset.done $0x0  }
0x56: {  	[sflag:s10] =	ssyncadd.s32 $0xFFFFC000  }
0x57: {  	_ =	swait.ge [sflag:s10], $0x4000  }
0x58: {  	[sflag:s10] =	ssyncset.done $0x0  }
0x59: {  	[sflag:s10] =	ssyncadd.s32 $0xFFFFC000  }
0x5a: {  	[spmem:s3] =	stream.indirect.scatter.add.f32 [tilespmem:s9], [sflag:$0x1], $0x80, s25, s14, $0xb8;
	[tilespmem:$0x18800] =	vst v63  }
0x5b: {  	_ = 	snop  }
0x5c: {  	[spmem:s3] =	stream.indirect.scatter.add.f32 [tilespmem:s9], [sflag:$0x1], $0x80, s26, s14, $0xb8;
	[tilespmem:$0x18800] =	vst v63  }
0x5d: {  	_ = 	snop  }
0x5e: {  	[spmem:s3] =	stream.indirect.scatter.add.f32 [tilespmem:s9], [sflag:$0x1], $0x80, s28, s14, $0xb8;
	[tilespmem:$0x18800] =	vst v63  }
0x5f: {  	_ = 	snop  }
0x60: {  	[spmem:s3] =	stream.indirect.scatter.add.f32 [tilespmem:s9], [sflag:$0x1], $0x80, s29, s14, $0xb8;
	[tilespmem:$0x18800] =	vst v63  }
0x61: {  	_ =	swait.ge [sflag:s10], $0x4000  }
0x62: {  	[sflag:s10] =	ssyncset.done $0x0  }
0x63: {  	[sflag:s10] =	ssyncadd.s32 $0xFFFFC000  }
0x64: {  	_ =	swait.ge [sflag:s10], $0x4000  }
0x65: {  	[sflag:s10] =	ssyncset.done $0x0  }
0x66: {  	[sflag:s10] =	ssyncadd.s32 $0xFFFFC000  }
0x67: {  	_ =	swait.ge [sflag:s10], $0x4000  }
0x68: {  	[sflag:s10] =	ssyncset.done $0x0  }
0x69: {  	[sflag:s10] =	ssyncadd.s32 $0xFFFFC000  }
0x6a: {  	_ =	swait.ge [sflag:s10], $0x4000  }
0x6b: {  	s31 =	simm.s32 $0x100;
	s1 =	simm.s32 $0x200;
	[sflag:s10] =	ssyncset.done $0x0  }
.LBB2_2:
0x6c: {  	s2 =	sadd.s32 s31, s8  }
0x6d: {  	[sflag:s10] =	ssyncadd.s32 $0xFFFFC000;
	s31 =	smov.u32 s1;
	s0 =	sadd.s32 $0x100, s1  }
0x6e: {  	[tilespmem:s4], [sflag:$0x2] =	stream.linear.gather [hbm4b:s2+s4], $0x800, $0x38;
	[tilespmem:$0x18800] =	vst v63  }
0x6f: {  	p0 =	sne.s32 s1, $0x400;
	_ =	swait.ge [sflag:s13], $0x800  }
0x70: {  	[sflag:s13] =	ssyncset.done $0x0  }
0x71: {  	[sflag:s13] =	ssyncadd.s32 $0xFFFFF800  }
0x72: {  	[spmem:s3] =	stream.indirect.scatter.add.f32 [tilespmem:s9], [sflag:$0x1], $0x80, s4, s14, $0xb8;
	[tilespmem:$0x18800] =	vst v63  }
0x73: {  	_ = 	snop  }
0x74: {  	[spmem:s3] =	stream.indirect.scatter.add.f32 [tilespmem:s9], [sflag:$0x1], $0x80, s14, s14, $0xb8;
	[tilespmem:$0x18800] =	vst v63  }
0x75: {  	_ = 	snop  }
0x76: {  	[spmem:s3] =	stream.indirect.scatter.add.f32 [tilespmem:s9], [sflag:$0x1], $0x80, s15, s14, $0xb8;
	[tilespmem:$0x18800] =	vst v63  }
0x77: {  	_ = 	snop  }
0x78: {  	[spmem:s3] =	stream.indirect.scatter.add.f32 [tilespmem:s9], [sflag:$0x1], $0x80, s16, s14, $0xb8;
	[tilespmem:$0x18800] =	vst v63  }
0x79: {  	_ =	swait.ge [sflag:s10], $0x4000  }
0x7a: {  	[sflag:s10] =	ssyncset.done $0x0  }
0x7b: {  	[sflag:s10] =	ssyncadd.s32 $0xFFFFC000  }
0x7c: {  	_ =	swait.ge [sflag:s10], $0x4000  }
0x7d: {  	[sflag:s10] =	ssyncset.done $0x0  }
0x7e: {  	[sflag:s10] =	ssyncadd.s32 $0xFFFFC000  }
0x7f: {  	_ =	swait.ge [sflag:s10], $0x4000  }
0x80: {  	[sflag:s10] =	ssyncset.done $0x0  }
0x81: {  	[sflag:s10] =	ssyncadd.s32 $0xFFFFC000  }
0x82: {  	_ =	swait.ge [sflag:s10], $0x4000  }
0x83: {  	[sflag:s10] =	ssyncset.done $0x0  }
0x84: {  	[sflag:s10] =	ssyncadd.s32 $0xFFFFC000  }
0x85: {  	[spmem:s3] =	stream.indirect.scatter.add.f32 [tilespmem:s9], [sflag:$0x1], $0x80, s17, s14, $0xb8;
	[tilespmem:$0x18800] =	vst v63  }
0x86: {  	_ = 	snop  }
0x87: {  	[spmem:s3] =	stream.indirect.scatter.add.f32 [tilespmem:s9], [sflag:$0x1], $0x80, s18, s14, $0xb8;
	[tilespmem:$0x18800] =	vst v63  }
0x88: {  	_ = 	snop  }
0x89: {  	[spmem:s3] =	stream.indirect.scatter.add.f32 [tilespmem:s9], [sflag:$0x1], $0x80, s19, s14, $0xb8;
	[tilespmem:$0x18800] =	vst v63  }
0x8a: {  	_ = 	snop  }
0x8b: {  	[spmem:s3] =	stream.indirect.scatter.add.f32 [tilespmem:s9], [sflag:$0x1], $0x80, s20, s14, $0xb8;
	[tilespmem:$0x18800] =	vst v63  }
0x8c: {  	_ =	swait.ge [sflag:s10], $0x4000  }
0x8d: {  	[sflag:s10] =	ssyncset.done $0x0  }
0x8e: {  	[sflag:s10] =	ssyncadd.s32 $0xFFFFC000  }
0x8f: {  	_ =	swait.ge [sflag:s10], $0x4000  }
0x90: {  	[sflag:s10] =	ssyncset.done $0x0  }
0x91: {  	[sflag:s10] =	ssyncadd.s32 $0xFFFFC000  }
0x92: {  	_ =	swait.ge [sflag:s10], $0x4000  }
0x93: {  	[sflag:s10] =	ssyncset.done $0x0  }
0x94: {  	[sflag:s10] =	ssyncadd.s32 $0xFFFFC000  }
0x95: {  	_ =	swait.ge [sflag:s10], $0x4000  }
0x96: {  	[sflag:s10] =	ssyncset.done $0x0  }
0x97: {  	[sflag:s10] =	ssyncadd.s32 $0xFFFFC000  }
0x98: {  	[spmem:s3] =	stream.indirect.scatter.add.f32 [tilespmem:s9], [sflag:$0x1], $0x80, s21, s14, $0xb8;
	[tilespmem:$0x18800] =	vst v63  }
0x99: {  	_ = 	snop  }
0x9a: {  	[spmem:s3] =	stream.indirect.scatter.add.f32 [tilespmem:s9], [sflag:$0x1], $0x80, s22, s14, $0xb8;
	[tilespmem:$0x18800] =	vst v63  }
0x9b: {  	_ = 	snop  }
0x9c: {  	[spmem:s3] =	stream.indirect.scatter.add.f32 [tilespmem:s9], [sflag:$0x1], $0x80, s23, s14, $0xb8;
	[tilespmem:$0x18800] =	vst v63  }
0x9d: {  	_ = 	snop  }
0x9e: {  	[spmem:s3] =	stream.indirect.scatter.add.f32 [tilespmem:s9], [sflag:$0x1], $0x80, s24, s14, $0xb8;
	[tilespmem:$0x18800] =	vst v63  }
0x9f: {  	_ =	swait.ge [sflag:s10], $0x4000  }
0xa0: {  	[sflag:s10] =	ssyncset.done $0x0  }
0xa1: {  	[sflag:s10] =	ssyncadd.s32 $0xFFFFC000  }
0xa2: {  	_ =	swait.ge [sflag:s10], $0x4000  }
0xa3: {  	[sflag:s10] =	ssyncset.done $0x0  }
0xa4: {  	[sflag:s10] =	ssyncadd.s32 $0xFFFFC000  }
0xa5: {  	_ =	swait.ge [sflag:s10], $0x4000  }
0xa6: {  	[sflag:s10] =	ssyncset.done $0x0  }
0xa7: {  	[sflag:s10] =	ssyncadd.s32 $0xFFFFC000  }
0xa8: {  	_ =	swait.ge [sflag:s10], $0x4000  }
0xa9: {  	[sflag:s10] =	ssyncset.done $0x0  }
0xaa: {  	[sflag:s10] =	ssyncadd.s32 $0xFFFFC000  }
0xab: {  	[spmem:s3] =	stream.indirect.scatter.add.f32 [tilespmem:s9], [sflag:$0x1], $0x80, s25, s14, $0xb8;
	[tilespmem:$0x18800] =	vst v63  }
0xac: {  	_ = 	snop  }
0xad: {  	[spmem:s3] =	stream.indirect.scatter.add.f32 [tilespmem:s9], [sflag:$0x1], $0x80, s26, s14, $0xb8;
	[tilespmem:$0x18800] =	vst v63  }
0xae: {  	_ = 	snop  }
0xaf: {  	[spmem:s3] =	stream.indirect.scatter.add.f32 [tilespmem:s9], [sflag:$0x1], $0x80, s28, s14, $0xb8;
	[tilespmem:$0x18800] =	vst v63  }
0xb0: {  	_ = 	snop  }
0xb1: {  	[spmem:s3] =	stream.indirect.scatter.add.f32 [tilespmem:s9], [sflag:$0x1], $0x80, s29, s14, $0xb8;
	[tilespmem:$0x18800] =	vst v63  }
0xb2: {  	_ =	swait.ge [sflag:s10], $0x4000  }
0xb3: {  	[sflag:s10] =	ssyncset.done $0x0  }
0xb4: {  	[sflag:s10] =	ssyncadd.s32 $0xFFFFC000  }
0xb5: {  	_ =	swait.ge [sflag:s10], $0x4000  }
0xb6: {  	[sflag:s10] =	ssyncset.done $0x0  }
0xb7: {  	[sflag:s10] =	ssyncadd.s32 $0xFFFFC000  }
.Ltmp0:
0xb8: {  	_ =	swait.ge [sflag:s10], $0x4000;
	(pc) =	sbr.rel @p0 .LBB2_2-.Ltmp0, $4  }
0xb9: {  	[sflag:s10] =	ssyncset.done $0x0  }
0xba: {  	[sflag:s10] =	ssyncadd.s32 $0xFFFFC000  }
0xbb: {  	_ =	swait.ge [sflag:s10], $0x4000  }
0xbc: {  	s1 =	smov.u32 s0;
	[sflag:s10] =	ssyncset.done $0x0  }
0xbd: {  	s0 =	sadd.s32 s31, s8;
	[sflag:s10] =	ssyncadd.s32 $0xFFFFC000  }
0xbe: {  	[tilespmem:s4], [sflag:$0x2] =	stream.linear.gather [hbm4b:s0+s4], $0x800, $0x38;
	[tilespmem:$0x18800] =	vst v63  }
0xbf: {  	_ =	swait.ge [sflag:s13], $0x800  }
0xc0: {  	[sflag:s13] =	ssyncset.done $0x0  }
0xc1: {  	[sflag:s13] =	ssyncadd.s32 $0xFFFFF800  }
0xc2: {  	[spmem:s3] =	stream.indirect.scatter.add.f32 [tilespmem:s9], [sflag:$0x1], $0x80, s4, s14, $0xb8;
	[tilespmem:$0x18800] =	vst v63  }
0xc3: {  	_ = 	snop  }
0xc4: {  	[spmem:s3] =	stream.indirect.scatter.add.f32 [tilespmem:s9], [sflag:$0x1], $0x80, s14, s14, $0xb8;
	[tilespmem:$0x18800] =	vst v63  }
0xc5: {  	_ = 	snop  }
0xc6: {  	[spmem:s3] =	stream.indirect.scatter.add.f32 [tilespmem:s9], [sflag:$0x1], $0x80, s15, s14, $0xb8;
	[tilespmem:$0x18800] =	vst v63  }
0xc7: {  	_ = 	snop  }
0xc8: {  	[spmem:s3] =	stream.indirect.scatter.add.f32 [tilespmem:s9], [sflag:$0x1], $0x80, s16, s14, $0xb8;
	[tilespmem:$0x18800] =	vst v63  }
0xc9: {  	_ =	swait.ge [sflag:s10], $0x4000  }
0xca: {  	[sflag:s10] =	ssyncset.done $0x0  }
0xcb: {  	[sflag:s10] =	ssyncadd.s32 $0xFFFFC000  }
0xcc: {  	_ =	swait.ge [sflag:s10], $0x4000  }
0xcd: {  	[sflag:s10] =	ssyncset.done $0x0  }
0xce: {  	[sflag:s10] =	ssyncadd.s32 $0xFFFFC000  }
0xcf: {  	_ =	swait.ge [sflag:s10], $0x4000  }
0xd0: {  	[sflag:s10] =	ssyncset.done $0x0  }
0xd1: {  	[sflag:s10] =	ssyncadd.s32 $0xFFFFC000  }
0xd2: {  	_ =	swait.ge [sflag:s10], $0x4000  }
0xd3: {  	[sflag:s10] =	ssyncset.done $0x0  }
0xd4: {  	[sflag:s10] =	ssyncadd.s32 $0xFFFFC000  }
0xd5: {  	[spmem:s3] =	stream.indirect.scatter.add.f32 [tilespmem:s9], [sflag:$0x1], $0x80, s17, s14, $0xb8;
	[tilespmem:$0x18800] =	vst v63  }
0xd6: {  	_ = 	snop  }
0xd7: {  	[spmem:s3] =	stream.indirect.scatter.add.f32 [tilespmem:s9], [sflag:$0x1], $0x80, s18, s14, $0xb8;
	[tilespmem:$0x18800] =	vst v63  }
0xd8: {  	_ = 	snop  }
0xd9: {  	[spmem:s3] =	stream.indirect.scatter.add.f32 [tilespmem:s9], [sflag:$0x1], $0x80, s19, s14, $0xb8;
	[tilespmem:$0x18800] =	vst v63  }
0xda: {  	_ = 	snop  }
0xdb: {  	[spmem:s3] =	stream.indirect.scatter.add.f32 [tilespmem:s9], [sflag:$0x1], $0x80, s20, s14, $0xb8;
	[tilespmem:$0x18800] =	vst v63  }
0xdc: {  	_ =	swait.ge [sflag:s10], $0x4000  }
0xdd: {  	[sflag:s10] =	ssyncset.done $0x0  }
0xde: {  	[sflag:s10] =	ssyncadd.s32 $0xFFFFC000  }
0xdf: {  	_ =	swait.ge [sflag:s10], $0x4000  }
0xe0: {  	[sflag:s10] =	ssyncset.done $0x0  }
0xe1: {  	[sflag:s10] =	ssyncadd.s32 $0xFFFFC000  }
0xe2: {  	_ =	swait.ge [sflag:s10], $0x4000  }
0xe3: {  	[sflag:s10] =	ssyncset.done $0x0  }
0xe4: {  	[sflag:s10] =	ssyncadd.s32 $0xFFFFC000  }
0xe5: {  	_ =	swait.ge [sflag:s10], $0x4000  }
0xe6: {  	[sflag:s10] =	ssyncset.done $0x0  }
0xe7: {  	[sflag:s10] =	ssyncadd.s32 $0xFFFFC000  }
0xe8: {  	[spmem:s3] =	stream.indirect.scatter.add.f32 [tilespmem:s9], [sflag:$0x1], $0x80, s21, s14, $0xb8;
	[tilespmem:$0x18800] =	vst v63  }
0xe9: {  	_ = 	snop  }
0xea: {  	[spmem:s3] =	stream.indirect.scatter.add.f32 [tilespmem:s9], [sflag:$0x1], $0x80, s22, s14, $0xb8;
	[tilespmem:$0x18800] =	vst v63  }
0xeb: {  	_ = 	snop  }
0xec: {  	[spmem:s3] =	stream.indirect.scatter.add.f32 [tilespmem:s9], [sflag:$0x1], $0x80, s23, s14, $0xb8;
	[tilespmem:$0x18800] =	vst v63  }
0xed: {  	_ = 	snop  }
0xee: {  	[spmem:s3] =	stream.indirect.scatter.add.f32 [tilespmem:s9], [sflag:$0x1], $0x80, s24, s14, $0xb8;
	[tilespmem:$0x18800] =	vst v63  }
0xef: {  	_ =	swait.ge [sflag:s10], $0x4000  }
0xf0: {  	[sflag:s10] =	ssyncset.done $0x0  }
0xf1: {  	[sflag:s10] =	ssyncadd.s32 $0xFFFFC000  }
0xf2: {  	_ =	swait.ge [sflag:s10], $0x4000  }
0xf3: {  	[sflag:s10] =	ssyncset.done $0x0  }
0xf4: {  	[sflag:s10] =	ssyncadd.s32 $0xFFFFC000  }
0xf5: {  	_ =	swait.ge [sflag:s10], $0x4000  }
0xf6: {  	[sflag:s10] =	ssyncset.done $0x0  }
0xf7: {  	[sflag:s10] =	ssyncadd.s32 $0xFFFFC000  }
0xf8: {  	_ =	swait.ge [sflag:s10], $0x4000  }
0xf9: {  	[sflag:s10] =	ssyncset.done $0x0  }
0xfa: {  	[sflag:s10] =	ssyncadd.s32 $0xFFFFC000  }
0xfb: {  	[spmem:s3] =	stream.indirect.scatter.add.f32 [tilespmem:s9], [sflag:$0x1], $0x80, s25, s14, $0xb8;
	[tilespmem:$0x18800] =	vst v63  }
0xfc: {  	_ = 	snop  }
0xfd: {  	[spmem:s3] =	stream.indirect.scatter.add.f32 [tilespmem:s9], [sflag:$0x1], $0x80, s26, s14, $0xb8;
	[tilespmem:$0x18800] =	vst v63  }
0xfe: {  	_ = 	snop  }
0xff: {  	[spmem:s3] =	stream.indirect.scatter.add.f32 [tilespmem:s9], [sflag:$0x1], $0x80, s28, s14, $0xb8;
	[tilespmem:$0x18800] =	vst v63  }
0x100: {  	_ = 	snop  }
0x101: {  	[spmem:s3] =	stream.indirect.scatter.add.f32 [tilespmem:s9], [sflag:$0x1], $0x80, s29, s14, $0xb8;
	[tilespmem:$0x18800] =	vst v63  }
0x102: {  	_ =	swait.ge [sflag:s10], $0x4000  }
0x103: {  	[sflag:s10] =	ssyncset.done $0x0  }
0x104: {  	[sflag:s10] =	ssyncadd.s32 $0xFFFFC000  }
0x105: {  	_ =	swait.ge [sflag:s10], $0x4000  }
0x106: {  	[sflag:s10] =	ssyncset.done $0x0  }
0x107: {  	[sflag:s10] =	ssyncadd.s32 $0xFFFFC000  }
0x108: {  	_ =	swait.ge [sflag:s10], $0x4000  }
0x109: {  	[sflag:s10] =	ssyncset.done $0x0  }
0x10a: {  	[sflag:s10] =	ssyncadd.s32 $0xFFFFC000  }
0x10b: {  	_ =	swait.ge [sflag:s10], $0x4000  }
0x10c: {  	s30 =	sadd.s32 $0x1, s30;
	[sflag:s10] =	ssyncset.done $0x0  }
0x10d: {  	p0 =	sne.s32 s30, s7;
	[sflag:s10] =	ssyncadd.s32 $0xFFFFC000  }
.Ltmp1:
0x10e: {  	[bflag:$0x0] =	sbarrier.arrive $0xFFFF;
	(pc) =	sbr.rel @p0 .LBB2_1-.Ltmp1, $4  }
0x10f: {  	[hbm:s6], [sflag:s11] =	dma.local [spmem:s12], $0x2800  }
0x110: {  	_ =	swait.ge [sflag:s10], $0x2800  }
0x111: {  	[sflag:s10] =	ssyncset.done $0x0  }
0x112: {  	[sflag:s10] =	ssyncadd.s32 $0xFFFFD800  }
0x113: {  	_ =	sfence.sel $0x180000  }
0x114: {  	[bflag:$0x0] =	sbarrier.arrive $0xFFFF  }
0x115: {  	_ =	strace $0x90000047  }
0x116: {  	s0 =	stileid.u32;
	[bflag:$0x2] =	sbarrier.arrive $0xFFFF  }
0x117: {  	p0 =	sne.s32 s0, $0x0;
	s0 =	rddreg [dreg:$0x3]  }
0x118: {  	s0 =	sadd.s32 @!p0 $0x100000, s0  }
0x119: {  	[sflag:s0] =	ssyncadd.tile.s32 @!p0 $0x1;
	_ =	shalt  }
.Lfunc_end2:
_tile_overlayer_lowered:
.L_overlay_start_2:
0x11a: {  	(tag) =	ssettag $0x2  }
0x11b: {  	s0 =	rddreg [dreg:$0x0];
	s2 =	stileid.u32  }
0x11c: {  	s1 =	rddreg [dreg:$0x1];
	p0 =	sne.s32 s2, $0x0  }
0x11d: {  	s3 =	rddreg [dreg:$0x2];
	[bflag:$0x3] =	sbarrier.arrive $0xFFFF;
	s2 =	simm.s32 @!p0 $0x1C01  }
0x11e: {  	[timem:s3], [sflag:s2] =	dma.local @!p0 [hbm:s0], s1  }
0x11f: {  	s0 =	simm.s32 @!p0 $0x1  }
0x120: {  	_ =	swait.ge @!p0 [sflag:s0], s1  }
0x121: {  	s1 =	ssub.s32 @!p0 $0x0, s1;
	[sflag:s0] =	ssyncset.done @!p0 $0x0  }
0x122: {  	[sflag:s0] =	ssyncadd.s32 @!p0 s1  }
0x123: {  	[bflag:$0x3] =	sbarrier.arrive $0xFFFF  }
0x124: {  	_ =	shalt  }

</sc_bundles>
